<compile_context>
chip_gen: v7x
topology: tpu7x:2x2x1
jax: 0.10.2.dev20260603
libtpu: 0.0.44.dev20260713+nightly
codegen_flags: <defaults>
</compile_context>

<pallas_src>
import functools

import jax
import jax.numpy as jnp
from jax import lax
from jax.experimental import pallas as pl
from jax.experimental.pallas import tpu as pltpu
from jax.experimental.pallas import tpu_sc as plsc

NC = 2
NS = 16
NW = NC * NS
CHUNK = 128


def _sc_mesh():
    return plsc.VectorSubcoreMesh(
        core_axis_name="c", subcore_axis_name="s", num_cores=NC,
        num_subcores=NS)


def _degree_kernel(np_rows, ct, dg_out, dg_in):
    rows_pt = np_rows // NS

    @functools.partial(
        pl.kernel,
        out_type=jax.ShapeDtypeStruct((NC, np_rows, 16), jnp.float32),
        mesh=_sc_mesh(),
        scratch_types=[
            pltpu.VMEM((dg_in, CHUNK), jnp.int32),
            pltpu.VMEM((CHUNK, 16), jnp.float32),
            pltpu.VMEM_SHARED((np_rows, 16), jnp.float32),
            pltpu.SemaphoreType.DMA,
        ],
        compiler_params=pltpu.CompilerParams(use_tc_tiling_on_sc=False),
    )
    def deg_kernel(src_hbm, zeros_hbm, ones_hbm, out_hbm, idx_v, ones_v,
                   acc_sh, ssem):
        c = lax.axis_index("c")
        s = lax.axis_index("s")
        wid = c * NS + s
        pltpu.sync_copy(zeros_hbm.at[pl.ds(s * rows_pt, rows_pt)],
                        acc_sh.at[pl.ds(s * rows_pt, rows_pt)])
        pltpu.sync_copy(ones_hbm, ones_v)
        plsc.subcore_barrier()
        base = wid * ct

        @pl.loop(0, dg_out)
        def _(o):
            pltpu.sync_copy(src_hbm.at[pl.ds(base + o * dg_in, dg_in)],
                            idx_v)

            @pl.loop(0, dg_in)
            def _(j):
                pltpu.async_copy(ones_v, acc_sh.at[idx_v.at[j]], ssem,
                                 add=True)

            @pl.loop(0, dg_in)
            def _(j):
                pltpu.make_async_copy(ones_v, acc_sh.at[idx_v.at[0]],
                                      ssem).wait()

        plsc.subcore_barrier()
        pltpu.sync_copy(acc_sh.at[pl.ds(s * rows_pt, rows_pt)],
                        out_hbm.at[c, pl.ds(s * rows_pt, rows_pt)])

    return deg_kernel


def _aggregate_kernel(np_rows, ct, ct_out, ct_in):
    rows_pt = np_rows // NS
    ngrp = ct_in // 4

    @functools.partial(
        pl.kernel,
        out_type=jax.ShapeDtypeStruct((NC, np_rows, 16), jnp.float32),
        mesh=_sc_mesh(),
        scratch_types=[
            pltpu.VMEM((ct_in, CHUNK), jnp.int32),
            pltpu.VMEM((ct_in, CHUNK), jnp.int32),
            pltpu.VMEM((4, CHUNK, 16), jnp.float32),
            pltpu.VMEM_SHARED((np_rows, 16), jnp.float32),
            [pltpu.SemaphoreType.DMA] * 4,
            [pltpu.SemaphoreType.DMA] * 4,
        ],
        compiler_params=pltpu.CompilerParams(use_tc_tiling_on_sc=False),
    )
    def agg_kernel(table_hbm, src_hbm, dst_hbm, zeros_hbm, out_hbm,
                   sidx_v, didx_v, rows_v, acc_sh, gsems, ssems):
        c = lax.axis_index("c")
        s = lax.axis_index("s")
        wid = c * NS + s
        pltpu.sync_copy(zeros_hbm.at[pl.ds(s * rows_pt, rows_pt)],
                        acc_sh.at[pl.ds(s * rows_pt, rows_pt)])
        plsc.subcore_barrier()
        base = wid * ct

        def gather(j, k):
            pltpu.async_copy(table_hbm.at[sidx_v.at[j]], rows_v.at[k],
                             gsems[k])

        def scatter(j, k):
            pltpu.async_copy(rows_v.at[k], acc_sh.at[didx_v.at[j]],
                             ssems[k], add=True)

        def wait_gather(k):
            pltpu.make_async_copy(table_hbm.at[sidx_v.at[0]], rows_v.at[k],
                                  gsems[k]).wait()

        def wait_scatter(k):
            pltpu.make_async_copy(rows_v.at[k], acc_sh.at[didx_v.at[0]],
                                  ssems[k]).wait()

        @pl.loop(0, ct_out)
        def _(o):
            pltpu.sync_copy(src_hbm.at[pl.ds(base + o * ct_in, ct_in)],
                            sidx_v)
            pltpu.sync_copy(dst_hbm.at[pl.ds(base + o * ct_in, ct_in)],
                            didx_v)
            for k in (0, 1):
                @pl.when(o > 0)
                def _():
                    wait_scatter(k)
                gather(k, k)

            @pl.loop(0, ngrp)
            def _(g):
                for k in range(4):
                    j = 4 * g + k
                    jn = j + 2
                    kn = (k + 2) % 4

                    @pl.when(jn < ct_in)
                    def _():
                        @pl.when((j >= 2) | (o > 0))
                        def _():
                            wait_scatter(kn)
                        gather(jn, kn)

                    wait_gather(k)
                    scatter(j, k)

        for k in range(4):
            wait_scatter(k)
        plsc.subcore_barrier()
        pltpu.sync_copy(acc_sh.at[pl.ds(s * rows_pt, rows_pt)],
                        out_hbm.at[c, pl.ds(s * rows_pt, rows_pt)])

    return agg_kernel


def _split(a):
    hi = a.astype(jnp.bfloat16)
    lo = (a - hi.astype(jnp.float32)).astype(jnp.bfloat16)
    return hi, lo


def _dot_sel(d, s_bf):
    dh, dl = _split(d)
    return (jnp.dot(dh, s_bf, preferred_element_type=jnp.float32)
            + jnp.dot(dl, s_bf, preferred_element_type=jnp.float32))


def _dot_w(t, wh, wl):
    th, tl = _split(t)
    return (jnp.dot(th, wh, preferred_element_type=jnp.float32)
            + jnp.dot(th, wl, preferred_element_type=jnp.float32)
            + jnp.dot(tl, wh, preferred_element_type=jnp.float32))



def _phase_b(degp, featp, s0, gp, blk):

    def body(d0_ref, d1_ref, f_ref, s0_ref, xn_ref, ns_ref):
        d = d0_ref[0] + d1_ref[0]
        nsp = lax.rsqrt(jnp.maximum(_dot_sel(d, s0_ref[...]), 1.0))
        lane = lax.broadcasted_iota(jnp.int32, (blk, 128), 1)
        xn_ref[...] = f_ref[...] * jnp.where(lane % 16 < 10, nsp, 1.0)
        ns_ref[...] = nsp

    spec3a = pl.BlockSpec((1, blk, 128), lambda i: (0, i, 0))
    spec3b = pl.BlockSpec((1, blk, 128), lambda i: (1, i, 0))
    spec = pl.BlockSpec((blk, 128), lambda i: (i, 0))
    cspec = pl.BlockSpec((128, 128), lambda i: (0, 0))
    return pl.pallas_call(
        body,
        grid=(gp // blk,),
        in_specs=[spec3a, spec3b, spec, cspec],
        out_specs=[spec, spec],
        out_shape=[jax.ShapeDtypeStruct((gp, 128), jnp.float32),
                   jax.ShapeDtypeStruct((gp, 128), jnp.float32)],
    )(degp, degp, featp, s0)


def _phase_d(accp, nsp, s10, w1h, w1l, b1big, gp, blk):

    def body(a0_ref, a1_ref, ns_ref, s10_ref, wh_ref, wl_ref, b_ref,
             h_ref, nd_ref):
        sagg = a0_ref[0] + a1_ref[0]
        ndp = lax.rsqrt(jnp.maximum(_dot_sel(sagg, s10_ref[...]), 1.0))
        h = _dot_w(sagg * ndp, wh_ref[...], wl_ref[...])
        h = jnp.maximum(h + b_ref[0:1, :], 0.0)
        h_ref[...] = h * ns_ref[...]
        nd_ref[...] = ndp

    spec3a = pl.BlockSpec((1, blk, 128), lambda i: (0, i, 0))
    spec3b = pl.BlockSpec((1, blk, 128), lambda i: (1, i, 0))
    spec = pl.BlockSpec((blk, 128), lambda i: (i, 0))
    cspec = pl.BlockSpec((128, 128), lambda i: (0, 0))
    bspec = pl.BlockSpec((8, 128), lambda i: (0, 0))
    return pl.pallas_call(
        body,
        grid=(gp // blk,),
        in_specs=[spec3a, spec3b, spec, cspec, cspec, cspec, bspec],
        out_specs=[spec, spec],
        out_shape=[jax.ShapeDtypeStruct((gp, 128), jnp.float32),
                   jax.ShapeDtypeStruct((gp, 128), jnp.float32)],
    )(accp, accp, nsp, s10, w1h, w1l, b1big)


def _phase_f(accp, ndp, w2h, w2l, b2big, gp, blk):

    def body(a0_ref, a1_ref, nd_ref, wh_ref, wl_ref, b_ref, o_ref):
        sagg = (a0_ref[0] + a1_ref[0]) * nd_ref[...]
        o_ref[...] = _dot_w(sagg, wh_ref[...], wl_ref[...]) + b_ref[0:1, :]

    spec3a = pl.BlockSpec((1, blk, 128), lambda i: (0, i, 0))
    spec3b = pl.BlockSpec((1, blk, 128), lambda i: (1, i, 0))
    spec = pl.BlockSpec((blk, 128), lambda i: (i, 0))
    cspec = pl.BlockSpec((128, 128), lambda i: (0, 0))
    bspec = pl.BlockSpec((8, 128), lambda i: (0, 0))
    return pl.pallas_call(
        body,
        grid=(gp // blk,),
        in_specs=[spec3a, spec3b, spec, cspec, cspec, bspec],
        out_specs=spec,
        out_shape=jax.ShapeDtypeStruct((gp, 128), jnp.float32),
    )(accp, accp, ndp, w2h, w2l, b2big)


@jax.jit
def kernel(features, edge_index, W1, b1, W2, b2):
    n = features.shape[0]
    e = edge_index.shape[1]

    np_rows = ((n + 1 + 16 * 8 - 1) // (16 * 8)) * (16 * 8)
    while (np_rows // NS) % 8 != 0:
        np_rows += 16
    ct = -(-e // (NW * CHUNK))
    ct_in = 56
    ct = -(-ct // ct_in) * ct_in
    ct_out = ct // ct_in
    dg_in = 112
    dg_out = ct // dg_in
    ep = NW * ct * CHUNK
    pad = ep - e

    src = edge_index[0]
    dst = edge_index[1]
    padv = jnp.full((pad,), n, jnp.int32)
    src_p = jnp.concatenate([src, padv]).reshape(ep // CHUNK, CHUNK)
    dst_p = jnp.concatenate([dst, padv]).reshape(ep // CHUNK, CHUNK)

    zeros_hbm = jnp.zeros((np_rows, 16), jnp.float32)
    ones_hbm = jnp.ones((CHUNK, 16), jnp.float32)

    gp = np_rows // 8
    blk = gp // 4

    ii = jnp.arange(128)[:, None]
    jj = jnp.arange(128)[None, :]
    s0 = ((jj // 16) * 16 == ii).astype(jnp.bfloat16)
    s10 = ((jj // 16) * 16 + 10 == ii).astype(jnp.bfloat16)
    w1p = jnp.zeros((16, 16), jnp.float32).at[:10, :].set(W1)
    w1big = jnp.kron(jnp.eye(8, dtype=jnp.float32), w1p)
    w1h = w1big.astype(jnp.bfloat16)
    w1l = (w1big - w1h.astype(jnp.float32)).astype(jnp.bfloat16)
    b1big = jnp.broadcast_to(jnp.tile(b1, 8).reshape(1, 128), (8, 128))
    w2p = jnp.zeros((16, 16), jnp.float32).at[:, :2].set(W2)
    w2big = jnp.kron(jnp.eye(8, dtype=jnp.float32), w2p)
    w2h = w2big.astype(jnp.bfloat16)
    w2l = (w2big - w2h.astype(jnp.float32)).astype(jnp.bfloat16)
    b2big = jnp.broadcast_to(
        jnp.tile(jnp.zeros((16,), jnp.float32).at[:2].set(b2),
                 8).reshape(1, 128), (8, 128))

    featp = jnp.concatenate(
        [features, jnp.ones((n, 1), jnp.float32),
         jnp.zeros((n, 5), jnp.float32)], axis=1)
    featp = jnp.concatenate(
        [featp, jnp.zeros((np_rows - n, 16), jnp.float32)]).reshape(gp, 128)

    degp = _degree_kernel(np_rows, ct, dg_out, dg_in)(
        src_p, zeros_hbm, ones_hbm)
    degpp = degp.reshape(NC, gp, 128)

    xnp_, nsp = _phase_b(degpp, featp, s0, gp, blk)

    agg_fn = _aggregate_kernel(np_rows, ct, ct_out, ct_in)
    acc1 = agg_fn(xnp_.reshape(np_rows, 16), src_p, dst_p, zeros_hbm)

    h1np, ndp = _phase_d(acc1.reshape(NC, gp, 128), nsp, s10, w1h, w1l,
                         b1big, gp, blk)

    acc2 = agg_fn(h1np.reshape(np_rows, 16), src_p, dst_p, zeros_hbm)

    outp = _phase_f(acc2.reshape(NC, gp, 128), ndp, w2h, w2l, b2big, gp, blk)
    return outp.reshape(np_rows, 16)[:n, :2]

# --- scband reference (transcript-rebuilt; emitter-appended) ---
"""Pipeline reference for scband-gnnmodel-82454782149017 (READ-ONLY COPY).

The authoritative reference and input builder live on the scoring server;
editing this copy changes nothing except your own understanding.
"""

import jax, jax.numpy as jnp
import numpy as np


def graph_conv(x, edge_index, W, b):
    # DGL GraphConv with norm='both': D_out^{-1/2} on src, sum-aggregate, D_in^{-1/2} on dst, then linear.
    src = edge_index[0]
    dst = edge_index[1]
    N = x.shape[0]
    E = edge_index.shape[1]
    ones = jnp.ones((E,), dtype=x.dtype)
    out_deg = jnp.zeros((N,), dtype=x.dtype).at[src].add(ones)
    in_deg = jnp.zeros((N,), dtype=x.dtype).at[dst].add(ones)
    norm_src = jnp.clip(out_deg, 1.0, None) ** -0.5
    norm_dst = jnp.clip(in_deg, 1.0, None) ** -0.5
    h = x * norm_src[:, None]
    h = h @ W
    agg = jnp.zeros((N, h.shape[1]), dtype=h.dtype).at[dst].add(h[src])
    return agg * norm_dst[:, None] + b


def setup_inputs(seed: int = 0) -> dict:
    key = jax.random.key(seed)
    k1, k2, k3, k4, k5, k6 = jax.random.split(key, 6)
    N = 100000
    E = 3200000
    features = jax.random.normal(k1, (N, 10), dtype=jnp.float32)
    edge_index = jax.random.randint(k2, (2, E), 0, N, dtype=jnp.int32)
    # Glorot-uniform style init for GraphConv weights
    lim1 = float(np.sqrt(6.0 / (10 + 16)))
    lim2 = float(np.sqrt(6.0 / (16 + 2)))
    W1 = jax.random.uniform(k3, (10, 16), jnp.float32, -lim1, lim1)
    b1 = jnp.zeros((16,), dtype=jnp.float32)
    W2 = jax.random.uniform(k4, (16, 2), jnp.float32, -lim2, lim2)
    b2 = jnp.zeros((2,), dtype=jnp.float32)
    return {"features": features, "edge_index": edge_index, "W1": W1, "b1": b1, "W2": W2, "b2": b2}


def reference(features, edge_index, W1, b1, W2, b2):
    h = jax.nn.relu(graph_conv(features, edge_index, W1, b1))
    out = graph_conv(h, edge_index, W2, b2)
    return out

if __name__ == "__main__":
    import jax
    _d = setup_inputs()
    print(jax.jit(kernel)(*tuple(_d.values())))

</pallas_src>

<mosaic_0001>
#map = affine_map<(d0, d1) -> (0, 0)>
#map1 = affine_map<(d0, d1) -> (0, 0, 0)>
module attributes {stable_mosaic.version = 14 : i64} {
  func.func @deg_kernel(%arg0: i32, %arg1: i32, %arg2: memref<25088x128xi32, #tpu.memory_space<hbm>>, %arg3: memref<100096x16xf32, #tpu.memory_space<hbm>>, %arg4: memref<128x16xf32, #tpu.memory_space<hbm>>, %arg5: memref<2x100096x16xf32, #tpu.memory_space<hbm>>, %arg6: memref<112x128xi32, #tpu.memory_space<vmem>>, %arg7: memref<128x16xf32, #tpu.memory_space<vmem>>, %arg8: memref<100096x16xf32, #tpu.memory_space<vmem_shared>>, %arg9: memref<!tpu.dma_semaphore, #tpu.memory_space<semaphore_mem>>) attributes {dimension_semantics = [#tpu.dimension_semantics<core_parallel>, #tpu.dimension_semantics<subcore_parallel>], iteration_bounds = array<i64: 2, 16>, scalar_prefetch = 0 : i64, scratch_operands = 4 : i64, tpu.core_type = #tpu.core_type<sc_vector_subcore>, window_params = [{transform_indices = #map}, {transform_indices = #map}, {transform_indices = #map}, {transform_indices = #map1}]} {
    %mul3A = arith.constant 16 : i32
    %mul3A_0 = arith.muli %arg0, %mul3A : i32
    %add3A = arith.addi %mul3A_0, %arg1 : i32
    %mul3A_1 = arith.constant 6256 : i32
    %mul3A_2 = arith.muli %arg1, %mul3A_1 : i32
    %mul3A_3 = arith.constant 6256 : i32
    %mul3A_4 = arith.muli %arg1, %mul3A_3 : i32
    "tpu.region"() ({
      %run_scoped3A = tpu.sem_alloc : memref<!tpu.dma_semaphore, #tpu.memory_space<semaphore_mem>>
      %dma_start3A = arith.constant 0 : i32
      %dma_start3A_16 = tpu.memref_slice %arg8[%mul3A_4, %dma_start3A] : memref<100096x16xf32, #tpu.memory_space<vmem_shared>> -> memref<6256x16xf32, #tpu.memory_space<vmem_shared>>
      %dma_start3A_17 = arith.constant 0 : i32
      %dma_start3A_18 = tpu.memref_slice %arg3[%mul3A_2, %dma_start3A_17] : memref<100096x16xf32, #tpu.memory_space<hbm>> -> memref<6256x16xf32, #tpu.memory_space<hbm>>
      tpu.enqueue_dma source(%dma_start3A_18 : memref<6256x16xf32, #tpu.memory_space<hbm>>) target(%dma_start3A_16 : memref<6256x16xf32, #tpu.memory_space<vmem_shared>>) target_semaphore(%run_scoped3A : memref<!tpu.dma_semaphore, #tpu.memory_space<semaphore_mem>>)
      %dma_wait3A = arith.constant 0 : i32
      %dma_wait3A_19 = tpu.memref_slice %arg8[%mul3A_4, %dma_wait3A] : memref<100096x16xf32, #tpu.memory_space<vmem_shared>> -> memref<6256x16xf32, #tpu.memory_space<vmem_shared>>
      %dma_wait3A_20 = arith.constant 0 : i32
      %dma_wait3A_21 = tpu.memref_slice %arg3[%mul3A_2, %dma_wait3A_20] : memref<100096x16xf32, #tpu.memory_space<hbm>> -> memref<6256x16xf32, #tpu.memory_space<hbm>>
      tpu.wait_dma2 semaphore(%run_scoped3A : memref<!tpu.dma_semaphore, #tpu.memory_space<semaphore_mem>>) src(%dma_wait3A_21 : memref<6256x16xf32, #tpu.memory_space<hbm>>) dst(%dma_wait3A_19 : memref<6256x16xf32, #tpu.memory_space<vmem_shared>>)
      tpu.yield
    }) : () -> ()
    "tpu.region"() ({
      %run_scoped3A = tpu.sem_alloc : memref<!tpu.dma_semaphore, #tpu.memory_space<semaphore_mem>>
      tpu.enqueue_dma source(%arg4 : memref<128x16xf32, #tpu.memory_space<hbm>>) target(%arg7 : memref<128x16xf32, #tpu.memory_space<vmem>>) target_semaphore(%run_scoped3A : memref<!tpu.dma_semaphore, #tpu.memory_space<semaphore_mem>>)
      tpu.wait_dma2 semaphore(%run_scoped3A : memref<!tpu.dma_semaphore, #tpu.memory_space<semaphore_mem>>) src(%arg4 : memref<128x16xf32, #tpu.memory_space<hbm>>) dst(%arg7 : memref<128x16xf32, #tpu.memory_space<vmem>>)
      tpu.yield
    }) : () -> ()
    %barrier3A = arith.constant 0 : index
    tpu.barrier barrier_id(%barrier3A)
    %mul3A_5 = arith.constant 784 : i32
    %mul3A_6 = arith.muli %add3A, %mul3A_5 : i32
    %scan3A = arith.constant 0 : i32
    %scan3A_7 = arith.constant 7 : i32
    %scan3A_8 = arith.addi %scan3A, %scan3A_7 : i32
    %scan3A_9 = arith.constant 1 : i32
    scf.for %scan3A_16 = %scan3A to %scan3A_8 step %scan3A_9  : i32 {
      %mul3A_17 = arith.constant 1 : i32
      %mul3A_18 = arith.muli %scan3A_16, %mul3A_17 : i32
      %add3A_19 = arith.constant 0 : i32
      %add3A_20 = arith.addi %add3A_19, %mul3A_18 : i32
      %mul3A_21 = arith.constant 112 : i32
      %mul3A_22 = arith.muli %add3A_20, %mul3A_21 : i32
      %add3A_23 = arith.addi %mul3A_6, %mul3A_22 : i32
      "tpu.region"() ({
        %run_scoped3A = tpu.sem_alloc : memref<!tpu.dma_semaphore, #tpu.memory_space<semaphore_mem>>
        %dma_start3A = arith.constant 0 : i32
        %dma_start3A_34 = tpu.memref_slice %arg2[%add3A_23, %dma_start3A] : memref<25088x128xi32, #tpu.memory_space<hbm>> -> memref<112x128xi32, #tpu.memory_space<hbm>>
        %dma_start3A_35 = arith.constant 0 : i32
        %dma_start3A_36 = tpu.memref_slice %arg2[%add3A_23, %dma_start3A_35] : memref<25088x128xi32, #tpu.memory_space<hbm>> -> memref<112x128xi32, #tpu.memory_space<hbm>>
        tpu.enqueue_dma source(%dma_start3A_36 : memref<112x128xi32, #tpu.memory_space<hbm>>) target(%arg6 : memref<112x128xi32, #tpu.memory_space<vmem>>) target_semaphore(%run_scoped3A : memref<!tpu.dma_semaphore, #tpu.memory_space<semaphore_mem>>)
        %dma_wait3A = arith.constant 0 : i32
        %dma_wait3A_37 = tpu.memref_slice %arg2[%add3A_23, %dma_wait3A] : memref<25088x128xi32, #tpu.memory_space<hbm>> -> memref<112x128xi32, #tpu.memory_space<hbm>>
        %dma_wait3A_38 = arith.constant 0 : i32
        %dma_wait3A_39 = tpu.memref_slice %arg2[%add3A_23, %dma_wait3A_38] : memref<25088x128xi32, #tpu.memory_space<hbm>> -> memref<112x128xi32, #tpu.memory_space<hbm>>
        tpu.wait_dma2 semaphore(%run_scoped3A : memref<!tpu.dma_semaphore, #tpu.memory_space<semaphore_mem>>) src(%dma_wait3A_39 : memref<112x128xi32, #tpu.memory_space<hbm>>) dst(%arg6 : memref<112x128xi32, #tpu.memory_space<vmem>>)
        tpu.yield
      }) : () -> ()
      %scan3A_24 = arith.constant 0 : i32
      %scan3A_25 = arith.constant 112 : i32
      %scan3A_26 = arith.addi %scan3A_24, %scan3A_25 : i32
      %scan3A_27 = arith.constant 1 : i32
      scf.for %scan3A_34 = %scan3A_24 to %scan3A_26 step %scan3A_27  : i32 {
        %mul3A_35 = arith.constant 1 : i32
        %mul3A_36 = arith.muli %scan3A_34, %mul3A_35 : i32
        %add3A_37 = arith.constant 0 : i32
        %add3A_38 = arith.addi %add3A_37, %mul3A_36 : i32
        %dma_start3A = arith.constant 0 : i32
        %dma_start3A_39 = tpu.memref_slice %arg6[%add3A_38, %dma_start3A] : memref<112x128xi32, #tpu.memory_space<vmem>> -> memref<1x128xi32, #tpu.memory_space<vmem>>
        %dma_start3A_40 = tpu.memref_squeeze %dma_start3A_39 : memref<1x128xi32, #tpu.memory_space<vmem>> -> memref<128xi32, #tpu.memory_space<vmem>>
        %dma_start3A_41 = arith.constant 0 : i32
        %dma_start3A_42 = arith.constant 0 : i32
        %dma_start3A_43 = tpu.memref_slice %arg8[%dma_start3A_41, %dma_start3A_42] : memref<100096x16xf32, #tpu.memory_space<vmem_shared>> -> memref<100096x16xf32, #tpu.memory_space<vmem_shared>>
        tpu.enqueue_indirect_dma source(%arg7 : memref<128x16xf32, #tpu.memory_space<vmem>>) target(%dma_start3A_43 : memref<100096x16xf32, #tpu.memory_space<vmem_shared>>) offsets(%dma_start3A_40 : memref<128xi32, #tpu.memory_space<vmem>>) semaphore(%arg9 : memref<!tpu.dma_semaphore, #tpu.memory_space<semaphore_mem>>) {add = true}
      }
      %scan3A_28 = arith.constant 112 : i32
      %scan3A_29 = arith.constant 0 : i32
      %scan3A_30 = arith.constant 112 : i32
      %scan3A_31 = arith.addi %scan3A_29, %scan3A_30 : i32
      %scan3A_32 = arith.constant 1 : i32
      scf.for %scan3A_34 = %scan3A_29 to %scan3A_31 step %scan3A_32  : i32 {
        %mul3A_35 = arith.constant 1 : i32
        %mul3A_36 = arith.muli %scan3A_34, %mul3A_35 : i32
        %add3A_37 = arith.constant 0 : i32
        %add3A_38 = arith.addi %add3A_37, %mul3A_36 : i32
        %dma_wait3A = arith.constant 0 : i32
        %dma_wait3A_39 = arith.constant 0 : i32
        %dma_wait3A_40 = tpu.memref_slice %arg6[%dma_wait3A, %dma_wait3A_39] : memref<112x128xi32, #tpu.memory_space<vmem>> -> memref<1x128xi32, #tpu.memory_space<vmem>>
        %dma_wait3A_41 = tpu.memref_squeeze %dma_wait3A_40 : memref<1x128xi32, #tpu.memory_space<vmem>> -> memref<128xi32, #tpu.memory_space<vmem>>
        %dma_wait3A_42 = arith.constant 0 : i32
        %dma_wait3A_43 = arith.constant 0 : i32
        %dma_wait3A_44 = tpu.memref_slice %arg8[%dma_wait3A_42, %dma_wait3A_43] : memref<100096x16xf32, #tpu.memory_space<vmem_shared>> -> memref<100096x16xf32, #tpu.memory_space<vmem_shared>>
        tpu.wait_indirect_dma semaphore(%arg9 : memref<!tpu.dma_semaphore, #tpu.memory_space<semaphore_mem>>) src(%arg7 : memref<128x16xf32, #tpu.memory_space<vmem>>) dst(%dma_wait3A_44 : memref<100096x16xf32, #tpu.memory_space<vmem_shared>>)
      }
      %scan3A_33 = arith.constant 112 : i32
    }
    %scan3A_10 = arith.constant 7 : i32
    %barrier3A_11 = arith.constant 0 : index
    tpu.barrier barrier_id(%barrier3A_11)
    %mul3A_12 = arith.constant 6256 : i32
    %mul3A_13 = arith.muli %arg1, %mul3A_12 : i32
    %mul3A_14 = arith.constant 6256 : i32
    %mul3A_15 = arith.muli %arg1, %mul3A_14 : i32
    "tpu.region"() ({
      %run_scoped3A = tpu.sem_alloc : memref<!tpu.dma_semaphore, #tpu.memory_space<semaphore_mem>>
      %dma_start3A = arith.constant 0 : i32
      %dma_start3A_16 = tpu.memref_slice %arg5[%arg0, %mul3A_15, %dma_start3A] : memref<2x100096x16xf32, #tpu.memory_space<hbm>> -> memref<1x6256x16xf32, #tpu.memory_space<hbm>>
      %dma_start3A_17 = tpu.memref_squeeze %dma_start3A_16 : memref<1x6256x16xf32, #tpu.memory_space<hbm>> -> memref<6256x16xf32, #tpu.memory_space<hbm>>
      %dma_start3A_18 = arith.constant 0 : i32
      %dma_start3A_19 = tpu.memref_slice %arg8[%mul3A_13, %dma_start3A_18] : memref<100096x16xf32, #tpu.memory_space<vmem_shared>> -> memref<6256x16xf32, #tpu.memory_space<vmem_shared>>
      tpu.enqueue_dma source(%dma_start3A_19 : memref<6256x16xf32, #tpu.memory_space<vmem_shared>>) target(%dma_start3A_17 : memref<6256x16xf32, #tpu.memory_space<hbm>>) target_semaphore(%run_scoped3A : memref<!tpu.dma_semaphore, #tpu.memory_space<semaphore_mem>>)
      %dma_wait3A = arith.constant 0 : i32
      %dma_wait3A_20 = tpu.memref_slice %arg5[%arg0, %mul3A_15, %dma_wait3A] : memref<2x100096x16xf32, #tpu.memory_space<hbm>> -> memref<1x6256x16xf32, #tpu.memory_space<hbm>>
      %dma_wait3A_21 = tpu.memref_squeeze %dma_wait3A_20 : memref<1x6256x16xf32, #tpu.memory_space<hbm>> -> memref<6256x16xf32, #tpu.memory_space<hbm>>
      %dma_wait3A_22 = arith.constant 0 : i32
      %dma_wait3A_23 = tpu.memref_slice %arg8[%mul3A_13, %dma_wait3A_22] : memref<100096x16xf32, #tpu.memory_space<vmem_shared>> -> memref<6256x16xf32, #tpu.memory_space<vmem_shared>>
      tpu.wait_dma2 semaphore(%run_scoped3A : memref<!tpu.dma_semaphore, #tpu.memory_space<semaphore_mem>>) src(%dma_wait3A_23 : memref<6256x16xf32, #tpu.memory_space<vmem_shared>>) dst(%dma_wait3A_21 : memref<6256x16xf32, #tpu.memory_space<hbm>>)
      tpu.yield
    }) : () -> ()
    return
  }
}

#map = affine_map<(d0, d1) -> (0, 0)>
#map1 = affine_map<(d0, d1) -> (0, 0, 0)>
module attributes {stable_mosaic.version = 14 : i64} {
  func.func @agg_kernel(%arg0: i32, %arg1: i32, %arg2: memref<100096x16xf32, #tpu.memory_space<hbm>>, %arg3: memref<25088x128xi32, #tpu.memory_space<hbm>>, %arg4: memref<25088x128xi32, #tpu.memory_space<hbm>>, %arg5: memref<100096x16xf32, #tpu.memory_space<hbm>>, %arg6: memref<2x100096x16xf32, #tpu.memory_space<hbm>>, %arg7: memref<56x128xi32, #tpu.memory_space<vmem>>, %arg8: memref<56x128xi32, #tpu.memory_space<vmem>>, %arg9: memref<4x128x16xf32, #tpu.memory_space<vmem>>, %arg10: memref<100096x16xf32, #tpu.memory_space<vmem_shared>>, %arg11: memref<!tpu.dma_semaphore, #tpu.memory_space<semaphore_mem>>, %arg12: memref<!tpu.dma_semaphore, #tpu.memory_space<semaphore_mem>>, %arg13: memref<!tpu.dma_semaphore, #tpu.memory_space<semaphore_mem>>, %arg14: memref<!tpu.dma_semaphore, #tpu.memory_space<semaphore_mem>>, %arg15: memref<!tpu.dma_semaphore, #tpu.memory_space<semaphore_mem>>, %arg16: memref<!tpu.dma_semaphore, #tpu.memory_space<semaphore_mem>>, %arg17: memref<!tpu.dma_semaphore, #tpu.memory_space<semaphore_mem>>, %arg18: memref<!tpu.dma_semaphore, #tpu.memory_space<semaphore_mem>>) attributes {dimension_semantics = [#tpu.dimension_semantics<core_parallel>, #tpu.dimension_semantics<subcore_parallel>], iteration_bounds = array<i64: 2, 16>, scalar_prefetch = 0 : i64, scratch_operands = 12 : i64, tpu.core_type = #tpu.core_type<sc_vector_subcore>, window_params = [{transform_indices = #map}, {transform_indices = #map}, {transform_indices = #map}, {transform_indices = #map}, {transform_indices = #map1}]} {
    %mul3A = arith.constant 16 : i32
    %mul3A_0 = arith.muli %arg0, %mul3A : i32
    %add3A = arith.addi %mul3A_0, %arg1 : i32
    %mul3A_1 = arith.constant 6256 : i32
    %mul3A_2 = arith.muli %arg1, %mul3A_1 : i32
    %mul3A_3 = arith.constant 6256 : i32
    %mul3A_4 = arith.muli %arg1, %mul3A_3 : i32
    "tpu.region"() ({
      %run_scoped3A = tpu.sem_alloc : memref<!tpu.dma_semaphore, #tpu.memory_space<semaphore_mem>>
      %dma_start3A = arith.constant 0 : i32
      %dma_start3A_63 = tpu.memref_slice %arg10[%mul3A_4, %dma_start3A] : memref<100096x16xf32, #tpu.memory_space<vmem_shared>> -> memref<6256x16xf32, #tpu.memory_space<vmem_shared>>
      %dma_start3A_64 = arith.constant 0 : i32
      %dma_start3A_65 = tpu.memref_slice %arg5[%mul3A_2, %dma_start3A_64] : memref<100096x16xf32, #tpu.memory_space<hbm>> -> memref<6256x16xf32, #tpu.memory_space<hbm>>
      tpu.enqueue_dma source(%dma_start3A_65 : memref<6256x16xf32, #tpu.memory_space<hbm>>) target(%dma_start3A_63 : memref<6256x16xf32, #tpu.memory_space<vmem_shared>>) target_semaphore(%run_scoped3A : memref<!tpu.dma_semaphore, #tpu.memory_space<semaphore_mem>>)
      %dma_wait3A_66 = arith.constant 0 : i32
      %dma_wait3A_67 = tpu.memref_slice %arg10[%mul3A_4, %dma_wait3A_66] : memref<100096x16xf32, #tpu.memory_space<vmem_shared>> -> memref<6256x16xf32, #tpu.memory_space<vmem_shared>>
      %dma_wait3A_68 = arith.constant 0 : i32
      %dma_wait3A_69 = tpu.memref_slice %arg5[%mul3A_2, %dma_wait3A_68] : memref<100096x16xf32, #tpu.memory_space<hbm>> -> memref<6256x16xf32, #tpu.memory_space<hbm>>
      tpu.wait_dma2 semaphore(%run_scoped3A : memref<!tpu.dma_semaphore, #tpu.memory_space<semaphore_mem>>) src(%dma_wait3A_69 : memref<6256x16xf32, #tpu.memory_space<hbm>>) dst(%dma_wait3A_67 : memref<6256x16xf32, #tpu.memory_space<vmem_shared>>)
      tpu.yield
    }) : () -> ()
    %barrier3A = arith.constant 0 : index
    tpu.barrier barrier_id(%barrier3A)
    %mul3A_5 = arith.constant 784 : i32
    %mul3A_6 = arith.muli %add3A, %mul3A_5 : i32
    %scan3A = arith.constant 0 : i32
    %scan3A_7 = arith.constant 14 : i32
    %scan3A_8 = arith.addi %scan3A, %scan3A_7 : i32
    %scan3A_9 = arith.constant 1 : i32
    scf.for %scan3A_63 = %scan3A to %scan3A_8 step %scan3A_9  : i32 {
      %mul3A_64 = arith.constant 1 : i32
      %mul3A_65 = arith.muli %scan3A_63, %mul3A_64 : i32
      %add3A_66 = arith.constant 0 : i32
      %add3A_67 = arith.addi %add3A_66, %mul3A_65 : i32
      %mul3A_68 = arith.constant 56 : i32
      %mul3A_69 = arith.muli %add3A_67, %mul3A_68 : i32
      %add3A_70 = arith.addi %mul3A_6, %mul3A_69 : i32
      "tpu.region"() ({
        %run_scoped3A = tpu.sem_alloc : memref<!tpu.dma_semaphore, #tpu.memory_space<semaphore_mem>>
        %dma_start3A_109 = arith.constant 0 : i32
        %dma_start3A_110 = tpu.memref_slice %arg3[%add3A_70, %dma_start3A_109] : memref<25088x128xi32, #tpu.memory_space<hbm>> -> memref<56x128xi32, #tpu.memory_space<hbm>>
        %dma_start3A_111 = arith.constant 0 : i32
        %dma_start3A_112 = tpu.memref_slice %arg3[%add3A_70, %dma_start3A_111] : memref<25088x128xi32, #tpu.memory_space<hbm>> -> memref<56x128xi32, #tpu.memory_space<hbm>>
        tpu.enqueue_dma source(%dma_start3A_112 : memref<56x128xi32, #tpu.memory_space<hbm>>) target(%arg7 : memref<56x128xi32, #tpu.memory_space<vmem>>) target_semaphore(%run_scoped3A : memref<!tpu.dma_semaphore, #tpu.memory_space<semaphore_mem>>)
        %dma_wait3A_113 = arith.constant 0 : i32
        %dma_wait3A_114 = tpu.memref_slice %arg3[%add3A_70, %dma_wait3A_113] : memref<25088x128xi32, #tpu.memory_space<hbm>> -> memref<56x128xi32, #tpu.memory_space<hbm>>
        %dma_wait3A_115 = arith.constant 0 : i32
        %dma_wait3A_116 = tpu.memref_slice %arg3[%add3A_70, %dma_wait3A_115] : memref<25088x128xi32, #tpu.memory_space<hbm>> -> memref<56x128xi32, #tpu.memory_space<hbm>>
        tpu.wait_dma2 semaphore(%run_scoped3A : memref<!tpu.dma_semaphore, #tpu.memory_space<semaphore_mem>>) src(%dma_wait3A_116 : memref<56x128xi32, #tpu.memory_space<hbm>>) dst(%arg7 : memref<56x128xi32, #tpu.memory_space<vmem>>)
        tpu.yield
      }) : () -> ()
      %mul3A_71 = arith.constant 56 : i32
      %mul3A_72 = arith.muli %add3A_67, %mul3A_71 : i32
      %add3A_73 = arith.addi %mul3A_6, %mul3A_72 : i32
      "tpu.region"() ({
        %run_scoped3A = tpu.sem_alloc : memref<!tpu.dma_semaphore, #tpu.memory_space<semaphore_mem>>
        %dma_start3A_109 = arith.constant 0 : i32
        %dma_start3A_110 = tpu.memref_slice %arg4[%add3A_73, %dma_start3A_109] : memref<25088x128xi32, #tpu.memory_space<hbm>> -> memref<56x128xi32, #tpu.memory_space<hbm>>
        %dma_start3A_111 = arith.constant 0 : i32
        %dma_start3A_112 = tpu.memref_slice %arg4[%add3A_73, %dma_start3A_111] : memref<25088x128xi32, #tpu.memory_space<hbm>> -> memref<56x128xi32, #tpu.memory_space<hbm>>
        tpu.enqueue_dma source(%dma_start3A_112 : memref<56x128xi32, #tpu.memory_space<hbm>>) target(%arg8 : memref<56x128xi32, #tpu.memory_space<vmem>>) target_semaphore(%run_scoped3A : memref<!tpu.dma_semaphore, #tpu.memory_space<semaphore_mem>>)
        %dma_wait3A_113 = arith.constant 0 : i32
        %dma_wait3A_114 = tpu.memref_slice %arg4[%add3A_73, %dma_wait3A_113] : memref<25088x128xi32, #tpu.memory_space<hbm>> -> memref<56x128xi32, #tpu.memory_space<hbm>>
        %dma_wait3A_115 = arith.constant 0 : i32
        %dma_wait3A_116 = tpu.memref_slice %arg4[%add3A_73, %dma_wait3A_115] : memref<25088x128xi32, #tpu.memory_space<hbm>> -> memref<56x128xi32, #tpu.memory_space<hbm>>
        tpu.wait_dma2 semaphore(%run_scoped3A : memref<!tpu.dma_semaphore, #tpu.memory_space<semaphore_mem>>) src(%dma_wait3A_116 : memref<56x128xi32, #tpu.memory_space<hbm>>) dst(%arg8 : memref<56x128xi32, #tpu.memory_space<vmem>>)
        tpu.yield
      }) : () -> ()
      %gt3A = arith.constant 0 : i32
      %gt3A_74 = arith.cmpi sgt, %add3A_67, %gt3A : i32
      %convert_element_type3A = arith.extui %gt3A_74 : i1 to i32
      %cond3A = arith.constant 0 : i32
      %cond3A_75 = arith.cmpi ne, %convert_element_type3A, %cond3A : i32
      scf.if %cond3A_75 {
        %dma_wait3A_109 = arith.constant 0 : i32
        %dma_wait3A_110 = arith.constant 0 : i32
        %dma_wait3A_111 = arith.constant 0 : i32
        %dma_wait3A_112 = arith.constant 0 : i32
        %dma_wait3A_113 = tpu.memref_slice %arg9[%dma_wait3A_109, %dma_wait3A_111, %dma_wait3A_112] : memref<4x128x16xf32, #tpu.memory_space<vmem>> -> memref<1x128x16xf32, #tpu.memory_space<vmem>>
        %dma_wait3A_114 = tpu.memref_squeeze %dma_wait3A_113 : memref<1x128x16xf32, #tpu.memory_space<vmem>> -> memref<128x16xf32, #tpu.memory_space<vmem>>
        %dma_wait3A_115 = arith.constant 0 : i32
        %dma_wait3A_116 = tpu.memref_slice %arg8[%dma_wait3A_110, %dma_wait3A_115] : memref<56x128xi32, #tpu.memory_space<vmem>> -> memref<1x128xi32, #tpu.memory_space<vmem>>
        %dma_wait3A_117 = tpu.memref_squeeze %dma_wait3A_116 : memref<1x128xi32, #tpu.memory_space<vmem>> -> memref<128xi32, #tpu.memory_space<vmem>>
        %dma_wait3A_118 = arith.constant 0 : i32
        %dma_wait3A_119 = arith.constant 0 : i32
        %dma_wait3A_120 = tpu.memref_slice %arg10[%dma_wait3A_118, %dma_wait3A_119] : memref<100096x16xf32, #tpu.memory_space<vmem_shared>> -> memref<100096x16xf32, #tpu.memory_space<vmem_shared>>
        tpu.wait_indirect_dma semaphore(%arg15 : memref<!tpu.dma_semaphore, #tpu.memory_space<semaphore_mem>>) src(%dma_wait3A_114 : memref<128x16xf32, #tpu.memory_space<vmem>>) dst(%dma_wait3A_120 : memref<100096x16xf32, #tpu.memory_space<vmem_shared>>)
      } else {
      }
      %dma_start3A = arith.constant 0 : i32
      %dma_start3A_76 = arith.constant 0 : i32
      %dma_start3A_77 = arith.constant 0 : i32
      %dma_start3A_78 = arith.constant 0 : i32
      %dma_start3A_79 = tpu.memref_slice %arg9[%dma_start3A_76, %dma_start3A_77, %dma_start3A_78] : memref<4x128x16xf32, #tpu.memory_space<vmem>> -> memref<1x128x16xf32, #tpu.memory_space<vmem>>
      %dma_start3A_80 = tpu.memref_squeeze %dma_start3A_79 : memref<1x128x16xf32, #tpu.memory_space<vmem>> -> memref<128x16xf32, #tpu.memory_space<vmem>>
      %dma_start3A_81 = arith.constant 0 : i32
      %dma_start3A_82 = tpu.memref_slice %arg7[%dma_start3A, %dma_start3A_81] : memref<56x128xi32, #tpu.memory_space<vmem>> -> memref<1x128xi32, #tpu.memory_space<vmem>>
      %dma_start3A_83 = tpu.memref_squeeze %dma_start3A_82 : memref<1x128xi32, #tpu.memory_space<vmem>> -> memref<128xi32, #tpu.memory_space<vmem>>
      %dma_start3A_84 = arith.constant 0 : i32
      %dma_start3A_85 = arith.constant 0 : i32
      %dma_start3A_86 = tpu.memref_slice %arg2[%dma_start3A_84, %dma_start3A_85] : memref<100096x16xf32, #tpu.memory_space<hbm>> -> memref<100096x16xf32, #tpu.memory_space<hbm>>
      tpu.enqueue_indirect_dma source(%dma_start3A_86 : memref<100096x16xf32, #tpu.memory_space<hbm>>) target(%dma_start3A_80 : memref<128x16xf32, #tpu.memory_space<vmem>>) offsets(%dma_start3A_83 : memref<128xi32, #tpu.memory_space<vmem>>) semaphore(%arg11 : memref<!tpu.dma_semaphore, #tpu.memory_space<semaphore_mem>>)
      %gt3A_87 = arith.constant 0 : i32
      %gt3A_88 = arith.cmpi sgt, %add3A_67, %gt3A_87 : i32
      %convert_element_type3A_89 = arith.extui %gt3A_88 : i1 to i32
      %cond3A_90 = arith.constant 0 : i32
      %cond3A_91 = arith.cmpi ne, %convert_element_type3A_89, %cond3A_90 : i32
      scf.if %cond3A_91 {
        %dma_wait3A_109 = arith.constant 1 : i32
        %dma_wait3A_110 = arith.constant 0 : i32
        %dma_wait3A_111 = arith.constant 0 : i32
        %dma_wait3A_112 = arith.constant 0 : i32
        %dma_wait3A_113 = tpu.memref_slice %arg9[%dma_wait3A_109, %dma_wait3A_111, %dma_wait3A_112] : memref<4x128x16xf32, #tpu.memory_space<vmem>> -> memref<1x128x16xf32, #tpu.memory_space<vmem>>
        %dma_wait3A_114 = tpu.memref_squeeze %dma_wait3A_113 : memref<1x128x16xf32, #tpu.memory_space<vmem>> -> memref<128x16xf32, #tpu.memory_space<vmem>>
        %dma_wait3A_115 = arith.constant 0 : i32
        %dma_wait3A_116 = tpu.memref_slice %arg8[%dma_wait3A_110, %dma_wait3A_115] : memref<56x128xi32, #tpu.memory_space<vmem>> -> memref<1x128xi32, #tpu.memory_space<vmem>>
        %dma_wait3A_117 = tpu.memref_squeeze %dma_wait3A_116 : memref<1x128xi32, #tpu.memory_space<vmem>> -> memref<128xi32, #tpu.memory_space<vmem>>
        %dma_wait3A_118 = arith.constant 0 : i32
        %dma_wait3A_119 = arith.constant 0 : i32
        %dma_wait3A_120 = tpu.memref_slice %arg10[%dma_wait3A_118, %dma_wait3A_119] : memref<100096x16xf32, #tpu.memory_space<vmem_shared>> -> memref<100096x16xf32, #tpu.memory_space<vmem_shared>>
        tpu.wait_indirect_dma semaphore(%arg16 : memref<!tpu.dma_semaphore, #tpu.memory_space<semaphore_mem>>) src(%dma_wait3A_114 : memref<128x16xf32, #tpu.memory_space<vmem>>) dst(%dma_wait3A_120 : memref<100096x16xf32, #tpu.memory_space<vmem_shared>>)
      } else {
      }
      %dma_start3A_92 = arith.constant 1 : i32
      %dma_start3A_93 = arith.constant 1 : i32
      %dma_start3A_94 = arith.constant 0 : i32
      %dma_start3A_95 = arith.constant 0 : i32
      %dma_start3A_96 = tpu.memref_slice %arg9[%dma_start3A_93, %dma_start3A_94, %dma_start3A_95] : memref<4x128x16xf32, #tpu.memory_space<vmem>> -> memref<1x128x16xf32, #tpu.memory_space<vmem>>
      %dma_start3A_97 = tpu.memref_squeeze %dma_start3A_96 : memref<1x128x16xf32, #tpu.memory_space<vmem>> -> memref<128x16xf32, #tpu.memory_space<vmem>>
      %dma_start3A_98 = arith.constant 0 : i32
      %dma_start3A_99 = tpu.memref_slice %arg7[%dma_start3A_92, %dma_start3A_98] : memref<56x128xi32, #tpu.memory_space<vmem>> -> memref<1x128xi32, #tpu.memory_space<vmem>>
      %dma_start3A_100 = tpu.memref_squeeze %dma_start3A_99 : memref<1x128xi32, #tpu.memory_space<vmem>> -> memref<128xi32, #tpu.memory_space<vmem>>
      %dma_start3A_101 = arith.constant 0 : i32
      %dma_start3A_102 = arith.constant 0 : i32
      %dma_start3A_103 = tpu.memref_slice %arg2[%dma_start3A_101, %dma_start3A_102] : memref<100096x16xf32, #tpu.memory_space<hbm>> -> memref<100096x16xf32, #tpu.memory_space<hbm>>
      tpu.enqueue_indirect_dma source(%dma_start3A_103 : memref<100096x16xf32, #tpu.memory_space<hbm>>) target(%dma_start3A_97 : memref<128x16xf32, #tpu.memory_space<vmem>>) offsets(%dma_start3A_100 : memref<128xi32, #tpu.memory_space<vmem>>) semaphore(%arg12 : memref<!tpu.dma_semaphore, #tpu.memory_space<semaphore_mem>>)
      %scan3A_104 = arith.constant 0 : i32
      %scan3A_105 = arith.constant 14 : i32
      %scan3A_106 = arith.addi %scan3A_104, %scan3A_105 : i32
      %scan3A_107 = arith.constant 1 : i32
      scf.for %scan3A_109 = %scan3A_104 to %scan3A_106 step %scan3A_107  : i32 {
        %mul3A_110 = arith.constant 1 : i32
        %mul3A_111 = arith.muli %scan3A_109, %mul3A_110 : i32
        %add3A_112 = arith.constant 0 : i32
        %add3A_113 = arith.addi %add3A_112, %mul3A_111 : i32
        %mul3A_114 = arith.constant 4 : i32
        %mul3A_115 = arith.muli %mul3A_114, %add3A_113 : i32
        %add3A_116 = arith.constant 0 : i32
        %add3A_117 = arith.addi %mul3A_115, %add3A_116 : i32
        %add3A_118 = arith.constant 2 : i32
        %add3A_119 = arith.addi %add3A_117, %add3A_118 : i32
        %lt3A = arith.constant 56 : i32
        %lt3A_120 = arith.cmpi slt, %add3A_119, %lt3A : i32
        %convert_element_type3A_121 = arith.extui %lt3A_120 : i1 to i32
        %cond3A_122 = arith.constant 0 : i32
        %cond3A_123 = arith.cmpi ne, %convert_element_type3A_121, %cond3A_122 : i32
        scf.if %cond3A_123 {
          %ge3A = arith.constant 2 : i32
          %ge3A_249 = arith.cmpi sge, %add3A_117, %ge3A : i32
          %gt3A_250 = arith.constant 0 : i32
          %gt3A_251 = arith.cmpi sgt, %add3A_67, %gt3A_250 : i32
          %or3A = arith.ori %ge3A_249, %gt3A_251 : i1
          %convert_element_type3A_252 = arith.extui %or3A : i1 to i32
          %cond3A_253 = arith.constant 0 : i32
          %cond3A_254 = arith.cmpi ne, %convert_element_type3A_252, %cond3A_253 : i32
          scf.if %cond3A_254 {
            %dma_wait3A_266 = arith.constant 2 : i32
            %dma_wait3A_267 = arith.constant 0 : i32
            %dma_wait3A_268 = arith.constant 0 : i32
            %dma_wait3A_269 = arith.constant 0 : i32
            %dma_wait3A_270 = tpu.memref_slice %arg9[%dma_wait3A_266, %dma_wait3A_268, %dma_wait3A_269] : memref<4x128x16xf32, #tpu.memory_space<vmem>> -> memref<1x128x16xf32, #tpu.memory_space<vmem>>
            %dma_wait3A_271 = tpu.memref_squeeze %dma_wait3A_270 : memref<1x128x16xf32, #tpu.memory_space<vmem>> -> memref<128x16xf32, #tpu.memory_space<vmem>>
            %dma_wait3A_272 = arith.constant 0 : i32
            %dma_wait3A_273 = tpu.memref_slice %arg8[%dma_wait3A_267, %dma_wait3A_272] : memref<56x128xi32, #tpu.memory_space<vmem>> -> memref<1x128xi32, #tpu.memory_space<vmem>>
            %dma_wait3A_274 = tpu.memref_squeeze %dma_wait3A_273 : memref<1x128xi32, #tpu.memory_space<vmem>> -> memref<128xi32, #tpu.memory_space<vmem>>
            %dma_wait3A_275 = arith.constant 0 : i32
            %dma_wait3A_276 = arith.constant 0 : i32
            %dma_wait3A_277 = tpu.memref_slice %arg10[%dma_wait3A_275, %dma_wait3A_276] : memref<100096x16xf32, #tpu.memory_space<vmem_shared>> -> memref<100096x16xf32, #tpu.memory_space<vmem_shared>>
            tpu.wait_indirect_dma semaphore(%arg17 : memref<!tpu.dma_semaphore, #tpu.memory_space<semaphore_mem>>) src(%dma_wait3A_271 : memref<128x16xf32, #tpu.memory_space<vmem>>) dst(%dma_wait3A_277 : memref<100096x16xf32, #tpu.memory_space<vmem_shared>>)
          } else {
          }
          %dma_start3A_255 = arith.constant 2 : i32
          %dma_start3A_256 = arith.constant 0 : i32
          %dma_start3A_257 = arith.constant 0 : i32
          %dma_start3A_258 = tpu.memref_slice %arg9[%dma_start3A_255, %dma_start3A_256, %dma_start3A_257] : memref<4x128x16xf32, #tpu.memory_space<vmem>> -> memref<1x128x16xf32, #tpu.memory_space<vmem>>
          %dma_start3A_259 = tpu.memref_squeeze %dma_start3A_258 : memref<1x128x16xf32, #tpu.memory_space<vmem>> -> memref<128x16xf32, #tpu.memory_space<vmem>>
          %dma_start3A_260 = arith.constant 0 : i32
          %dma_start3A_261 = tpu.memref_slice %arg7[%add3A_119, %dma_start3A_260] : memref<56x128xi32, #tpu.memory_space<vmem>> -> memref<1x128xi32, #tpu.memory_space<vmem>>
          %dma_start3A_262 = tpu.memref_squeeze %dma_start3A_261 : memref<1x128xi32, #tpu.memory_space<vmem>> -> memref<128xi32, #tpu.memory_space<vmem>>
          %dma_start3A_263 = arith.constant 0 : i32
          %dma_start3A_264 = arith.constant 0 : i32
          %dma_start3A_265 = tpu.memref_slice %arg2[%dma_start3A_263, %dma_start3A_264] : memref<100096x16xf32, #tpu.memory_space<hbm>> -> memref<100096x16xf32, #tpu.memory_space<hbm>>
          tpu.enqueue_indirect_dma source(%dma_start3A_265 : memref<100096x16xf32, #tpu.memory_space<hbm>>) target(%dma_start3A_259 : memref<128x16xf32, #tpu.memory_space<vmem>>) offsets(%dma_start3A_262 : memref<128xi32, #tpu.memory_space<vmem>>) semaphore(%arg13 : memref<!tpu.dma_semaphore, #tpu.memory_space<semaphore_mem>>)
        } else {
        }
        %dma_wait3A_124 = arith.constant 0 : i32
        %dma_wait3A_125 = arith.constant 0 : i32
        %dma_wait3A_126 = arith.constant 0 : i32
        %dma_wait3A_127 = arith.constant 0 : i32
        %dma_wait3A_128 = tpu.memref_slice %arg9[%dma_wait3A_125, %dma_wait3A_126, %dma_wait3A_127] : memref<4x128x16xf32, #tpu.memory_space<vmem>> -> memref<1x128x16xf32, #tpu.memory_space<vmem>>
        %dma_wait3A_129 = tpu.memref_squeeze %dma_wait3A_128 : memref<1x128x16xf32, #tpu.memory_space<vmem>> -> memref<128x16xf32, #tpu.memory_space<vmem>>
        %dma_wait3A_130 = arith.constant 0 : i32
        %dma_wait3A_131 = tpu.memref_slice %arg7[%dma_wait3A_124, %dma_wait3A_130] : memref<56x128xi32, #tpu.memory_space<vmem>> -> memref<1x128xi32, #tpu.memory_space<vmem>>
        %dma_wait3A_132 = tpu.memref_squeeze %dma_wait3A_131 : memref<1x128xi32, #tpu.memory_space<vmem>> -> memref<128xi32, #tpu.memory_space<vmem>>
        %dma_wait3A_133 = arith.constant 0 : i32
        %dma_wait3A_134 = arith.constant 0 : i32
        %dma_wait3A_135 = tpu.memref_slice %arg2[%dma_wait3A_133, %dma_wait3A_134] : memref<100096x16xf32, #tpu.memory_space<hbm>> -> memref<100096x16xf32, #tpu.memory_space<hbm>>
        tpu.wait_indirect_dma semaphore(%arg11 : memref<!tpu.dma_semaphore, #tpu.memory_space<semaphore_mem>>) src(%dma_wait3A_135 : memref<100096x16xf32, #tpu.memory_space<hbm>>) dst(%dma_wait3A_129 : memref<128x16xf32, #tpu.memory_space<vmem>>)
        %dma_start3A_136 = arith.constant 0 : i32
        %dma_start3A_137 = arith.constant 0 : i32
        %dma_start3A_138 = arith.constant 0 : i32
        %dma_start3A_139 = tpu.memref_slice %arg9[%dma_start3A_136, %dma_start3A_137, %dma_start3A_138] : memref<4x128x16xf32, #tpu.memory_space<vmem>> -> memref<1x128x16xf32, #tpu.memory_space<vmem>>
        %dma_start3A_140 = tpu.memref_squeeze %dma_start3A_139 : memref<1x128x16xf32, #tpu.memory_space<vmem>> -> memref<128x16xf32, #tpu.memory_space<vmem>>
        %dma_start3A_141 = arith.constant 0 : i32
        %dma_start3A_142 = tpu.memref_slice %arg8[%add3A_117, %dma_start3A_141] : memref<56x128xi32, #tpu.memory_space<vmem>> -> memref<1x128xi32, #tpu.memory_space<vmem>>
        %dma_start3A_143 = tpu.memref_squeeze %dma_start3A_142 : memref<1x128xi32, #tpu.memory_space<vmem>> -> memref<128xi32, #tpu.memory_space<vmem>>
        %dma_start3A_144 = arith.constant 0 : i32
        %dma_start3A_145 = arith.constant 0 : i32
        %dma_start3A_146 = tpu.memref_slice %arg10[%dma_start3A_144, %dma_start3A_145] : memref<100096x16xf32, #tpu.memory_space<vmem_shared>> -> memref<100096x16xf32, #tpu.memory_space<vmem_shared>>
        tpu.enqueue_indirect_dma source(%dma_start3A_140 : memref<128x16xf32, #tpu.memory_space<vmem>>) target(%dma_start3A_146 : memref<100096x16xf32, #tpu.memory_space<vmem_shared>>) offsets(%dma_start3A_143 : memref<128xi32, #tpu.memory_space<vmem>>) semaphore(%arg15 : memref<!tpu.dma_semaphore, #tpu.memory_space<semaphore_mem>>) {add = true}
        %mul3A_147 = arith.constant 4 : i32
        %mul3A_148 = arith.muli %mul3A_147, %add3A_113 : i32
        %add3A_149 = arith.constant 1 : i32
        %add3A_150 = arith.addi %mul3A_148, %add3A_149 : i32
        %add3A_151 = arith.constant 2 : i32
        %add3A_152 = arith.addi %add3A_150, %add3A_151 : i32
        %lt3A_153 = arith.constant 56 : i32
        %lt3A_154 = arith.cmpi slt, %add3A_152, %lt3A_153 : i32
        %convert_element_type3A_155 = arith.extui %lt3A_154 : i1 to i32
        %cond3A_156 = arith.constant 0 : i32
        %cond3A_157 = arith.cmpi ne, %convert_element_type3A_155, %cond3A_156 : i32
        scf.if %cond3A_157 {
          %ge3A = arith.constant 2 : i32
          %ge3A_249 = arith.cmpi sge, %add3A_150, %ge3A : i32
          %gt3A_250 = arith.constant 0 : i32
          %gt3A_251 = arith.cmpi sgt, %add3A_67, %gt3A_250 : i32
          %or3A = arith.ori %ge3A_249, %gt3A_251 : i1
          %convert_element_type3A_252 = arith.extui %or3A : i1 to i32
          %cond3A_253 = arith.constant 0 : i32
          %cond3A_254 = arith.cmpi ne, %convert_element_type3A_252, %cond3A_253 : i32
          scf.if %cond3A_254 {
            %dma_wait3A_266 = arith.constant 3 : i32
            %dma_wait3A_267 = arith.constant 0 : i32
            %dma_wait3A_268 = arith.constant 0 : i32
            %dma_wait3A_269 = arith.constant 0 : i32
            %dma_wait3A_270 = tpu.memref_slice %arg9[%dma_wait3A_266, %dma_wait3A_268, %dma_wait3A_269] : memref<4x128x16xf32, #tpu.memory_space<vmem>> -> memref<1x128x16xf32, #tpu.memory_space<vmem>>
            %dma_wait3A_271 = tpu.memref_squeeze %dma_wait3A_270 : memref<1x128x16xf32, #tpu.memory_space<vmem>> -> memref<128x16xf32, #tpu.memory_space<vmem>>
            %dma_wait3A_272 = arith.constant 0 : i32
            %dma_wait3A_273 = tpu.memref_slice %arg8[%dma_wait3A_267, %dma_wait3A_272] : memref<56x128xi32, #tpu.memory_space<vmem>> -> memref<1x128xi32, #tpu.memory_space<vmem>>
            %dma_wait3A_274 = tpu.memref_squeeze %dma_wait3A_273 : memref<1x128xi32, #tpu.memory_space<vmem>> -> memref<128xi32, #tpu.memory_space<vmem>>
            %dma_wait3A_275 = arith.constant 0 : i32
            %dma_wait3A_276 = arith.constant 0 : i32
            %dma_wait3A_277 = tpu.memref_slice %arg10[%dma_wait3A_275, %dma_wait3A_276] : memref<100096x16xf32, #tpu.memory_space<vmem_shared>> -> memref<100096x16xf32, #tpu.memory_space<vmem_shared>>
            tpu.wait_indirect_dma semaphore(%arg18 : memref<!tpu.dma_semaphore, #tpu.memory_space<semaphore_mem>>) src(%dma_wait3A_271 : memref<128x16xf32, #tpu.memory_space<vmem>>) dst(%dma_wait3A_277 : memref<100096x16xf32, #tpu.memory_space<vmem_shared>>)
          } else {
          }
          %dma_start3A_255 = arith.constant 3 : i32
          %dma_start3A_256 = arith.constant 0 : i32
          %dma_start3A_257 = arith.constant 0 : i32
          %dma_start3A_258 = tpu.memref_slice %arg9[%dma_start3A_255, %dma_start3A_256, %dma_start3A_257] : memref<4x128x16xf32, #tpu.memory_space<vmem>> -> memref<1x128x16xf32, #tpu.memory_space<vmem>>
          %dma_start3A_259 = tpu.memref_squeeze %dma_start3A_258 : memref<1x128x16xf32, #tpu.memory_space<vmem>> -> memref<128x16xf32, #tpu.memory_space<vmem>>
          %dma_start3A_260 = arith.constant 0 : i32
          %dma_start3A_261 = tpu.memref_slice %arg7[%add3A_152, %dma_start3A_260] : memref<56x128xi32, #tpu.memory_space<vmem>> -> memref<1x128xi32, #tpu.memory_space<vmem>>
          %dma_start3A_262 = tpu.memref_squeeze %dma_start3A_261 : memref<1x128xi32, #tpu.memory_space<vmem>> -> memref<128xi32, #tpu.memory_space<vmem>>
          %dma_start3A_263 = arith.constant 0 : i32
          %dma_start3A_264 = arith.constant 0 : i32
          %dma_start3A_265 = tpu.memref_slice %arg2[%dma_start3A_263, %dma_start3A_264] : memref<100096x16xf32, #tpu.memory_space<hbm>> -> memref<100096x16xf32, #tpu.memory_space<hbm>>
          tpu.enqueue_indirect_dma source(%dma_start3A_265 : memref<100096x16xf32, #tpu.memory_space<hbm>>) target(%dma_start3A_259 : memref<128x16xf32, #tpu.memory_space<vmem>>) offsets(%dma_start3A_262 : memref<128xi32, #tpu.memory_space<vmem>>) semaphore(%arg14 : memref<!tpu.dma_semaphore, #tpu.memory_space<semaphore_mem>>)
        } else {
        }
        %dma_wait3A_158 = arith.constant 0 : i32
        %dma_wait3A_159 = arith.constant 1 : i32
        %dma_wait3A_160 = arith.constant 0 : i32
        %dma_wait3A_161 = arith.constant 0 : i32
        %dma_wait3A_162 = tpu.memref_slice %arg9[%dma_wait3A_159, %dma_wait3A_160, %dma_wait3A_161] : memref<4x128x16xf32, #tpu.memory_space<vmem>> -> memref<1x128x16xf32, #tpu.memory_space<vmem>>
        %dma_wait3A_163 = tpu.memref_squeeze %dma_wait3A_162 : memref<1x128x16xf32, #tpu.memory_space<vmem>> -> memref<128x16xf32, #tpu.memory_space<vmem>>
        %dma_wait3A_164 = arith.constant 0 : i32
        %dma_wait3A_165 = tpu.memref_slice %arg7[%dma_wait3A_158, %dma_wait3A_164] : memref<56x128xi32, #tpu.memory_space<vmem>> -> memref<1x128xi32, #tpu.memory_space<vmem>>
        %dma_wait3A_166 = tpu.memref_squeeze %dma_wait3A_165 : memref<1x128xi32, #tpu.memory_space<vmem>> -> memref<128xi32, #tpu.memory_space<vmem>>
        %dma_wait3A_167 = arith.constant 0 : i32
        %dma_wait3A_168 = arith.constant 0 : i32
        %dma_wait3A_169 = tpu.memref_slice %arg2[%dma_wait3A_167, %dma_wait3A_168] : memref<100096x16xf32, #tpu.memory_space<hbm>> -> memref<100096x16xf32, #tpu.memory_space<hbm>>
        tpu.wait_indirect_dma semaphore(%arg12 : memref<!tpu.dma_semaphore, #tpu.memory_space<semaphore_mem>>) src(%dma_wait3A_169 : memref<100096x16xf32, #tpu.memory_space<hbm>>) dst(%dma_wait3A_163 : memref<128x16xf32, #tpu.memory_space<vmem>>)
        %dma_start3A_170 = arith.constant 1 : i32
        %dma_start3A_171 = arith.constant 0 : i32
        %dma_start3A_172 = arith.constant 0 : i32
        %dma_start3A_173 = tpu.memref_slice %arg9[%dma_start3A_170, %dma_start3A_171, %dma_start3A_172] : memref<4x128x16xf32, #tpu.memory_space<vmem>> -> memref<1x128x16xf32, #tpu.memory_space<vmem>>
        %dma_start3A_174 = tpu.memref_squeeze %dma_start3A_173 : memref<1x128x16xf32, #tpu.memory_space<vmem>> -> memref<128x16xf32, #tpu.memory_space<vmem>>
        %dma_start3A_175 = arith.constant 0 : i32
        %dma_start3A_176 = tpu.memref_slice %arg8[%add3A_150, %dma_start3A_175] : memref<56x128xi32, #tpu.memory_space<vmem>> -> memref<1x128xi32, #tpu.memory_space<vmem>>
        %dma_start3A_177 = tpu.memref_squeeze %dma_start3A_176 : memref<1x128xi32, #tpu.memory_space<vmem>> -> memref<128xi32, #tpu.memory_space<vmem>>
        %dma_start3A_178 = arith.constant 0 : i32
        %dma_start3A_179 = arith.constant 0 : i32
        %dma_start3A_180 = tpu.memref_slice %arg10[%dma_start3A_178, %dma_start3A_179] : memref<100096x16xf32, #tpu.memory_space<vmem_shared>> -> memref<100096x16xf32, #tpu.memory_space<vmem_shared>>
        tpu.enqueue_indirect_dma source(%dma_start3A_174 : memref<128x16xf32, #tpu.memory_space<vmem>>) target(%dma_start3A_180 : memref<100096x16xf32, #tpu.memory_space<vmem_shared>>) offsets(%dma_start3A_177 : memref<128xi32, #tpu.memory_space<vmem>>) semaphore(%arg16 : memref<!tpu.dma_semaphore, #tpu.memory_space<semaphore_mem>>) {add = true}
        %mul3A_181 = arith.constant 4 : i32
        %mul3A_182 = arith.muli %mul3A_181, %add3A_113 : i32
        %add3A_183 = arith.constant 2 : i32
        %add3A_184 = arith.addi %mul3A_182, %add3A_183 : i32
        %add3A_185 = arith.constant 2 : i32
        %add3A_186 = arith.addi %add3A_184, %add3A_185 : i32
        %lt3A_187 = arith.constant 56 : i32
        %lt3A_188 = arith.cmpi slt, %add3A_186, %lt3A_187 : i32
        %convert_element_type3A_189 = arith.extui %lt3A_188 : i1 to i32
        %cond3A_190 = arith.constant 0 : i32
        %cond3A_191 = arith.cmpi ne, %convert_element_type3A_189, %cond3A_190 : i32
        scf.if %cond3A_191 {
          %ge3A = arith.constant 2 : i32
          %ge3A_249 = arith.cmpi sge, %add3A_184, %ge3A : i32
          %gt3A_250 = arith.constant 0 : i32
          %gt3A_251 = arith.cmpi sgt, %add3A_67, %gt3A_250 : i32
          %or3A = arith.ori %ge3A_249, %gt3A_251 : i1
          %convert_element_type3A_252 = arith.extui %or3A : i1 to i32
          %cond3A_253 = arith.constant 0 : i32
          %cond3A_254 = arith.cmpi ne, %convert_element_type3A_252, %cond3A_253 : i32
          scf.if %cond3A_254 {
            %dma_wait3A_266 = arith.constant 0 : i32
            %dma_wait3A_267 = arith.constant 0 : i32
            %dma_wait3A_268 = arith.constant 0 : i32
            %dma_wait3A_269 = arith.constant 0 : i32
            %dma_wait3A_270 = tpu.memref_slice %arg9[%dma_wait3A_266, %dma_wait3A_268, %dma_wait3A_269] : memref<4x128x16xf32, #tpu.memory_space<vmem>> -> memref<1x128x16xf32, #tpu.memory_space<vmem>>
            %dma_wait3A_271 = tpu.memref_squeeze %dma_wait3A_270 : memref<1x128x16xf32, #tpu.memory_space<vmem>> -> memref<128x16xf32, #tpu.memory_space<vmem>>
            %dma_wait3A_272 = arith.constant 0 : i32
            %dma_wait3A_273 = tpu.memref_slice %arg8[%dma_wait3A_267, %dma_wait3A_272] : memref<56x128xi32, #tpu.memory_space<vmem>> -> memref<1x128xi32, #tpu.memory_space<vmem>>
            %dma_wait3A_274 = tpu.memref_squeeze %dma_wait3A_273 : memref<1x128xi32, #tpu.memory_space<vmem>> -> memref<128xi32, #tpu.memory_space<vmem>>
            %dma_wait3A_275 = arith.constant 0 : i32
            %dma_wait3A_276 = arith.constant 0 : i32
            %dma_wait3A_277 = tpu.memref_slice %arg10[%dma_wait3A_275, %dma_wait3A_276] : memref<100096x16xf32, #tpu.memory_space<vmem_shared>> -> memref<100096x16xf32, #tpu.memory_space<vmem_shared>>
            tpu.wait_indirect_dma semaphore(%arg15 : memref<!tpu.dma_semaphore, #tpu.memory_space<semaphore_mem>>) src(%dma_wait3A_271 : memref<128x16xf32, #tpu.memory_space<vmem>>) dst(%dma_wait3A_277 : memref<100096x16xf32, #tpu.memory_space<vmem_shared>>)
          } else {
          }
          %dma_start3A_255 = arith.constant 0 : i32
          %dma_start3A_256 = arith.constant 0 : i32
          %dma_start3A_257 = arith.constant 0 : i32
          %dma_start3A_258 = tpu.memref_slice %arg9[%dma_start3A_255, %dma_start3A_256, %dma_start3A_257] : memref<4x128x16xf32, #tpu.memory_space<vmem>> -> memref<1x128x16xf32, #tpu.memory_space<vmem>>
          %dma_start3A_259 = tpu.memref_squeeze %dma_start3A_258 : memref<1x128x16xf32, #tpu.memory_space<vmem>> -> memref<128x16xf32, #tpu.memory_space<vmem>>
          %dma_start3A_260 = arith.constant 0 : i32
          %dma_start3A_261 = tpu.memref_slice %arg7[%add3A_186, %dma_start3A_260] : memref<56x128xi32, #tpu.memory_space<vmem>> -> memref<1x128xi32, #tpu.memory_space<vmem>>
          %dma_start3A_262 = tpu.memref_squeeze %dma_start3A_261 : memref<1x128xi32, #tpu.memory_space<vmem>> -> memref<128xi32, #tpu.memory_space<vmem>>
          %dma_start3A_263 = arith.constant 0 : i32
          %dma_start3A_264 = arith.constant 0 : i32
          %dma_start3A_265 = tpu.memref_slice %arg2[%dma_start3A_263, %dma_start3A_264] : memref<100096x16xf32, #tpu.memory_space<hbm>> -> memref<100096x16xf32, #tpu.memory_space<hbm>>
          tpu.enqueue_indirect_dma source(%dma_start3A_265 : memref<100096x16xf32, #tpu.memory_space<hbm>>) target(%dma_start3A_259 : memref<128x16xf32, #tpu.memory_space<vmem>>) offsets(%dma_start3A_262 : memref<128xi32, #tpu.memory_space<vmem>>) semaphore(%arg11 : memref<!tpu.dma_semaphore, #tpu.memory_space<semaphore_mem>>)
        } else {
        }
        %dma_wait3A_192 = arith.constant 0 : i32
        %dma_wait3A_193 = arith.constant 2 : i32
        %dma_wait3A_194 = arith.constant 0 : i32
        %dma_wait3A_195 = arith.constant 0 : i32
        %dma_wait3A_196 = tpu.memref_slice %arg9[%dma_wait3A_193, %dma_wait3A_194, %dma_wait3A_195] : memref<4x128x16xf32, #tpu.memory_space<vmem>> -> memref<1x128x16xf32, #tpu.memory_space<vmem>>
        %dma_wait3A_197 = tpu.memref_squeeze %dma_wait3A_196 : memref<1x128x16xf32, #tpu.memory_space<vmem>> -> memref<128x16xf32, #tpu.memory_space<vmem>>
        %dma_wait3A_198 = arith.constant 0 : i32
        %dma_wait3A_199 = tpu.memref_slice %arg7[%dma_wait3A_192, %dma_wait3A_198] : memref<56x128xi32, #tpu.memory_space<vmem>> -> memref<1x128xi32, #tpu.memory_space<vmem>>
        %dma_wait3A_200 = tpu.memref_squeeze %dma_wait3A_199 : memref<1x128xi32, #tpu.memory_space<vmem>> -> memref<128xi32, #tpu.memory_space<vmem>>
        %dma_wait3A_201 = arith.constant 0 : i32
        %dma_wait3A_202 = arith.constant 0 : i32
        %dma_wait3A_203 = tpu.memref_slice %arg2[%dma_wait3A_201, %dma_wait3A_202] : memref<100096x16xf32, #tpu.memory_space<hbm>> -> memref<100096x16xf32, #tpu.memory_space<hbm>>
        tpu.wait_indirect_dma semaphore(%arg13 : memref<!tpu.dma_semaphore, #tpu.memory_space<semaphore_mem>>) src(%dma_wait3A_203 : memref<100096x16xf32, #tpu.memory_space<hbm>>) dst(%dma_wait3A_197 : memref<128x16xf32, #tpu.memory_space<vmem>>)
        %dma_start3A_204 = arith.constant 2 : i32
        %dma_start3A_205 = arith.constant 0 : i32
        %dma_start3A_206 = arith.constant 0 : i32
        %dma_start3A_207 = tpu.memref_slice %arg9[%dma_start3A_204, %dma_start3A_205, %dma_start3A_206] : memref<4x128x16xf32, #tpu.memory_space<vmem>> -> memref<1x128x16xf32, #tpu.memory_space<vmem>>
        %dma_start3A_208 = tpu.memref_squeeze %dma_start3A_207 : memref<1x128x16xf32, #tpu.memory_space<vmem>> -> memref<128x16xf32, #tpu.memory_space<vmem>>
        %dma_start3A_209 = arith.constant 0 : i32
        %dma_start3A_210 = tpu.memref_slice %arg8[%add3A_184, %dma_start3A_209] : memref<56x128xi32, #tpu.memory_space<vmem>> -> memref<1x128xi32, #tpu.memory_space<vmem>>
        %dma_start3A_211 = tpu.memref_squeeze %dma_start3A_210 : memref<1x128xi32, #tpu.memory_space<vmem>> -> memref<128xi32, #tpu.memory_space<vmem>>
        %dma_start3A_212 = arith.constant 0 : i32
        %dma_start3A_213 = arith.constant 0 : i32
        %dma_start3A_214 = tpu.memref_slice %arg10[%dma_start3A_212, %dma_start3A_213] : memref<100096x16xf32, #tpu.memory_space<vmem_shared>> -> memref<100096x16xf32, #tpu.memory_space<vmem_shared>>
        tpu.enqueue_indirect_dma source(%dma_start3A_208 : memref<128x16xf32, #tpu.memory_space<vmem>>) target(%dma_start3A_214 : memref<100096x16xf32, #tpu.memory_space<vmem_shared>>) offsets(%dma_start3A_211 : memref<128xi32, #tpu.memory_space<vmem>>) semaphore(%arg17 : memref<!tpu.dma_semaphore, #tpu.memory_space<semaphore_mem>>) {add = true}
        %mul3A_215 = arith.constant 4 : i32
        %mul3A_216 = arith.muli %mul3A_215, %add3A_113 : i32
        %add3A_217 = arith.constant 3 : i32
        %add3A_218 = arith.addi %mul3A_216, %add3A_217 : i32
        %add3A_219 = arith.constant 2 : i32
        %add3A_220 = arith.addi %add3A_218, %add3A_219 : i32
        %lt3A_221 = arith.constant 56 : i32
        %lt3A_222 = arith.cmpi slt, %add3A_220, %lt3A_221 : i32
        %convert_element_type3A_223 = arith.extui %lt3A_222 : i1 to i32
        %cond3A_224 = arith.constant 0 : i32
        %cond3A_225 = arith.cmpi ne, %convert_element_type3A_223, %cond3A_224 : i32
        scf.if %cond3A_225 {
          %ge3A = arith.constant 2 : i32
          %ge3A_249 = arith.cmpi sge, %add3A_218, %ge3A : i32
          %gt3A_250 = arith.constant 0 : i32
          %gt3A_251 = arith.cmpi sgt, %add3A_67, %gt3A_250 : i32
          %or3A = arith.ori %ge3A_249, %gt3A_251 : i1
          %convert_element_type3A_252 = arith.extui %or3A : i1 to i32
          %cond3A_253 = arith.constant 0 : i32
          %cond3A_254 = arith.cmpi ne, %convert_element_type3A_252, %cond3A_253 : i32
          scf.if %cond3A_254 {
            %dma_wait3A_266 = arith.constant 1 : i32
            %dma_wait3A_267 = arith.constant 0 : i32
            %dma_wait3A_268 = arith.constant 0 : i32
            %dma_wait3A_269 = arith.constant 0 : i32
            %dma_wait3A_270 = tpu.memref_slice %arg9[%dma_wait3A_266, %dma_wait3A_268, %dma_wait3A_269] : memref<4x128x16xf32, #tpu.memory_space<vmem>> -> memref<1x128x16xf32, #tpu.memory_space<vmem>>
            %dma_wait3A_271 = tpu.memref_squeeze %dma_wait3A_270 : memref<1x128x16xf32, #tpu.memory_space<vmem>> -> memref<128x16xf32, #tpu.memory_space<vmem>>
            %dma_wait3A_272 = arith.constant 0 : i32
            %dma_wait3A_273 = tpu.memref_slice %arg8[%dma_wait3A_267, %dma_wait3A_272] : memref<56x128xi32, #tpu.memory_space<vmem>> -> memref<1x128xi32, #tpu.memory_space<vmem>>
            %dma_wait3A_274 = tpu.memref_squeeze %dma_wait3A_273 : memref<1x128xi32, #tpu.memory_space<vmem>> -> memref<128xi32, #tpu.memory_space<vmem>>
            %dma_wait3A_275 = arith.constant 0 : i32
            %dma_wait3A_276 = arith.constant 0 : i32
            %dma_wait3A_277 = tpu.memref_slice %arg10[%dma_wait3A_275, %dma_wait3A_276] : memref<100096x16xf32, #tpu.memory_space<vmem_shared>> -> memref<100096x16xf32, #tpu.memory_space<vmem_shared>>
            tpu.wait_indirect_dma semaphore(%arg16 : memref<!tpu.dma_semaphore, #tpu.memory_space<semaphore_mem>>) src(%dma_wait3A_271 : memref<128x16xf32, #tpu.memory_space<vmem>>) dst(%dma_wait3A_277 : memref<100096x16xf32, #tpu.memory_space<vmem_shared>>)
          } else {
          }
          %dma_start3A_255 = arith.constant 1 : i32
          %dma_start3A_256 = arith.constant 0 : i32
          %dma_start3A_257 = arith.constant 0 : i32
          %dma_start3A_258 = tpu.memref_slice %arg9[%dma_start3A_255, %dma_start3A_256, %dma_start3A_257] : memref<4x128x16xf32, #tpu.memory_space<vmem>> -> memref<1x128x16xf32, #tpu.memory_space<vmem>>
          %dma_start3A_259 = tpu.memref_squeeze %dma_start3A_258 : memref<1x128x16xf32, #tpu.memory_space<vmem>> -> memref<128x16xf32, #tpu.memory_space<vmem>>
          %dma_start3A_260 = arith.constant 0 : i32
          %dma_start3A_261 = tpu.memref_slice %arg7[%add3A_220, %dma_start3A_260] : memref<56x128xi32, #tpu.memory_space<vmem>> -> memref<1x128xi32, #tpu.memory_space<vmem>>
          %dma_start3A_262 = tpu.memref_squeeze %dma_start3A_261 : memref<1x128xi32, #tpu.memory_space<vmem>> -> memref<128xi32, #tpu.memory_space<vmem>>
          %dma_start3A_263 = arith.constant 0 : i32
          %dma_start3A_264 = arith.constant 0 : i32
          %dma_start3A_265 = tpu.memref_slice %arg2[%dma_start3A_263, %dma_start3A_264] : memref<100096x16xf32, #tpu.memory_space<hbm>> -> memref<100096x16xf32, #tpu.memory_space<hbm>>
          tpu.enqueue_indirect_dma source(%dma_start3A_265 : memref<100096x16xf32, #tpu.memory_space<hbm>>) target(%dma_start3A_259 : memref<128x16xf32, #tpu.memory_space<vmem>>) offsets(%dma_start3A_262 : memref<128xi32, #tpu.memory_space<vmem>>) semaphore(%arg12 : memref<!tpu.dma_semaphore, #tpu.memory_space<semaphore_mem>>)
        } else {
        }
        %dma_wait3A_226 = arith.constant 0 : i32
        %dma_wait3A_227 = arith.constant 3 : i32
        %dma_wait3A_228 = arith.constant 0 : i32
        %dma_wait3A_229 = arith.constant 0 : i32
        %dma_wait3A_230 = tpu.memref_slice %arg9[%dma_wait3A_227, %dma_wait3A_228, %dma_wait3A_229] : memref<4x128x16xf32, #tpu.memory_space<vmem>> -> memref<1x128x16xf32, #tpu.memory_space<vmem>>
        %dma_wait3A_231 = tpu.memref_squeeze %dma_wait3A_230 : memref<1x128x16xf32, #tpu.memory_space<vmem>> -> memref<128x16xf32, #tpu.memory_space<vmem>>
        %dma_wait3A_232 = arith.constant 0 : i32
        %dma_wait3A_233 = tpu.memref_slice %arg7[%dma_wait3A_226, %dma_wait3A_232] : memref<56x128xi32, #tpu.memory_space<vmem>> -> memref<1x128xi32, #tpu.memory_space<vmem>>
        %dma_wait3A_234 = tpu.memref_squeeze %dma_wait3A_233 : memref<1x128xi32, #tpu.memory_space<vmem>> -> memref<128xi32, #tpu.memory_space<vmem>>
        %dma_wait3A_235 = arith.constant 0 : i32
        %dma_wait3A_236 = arith.constant 0 : i32
        %dma_wait3A_237 = tpu.memref_slice %arg2[%dma_wait3A_235, %dma_wait3A_236] : memref<100096x16xf32, #tpu.memory_space<hbm>> -> memref<100096x16xf32, #tpu.memory_space<hbm>>
        tpu.wait_indirect_dma semaphore(%arg14 : memref<!tpu.dma_semaphore, #tpu.memory_space<semaphore_mem>>) src(%dma_wait3A_237 : memref<100096x16xf32, #tpu.memory_space<hbm>>) dst(%dma_wait3A_231 : memref<128x16xf32, #tpu.memory_space<vmem>>)
        %dma_start3A_238 = arith.constant 3 : i32
        %dma_start3A_239 = arith.constant 0 : i32
        %dma_start3A_240 = arith.constant 0 : i32
        %dma_start3A_241 = tpu.memref_slice %arg9[%dma_start3A_238, %dma_start3A_239, %dma_start3A_240] : memref<4x128x16xf32, #tpu.memory_space<vmem>> -> memref<1x128x16xf32, #tpu.memory_space<vmem>>
        %dma_start3A_242 = tpu.memref_squeeze %dma_start3A_241 : memref<1x128x16xf32, #tpu.memory_space<vmem>> -> memref<128x16xf32, #tpu.memory_space<vmem>>
        %dma_start3A_243 = arith.constant 0 : i32
        %dma_start3A_244 = tpu.memref_slice %arg8[%add3A_218, %dma_start3A_243] : memref<56x128xi32, #tpu.memory_space<vmem>> -> memref<1x128xi32, #tpu.memory_space<vmem>>
        %dma_start3A_245 = tpu.memref_squeeze %dma_start3A_244 : memref<1x128xi32, #tpu.memory_space<vmem>> -> memref<128xi32, #tpu.memory_space<vmem>>
        %dma_start3A_246 = arith.constant 0 : i32
        %dma_start3A_247 = arith.constant 0 : i32
        %dma_start3A_248 = tpu.memref_slice %arg10[%dma_start3A_246, %dma_start3A_247] : memref<100096x16xf32, #tpu.memory_space<vmem_shared>> -> memref<100096x16xf32, #tpu.memory_space<vmem_shared>>
        tpu.enqueue_indirect_dma source(%dma_start3A_242 : memref<128x16xf32, #tpu.memory_space<vmem>>) target(%dma_start3A_248 : memref<100096x16xf32, #tpu.memory_space<vmem_shared>>) offsets(%dma_start3A_245 : memref<128xi32, #tpu.memory_space<vmem>>) semaphore(%arg18 : memref<!tpu.dma_semaphore, #tpu.memory_space<semaphore_mem>>) {add = true}
      }
      %scan3A_108 = arith.constant 14 : i32
    }
    %scan3A_10 = arith.constant 14 : i32
    %dma_wait3A = arith.constant 0 : i32
    %dma_wait3A_11 = arith.constant 0 : i32
    %dma_wait3A_12 = arith.constant 0 : i32
    %dma_wait3A_13 = arith.constant 0 : i32
    %dma_wait3A_14 = tpu.memref_slice %arg9[%dma_wait3A, %dma_wait3A_12, %dma_wait3A_13] : memref<4x128x16xf32, #tpu.memory_space<vmem>> -> memref<1x128x16xf32, #tpu.memory_space<vmem>>
    %dma_wait3A_15 = tpu.memref_squeeze %dma_wait3A_14 : memref<1x128x16xf32, #tpu.memory_space<vmem>> -> memref<128x16xf32, #tpu.memory_space<vmem>>
    %dma_wait3A_16 = arith.constant 0 : i32
    %dma_wait3A_17 = tpu.memref_slice %arg8[%dma_wait3A_11, %dma_wait3A_16] : memref<56x128xi32, #tpu.memory_space<vmem>> -> memref<1x128xi32, #tpu.memory_space<vmem>>
    %dma_wait3A_18 = tpu.memref_squeeze %dma_wait3A_17 : memref<1x128xi32, #tpu.memory_space<vmem>> -> memref<128xi32, #tpu.memory_space<vmem>>
    %dma_wait3A_19 = arith.constant 0 : i32
    %dma_wait3A_20 = arith.constant 0 : i32
    %dma_wait3A_21 = tpu.memref_slice %arg10[%dma_wait3A_19, %dma_wait3A_20] : memref<100096x16xf32, #tpu.memory_space<vmem_shared>> -> memref<100096x16xf32, #tpu.memory_space<vmem_shared>>
    tpu.wait_indirect_dma semaphore(%arg15 : memref<!tpu.dma_semaphore, #tpu.memory_space<semaphore_mem>>) src(%dma_wait3A_15 : memref<128x16xf32, #tpu.memory_space<vmem>>) dst(%dma_wait3A_21 : memref<100096x16xf32, #tpu.memory_space<vmem_shared>>)
    %dma_wait3A_22 = arith.constant 1 : i32
    %dma_wait3A_23 = arith.constant 0 : i32
    %dma_wait3A_24 = arith.constant 0 : i32
    %dma_wait3A_25 = arith.constant 0 : i32
    %dma_wait3A_26 = tpu.memref_slice %arg9[%dma_wait3A_22, %dma_wait3A_24, %dma_wait3A_25] : memref<4x128x16xf32, #tpu.memory_space<vmem>> -> memref<1x128x16xf32, #tpu.memory_space<vmem>>
    %dma_wait3A_27 = tpu.memref_squeeze %dma_wait3A_26 : memref<1x128x16xf32, #tpu.memory_space<vmem>> -> memref<128x16xf32, #tpu.memory_space<vmem>>
    %dma_wait3A_28 = arith.constant 0 : i32
    %dma_wait3A_29 = tpu.memref_slice %arg8[%dma_wait3A_23, %dma_wait3A_28] : memref<56x128xi32, #tpu.memory_space<vmem>> -> memref<1x128xi32, #tpu.memory_space<vmem>>
    %dma_wait3A_30 = tpu.memref_squeeze %dma_wait3A_29 : memref<1x128xi32, #tpu.memory_space<vmem>> -> memref<128xi32, #tpu.memory_space<vmem>>
    %dma_wait3A_31 = arith.constant 0 : i32
    %dma_wait3A_32 = arith.constant 0 : i32
    %dma_wait3A_33 = tpu.memref_slice %arg10[%dma_wait3A_31, %dma_wait3A_32] : memref<100096x16xf32, #tpu.memory_space<vmem_shared>> -> memref<100096x16xf32, #tpu.memory_space<vmem_shared>>
    tpu.wait_indirect_dma semaphore(%arg16 : memref<!tpu.dma_semaphore, #tpu.memory_space<semaphore_mem>>) src(%dma_wait3A_27 : memref<128x16xf32, #tpu.memory_space<vmem>>) dst(%dma_wait3A_33 : memref<100096x16xf32, #tpu.memory_space<vmem_shared>>)
    %dma_wait3A_34 = arith.constant 2 : i32
    %dma_wait3A_35 = arith.constant 0 : i32
    %dma_wait3A_36 = arith.constant 0 : i32
    %dma_wait3A_37 = arith.constant 0 : i32
    %dma_wait3A_38 = tpu.memref_slice %arg9[%dma_wait3A_34, %dma_wait3A_36, %dma_wait3A_37] : memref<4x128x16xf32, #tpu.memory_space<vmem>> -> memref<1x128x16xf32, #tpu.memory_space<vmem>>
    %dma_wait3A_39 = tpu.memref_squeeze %dma_wait3A_38 : memref<1x128x16xf32, #tpu.memory_space<vmem>> -> memref<128x16xf32, #tpu.memory_space<vmem>>
    %dma_wait3A_40 = arith.constant 0 : i32
    %dma_wait3A_41 = tpu.memref_slice %arg8[%dma_wait3A_35, %dma_wait3A_40] : memref<56x128xi32, #tpu.memory_space<vmem>> -> memref<1x128xi32, #tpu.memory_space<vmem>>
    %dma_wait3A_42 = tpu.memref_squeeze %dma_wait3A_41 : memref<1x128xi32, #tpu.memory_space<vmem>> -> memref<128xi32, #tpu.memory_space<vmem>>
    %dma_wait3A_43 = arith.constant 0 : i32
    %dma_wait3A_44 = arith.constant 0 : i32
    %dma_wait3A_45 = tpu.memref_slice %arg10[%dma_wait3A_43, %dma_wait3A_44] : memref<100096x16xf32, #tpu.memory_space<vmem_shared>> -> memref<100096x16xf32, #tpu.memory_space<vmem_shared>>
    tpu.wait_indirect_dma semaphore(%arg17 : memref<!tpu.dma_semaphore, #tpu.memory_space<semaphore_mem>>) src(%dma_wait3A_39 : memref<128x16xf32, #tpu.memory_space<vmem>>) dst(%dma_wait3A_45 : memref<100096x16xf32, #tpu.memory_space<vmem_shared>>)
    %dma_wait3A_46 = arith.constant 3 : i32
    %dma_wait3A_47 = arith.constant 0 : i32
    %dma_wait3A_48 = arith.constant 0 : i32
    %dma_wait3A_49 = arith.constant 0 : i32
    %dma_wait3A_50 = tpu.memref_slice %arg9[%dma_wait3A_46, %dma_wait3A_48, %dma_wait3A_49] : memref<4x128x16xf32, #tpu.memory_space<vmem>> -> memref<1x128x16xf32, #tpu.memory_space<vmem>>
    %dma_wait3A_51 = tpu.memref_squeeze %dma_wait3A_50 : memref<1x128x16xf32, #tpu.memory_space<vmem>> -> memref<128x16xf32, #tpu.memory_space<vmem>>
    %dma_wait3A_52 = arith.constant 0 : i32
    %dma_wait3A_53 = tpu.memref_slice %arg8[%dma_wait3A_47, %dma_wait3A_52] : memref<56x128xi32, #tpu.memory_space<vmem>> -> memref<1x128xi32, #tpu.memory_space<vmem>>
    %dma_wait3A_54 = tpu.memref_squeeze %dma_wait3A_53 : memref<1x128xi32, #tpu.memory_space<vmem>> -> memref<128xi32, #tpu.memory_space<vmem>>
    %dma_wait3A_55 = arith.constant 0 : i32
    %dma_wait3A_56 = arith.constant 0 : i32
    %dma_wait3A_57 = tpu.memref_slice %arg10[%dma_wait3A_55, %dma_wait3A_56] : memref<100096x16xf32, #tpu.memory_space<vmem_shared>> -> memref<100096x16xf32, #tpu.memory_space<vmem_shared>>
    tpu.wait_indirect_dma semaphore(%arg18 : memref<!tpu.dma_semaphore, #tpu.memory_space<semaphore_mem>>) src(%dma_wait3A_51 : memref<128x16xf32, #tpu.memory_space<vmem>>) dst(%dma_wait3A_57 : memref<100096x16xf32, #tpu.memory_space<vmem_shared>>)
    %barrier3A_58 = arith.constant 0 : index
    tpu.barrier barrier_id(%barrier3A_58)
    %mul3A_59 = arith.constant 6256 : i32
    %mul3A_60 = arith.muli %arg1, %mul3A_59 : i32
    %mul3A_61 = arith.constant 6256 : i32
    %mul3A_62 = arith.muli %arg1, %mul3A_61 : i32
    "tpu.region"() ({
      %run_scoped3A = tpu.sem_alloc : memref<!tpu.dma_semaphore, #tpu.memory_space<semaphore_mem>>
      %dma_start3A = arith.constant 0 : i32
      %dma_start3A_63 = tpu.memref_slice %arg6[%arg0, %mul3A_62, %dma_start3A] : memref<2x100096x16xf32, #tpu.memory_space<hbm>> -> memref<1x6256x16xf32, #tpu.memory_space<hbm>>
      %dma_start3A_64 = tpu.memref_squeeze %dma_start3A_63 : memref<1x6256x16xf32, #tpu.memory_space<hbm>> -> memref<6256x16xf32, #tpu.memory_space<hbm>>
      %dma_start3A_65 = arith.constant 0 : i32
      %dma_start3A_66 = tpu.memref_slice %arg10[%mul3A_60, %dma_start3A_65] : memref<100096x16xf32, #tpu.memory_space<vmem_shared>> -> memref<6256x16xf32, #tpu.memory_space<vmem_shared>>
      tpu.enqueue_dma source(%dma_start3A_66 : memref<6256x16xf32, #tpu.memory_space<vmem_shared>>) target(%dma_start3A_64 : memref<6256x16xf32, #tpu.memory_space<hbm>>) target_semaphore(%run_scoped3A : memref<!tpu.dma_semaphore, #tpu.memory_space<semaphore_mem>>)
      %dma_wait3A_67 = arith.constant 0 : i32
      %dma_wait3A_68 = tpu.memref_slice %arg6[%arg0, %mul3A_62, %dma_wait3A_67] : memref<2x100096x16xf32, #tpu.memory_space<hbm>> -> memref<1x6256x16xf32, #tpu.memory_space<hbm>>
      %dma_wait3A_69 = tpu.memref_squeeze %dma_wait3A_68 : memref<1x6256x16xf32, #tpu.memory_space<hbm>> -> memref<6256x16xf32, #tpu.memory_space<hbm>>
      %dma_wait3A_70 = arith.constant 0 : i32
      %dma_wait3A_71 = tpu.memref_slice %arg10[%mul3A_60, %dma_wait3A_70] : memref<100096x16xf32, #tpu.memory_space<vmem_shared>> -> memref<6256x16xf32, #tpu.memory_space<vmem_shared>>
      tpu.wait_dma2 semaphore(%run_scoped3A : memref<!tpu.dma_semaphore, #tpu.memory_space<semaphore_mem>>) src(%dma_wait3A_71 : memref<6256x16xf32, #tpu.memory_space<vmem_shared>>) dst(%dma_wait3A_69 : memref<6256x16xf32, #tpu.memory_space<hbm>>)
      tpu.yield
    }) : () -> ()
    return
  }
}

#map = affine_map<(d0, d1) -> (0, 0)>
#map1 = affine_map<(d0, d1) -> (0, 0, 0)>
module attributes {stable_mosaic.version = 14 : i64} {
  func.func @agg_kernel(%arg0: i32, %arg1: i32, %arg2: memref<100096x16xf32, #tpu.memory_space<hbm>>, %arg3: memref<25088x128xi32, #tpu.memory_space<hbm>>, %arg4: memref<25088x128xi32, #tpu.memory_space<hbm>>, %arg5: memref<100096x16xf32, #tpu.memory_space<hbm>>, %arg6: memref<2x100096x16xf32, #tpu.memory_space<hbm>>, %arg7: memref<56x128xi32, #tpu.memory_space<vmem>>, %arg8: memref<56x128xi32, #tpu.memory_space<vmem>>, %arg9: memref<4x128x16xf32, #tpu.memory_space<vmem>>, %arg10: memref<100096x16xf32, #tpu.memory_space<vmem_shared>>, %arg11: memref<!tpu.dma_semaphore, #tpu.memory_space<semaphore_mem>>, %arg12: memref<!tpu.dma_semaphore, #tpu.memory_space<semaphore_mem>>, %arg13: memref<!tpu.dma_semaphore, #tpu.memory_space<semaphore_mem>>, %arg14: memref<!tpu.dma_semaphore, #tpu.memory_space<semaphore_mem>>, %arg15: memref<!tpu.dma_semaphore, #tpu.memory_space<semaphore_mem>>, %arg16: memref<!tpu.dma_semaphore, #tpu.memory_space<semaphore_mem>>, %arg17: memref<!tpu.dma_semaphore, #tpu.memory_space<semaphore_mem>>, %arg18: memref<!tpu.dma_semaphore, #tpu.memory_space<semaphore_mem>>) attributes {dimension_semantics = [#tpu.dimension_semantics<core_parallel>, #tpu.dimension_semantics<subcore_parallel>], iteration_bounds = array<i64: 2, 16>, scalar_prefetch = 0 : i64, scratch_operands = 12 : i64, tpu.core_type = #tpu.core_type<sc_vector_subcore>, window_params = [{transform_indices = #map}, {transform_indices = #map}, {transform_indices = #map}, {transform_indices = #map}, {transform_indices = #map1}]} {
    %mul3A = arith.constant 16 : i32
    %mul3A_0 = arith.muli %arg0, %mul3A : i32
    %add3A = arith.addi %mul3A_0, %arg1 : i32
    %mul3A_1 = arith.constant 6256 : i32
    %mul3A_2 = arith.muli %arg1, %mul3A_1 : i32
    %mul3A_3 = arith.constant 6256 : i32
    %mul3A_4 = arith.muli %arg1, %mul3A_3 : i32
    "tpu.region"() ({
      %run_scoped3A = tpu.sem_alloc : memref<!tpu.dma_semaphore, #tpu.memory_space<semaphore_mem>>
      %dma_start3A = arith.constant 0 : i32
      %dma_start3A_63 = tpu.memref_slice %arg10[%mul3A_4, %dma_start3A] : memref<100096x16xf32, #tpu.memory_space<vmem_shared>> -> memref<6256x16xf32, #tpu.memory_space<vmem_shared>>
      %dma_start3A_64 = arith.constant 0 : i32
      %dma_start3A_65 = tpu.memref_slice %arg5[%mul3A_2, %dma_start3A_64] : memref<100096x16xf32, #tpu.memory_space<hbm>> -> memref<6256x16xf32, #tpu.memory_space<hbm>>
      tpu.enqueue_dma source(%dma_start3A_65 : memref<6256x16xf32, #tpu.memory_space<hbm>>) target(%dma_start3A_63 : memref<6256x16xf32, #tpu.memory_space<vmem_shared>>) target_semaphore(%run_scoped3A : memref<!tpu.dma_semaphore, #tpu.memory_space<semaphore_mem>>)
      %dma_wait3A_66 = arith.constant 0 : i32
      %dma_wait3A_67 = tpu.memref_slice %arg10[%mul3A_4, %dma_wait3A_66] : memref<100096x16xf32, #tpu.memory_space<vmem_shared>> -> memref<6256x16xf32, #tpu.memory_space<vmem_shared>>
      %dma_wait3A_68 = arith.constant 0 : i32
      %dma_wait3A_69 = tpu.memref_slice %arg5[%mul3A_2, %dma_wait3A_68] : memref<100096x16xf32, #tpu.memory_space<hbm>> -> memref<6256x16xf32, #tpu.memory_space<hbm>>
      tpu.wait_dma2 semaphore(%run_scoped3A : memref<!tpu.dma_semaphore, #tpu.memory_space<semaphore_mem>>) src(%dma_wait3A_69 : memref<6256x16xf32, #tpu.memory_space<hbm>>) dst(%dma_wait3A_67 : memref<6256x16xf32, #tpu.memory_space<vmem_shared>>)
      tpu.yield
    }) : () -> ()
    %barrier3A = arith.constant 0 : index
    tpu.barrier barrier_id(%barrier3A)
    %mul3A_5 = arith.constant 784 : i32
    %mul3A_6 = arith.muli %add3A, %mul3A_5 : i32
    %scan3A = arith.constant 0 : i32
    %scan3A_7 = arith.constant 14 : i32
    %scan3A_8 = arith.addi %scan3A, %scan3A_7 : i32
    %scan3A_9 = arith.constant 1 : i32
    scf.for %scan3A_63 = %scan3A to %scan3A_8 step %scan3A_9  : i32 {
      %mul3A_64 = arith.constant 1 : i32
      %mul3A_65 = arith.muli %scan3A_63, %mul3A_64 : i32
      %add3A_66 = arith.constant 0 : i32
      %add3A_67 = arith.addi %add3A_66, %mul3A_65 : i32
      %mul3A_68 = arith.constant 56 : i32
      %mul3A_69 = arith.muli %add3A_67, %mul3A_68 : i32
      %add3A_70 = arith.addi %mul3A_6, %mul3A_69 : i32
      "tpu.region"() ({
        %run_scoped3A = tpu.sem_alloc : memref<!tpu.dma_semaphore, #tpu.memory_space<semaphore_mem>>
        %dma_start3A_109 = arith.constant 0 : i32
        %dma_start3A_110 = tpu.memref_slice %arg3[%add3A_70, %dma_start3A_109] : memref<25088x128xi32, #tpu.memory_space<hbm>> -> memref<56x128xi32, #tpu.memory_space<hbm>>
        %dma_start3A_111 = arith.constant 0 : i32
        %dma_start3A_112 = tpu.memref_slice %arg3[%add3A_70, %dma_start3A_111] : memref<25088x128xi32, #tpu.memory_space<hbm>> -> memref<56x128xi32, #tpu.memory_space<hbm>>
        tpu.enqueue_dma source(%dma_start3A_112 : memref<56x128xi32, #tpu.memory_space<hbm>>) target(%arg7 : memref<56x128xi32, #tpu.memory_space<vmem>>) target_semaphore(%run_scoped3A : memref<!tpu.dma_semaphore, #tpu.memory_space<semaphore_mem>>)
        %dma_wait3A_113 = arith.constant 0 : i32
        %dma_wait3A_114 = tpu.memref_slice %arg3[%add3A_70, %dma_wait3A_113] : memref<25088x128xi32, #tpu.memory_space<hbm>> -> memref<56x128xi32, #tpu.memory_space<hbm>>
        %dma_wait3A_115 = arith.constant 0 : i32
        %dma_wait3A_116 = tpu.memref_slice %arg3[%add3A_70, %dma_wait3A_115] : memref<25088x128xi32, #tpu.memory_space<hbm>> -> memref<56x128xi32, #tpu.memory_space<hbm>>
        tpu.wait_dma2 semaphore(%run_scoped3A : memref<!tpu.dma_semaphore, #tpu.memory_space<semaphore_mem>>) src(%dma_wait3A_116 : memref<56x128xi32, #tpu.memory_space<hbm>>) dst(%arg7 : memref<56x128xi32, #tpu.memory_space<vmem>>)
        tpu.yield
      }) : () -> ()
      %mul3A_71 = arith.constant 56 : i32
      %mul3A_72 = arith.muli %add3A_67, %mul3A_71 : i32
      %add3A_73 = arith.addi %mul3A_6, %mul3A_72 : i32
      "tpu.region"() ({
        %run_scoped3A = tpu.sem_alloc : memref<!tpu.dma_semaphore, #tpu.memory_space<semaphore_mem>>
        %dma_start3A_109 = arith.constant 0 : i32
        %dma_start3A_110 = tpu.memref_slice %arg4[%add3A_73, %dma_start3A_109] : memref<25088x128xi32, #tpu.memory_space<hbm>> -> memref<56x128xi32, #tpu.memory_space<hbm>>
        %dma_start3A_111 = arith.constant 0 : i32
        %dma_start3A_112 = tpu.memref_slice %arg4[%add3A_73, %dma_start3A_111] : memref<25088x128xi32, #tpu.memory_space<hbm>> -> memref<56x128xi32, #tpu.memory_space<hbm>>
        tpu.enqueue_dma source(%dma_start3A_112 : memref<56x128xi32, #tpu.memory_space<hbm>>) target(%arg8 : memref<56x128xi32, #tpu.memory_space<vmem>>) target_semaphore(%run_scoped3A : memref<!tpu.dma_semaphore, #tpu.memory_space<semaphore_mem>>)
        %dma_wait3A_113 = arith.constant 0 : i32
        %dma_wait3A_114 = tpu.memref_slice %arg4[%add3A_73, %dma_wait3A_113] : memref<25088x128xi32, #tpu.memory_space<hbm>> -> memref<56x128xi32, #tpu.memory_space<hbm>>
        %dma_wait3A_115 = arith.constant 0 : i32
        %dma_wait3A_116 = tpu.memref_slice %arg4[%add3A_73, %dma_wait3A_115] : memref<25088x128xi32, #tpu.memory_space<hbm>> -> memref<56x128xi32, #tpu.memory_space<hbm>>
        tpu.wait_dma2 semaphore(%run_scoped3A : memref<!tpu.dma_semaphore, #tpu.memory_space<semaphore_mem>>) src(%dma_wait3A_116 : memref<56x128xi32, #tpu.memory_space<hbm>>) dst(%arg8 : memref<56x128xi32, #tpu.memory_space<vmem>>)
        tpu.yield
      }) : () -> ()
      %gt3A = arith.constant 0 : i32
      %gt3A_74 = arith.cmpi sgt, %add3A_67, %gt3A : i32
      %convert_element_type3A = arith.extui %gt3A_74 : i1 to i32
      %cond3A = arith.constant 0 : i32
      %cond3A_75 = arith.cmpi ne, %convert_element_type3A, %cond3A : i32
      scf.if %cond3A_75 {
        %dma_wait3A_109 = arith.constant 0 : i32
        %dma_wait3A_110 = arith.constant 0 : i32
        %dma_wait3A_111 = arith.constant 0 : i32
        %dma_wait3A_112 = arith.constant 0 : i32
        %dma_wait3A_113 = tpu.memref_slice %arg9[%dma_wait3A_109, %dma_wait3A_111, %dma_wait3A_112] : memref<4x128x16xf32, #tpu.memory_space<vmem>> -> memref<1x128x16xf32, #tpu.memory_space<vmem>>
        %dma_wait3A_114 = tpu.memref_squeeze %dma_wait3A_113 : memref<1x128x16xf32, #tpu.memory_space<vmem>> -> memref<128x16xf32, #tpu.memory_space<vmem>>
        %dma_wait3A_115 = arith.constant 0 : i32
        %dma_wait3A_116 = tpu.memref_slice %arg8[%dma_wait3A_110, %dma_wait3A_115] : memref<56x128xi32, #tpu.memory_space<vmem>> -> memref<1x128xi32, #tpu.memory_space<vmem>>
        %dma_wait3A_117 = tpu.memref_squeeze %dma_wait3A_116 : memref<1x128xi32, #tpu.memory_space<vmem>> -> memref<128xi32, #tpu.memory_space<vmem>>
        %dma_wait3A_118 = arith.constant 0 : i32
        %dma_wait3A_119 = arith.constant 0 : i32
        %dma_wait3A_120 = tpu.memref_slice %arg10[%dma_wait3A_118, %dma_wait3A_119] : memref<100096x16xf32, #tpu.memory_space<vmem_shared>> -> memref<100096x16xf32, #tpu.memory_space<vmem_shared>>
        tpu.wait_indirect_dma semaphore(%arg15 : memref<!tpu.dma_semaphore, #tpu.memory_space<semaphore_mem>>) src(%dma_wait3A_114 : memref<128x16xf32, #tpu.memory_space<vmem>>) dst(%dma_wait3A_120 : memref<100096x16xf32, #tpu.memory_space<vmem_shared>>)
      } else {
      }
      %dma_start3A = arith.constant 0 : i32
      %dma_start3A_76 = arith.constant 0 : i32
      %dma_start3A_77 = arith.constant 0 : i32
      %dma_start3A_78 = arith.constant 0 : i32
      %dma_start3A_79 = tpu.memref_slice %arg9[%dma_start3A_76, %dma_start3A_77, %dma_start3A_78] : memref<4x128x16xf32, #tpu.memory_space<vmem>> -> memref<1x128x16xf32, #tpu.memory_space<vmem>>
      %dma_start3A_80 = tpu.memref_squeeze %dma_start3A_79 : memref<1x128x16xf32, #tpu.memory_space<vmem>> -> memref<128x16xf32, #tpu.memory_space<vmem>>
      %dma_start3A_81 = arith.constant 0 : i32
      %dma_start3A_82 = tpu.memref_slice %arg7[%dma_start3A, %dma_start3A_81] : memref<56x128xi32, #tpu.memory_space<vmem>> -> memref<1x128xi32, #tpu.memory_space<vmem>>
      %dma_start3A_83 = tpu.memref_squeeze %dma_start3A_82 : memref<1x128xi32, #tpu.memory_space<vmem>> -> memref<128xi32, #tpu.memory_space<vmem>>
      %dma_start3A_84 = arith.constant 0 : i32
      %dma_start3A_85 = arith.constant 0 : i32
      %dma_start3A_86 = tpu.memref_slice %arg2[%dma_start3A_84, %dma_start3A_85] : memref<100096x16xf32, #tpu.memory_space<hbm>> -> memref<100096x16xf32, #tpu.memory_space<hbm>>
      tpu.enqueue_indirect_dma source(%dma_start3A_86 : memref<100096x16xf32, #tpu.memory_space<hbm>>) target(%dma_start3A_80 : memref<128x16xf32, #tpu.memory_space<vmem>>) offsets(%dma_start3A_83 : memref<128xi32, #tpu.memory_space<vmem>>) semaphore(%arg11 : memref<!tpu.dma_semaphore, #tpu.memory_space<semaphore_mem>>)
      %gt3A_87 = arith.constant 0 : i32
      %gt3A_88 = arith.cmpi sgt, %add3A_67, %gt3A_87 : i32
      %convert_element_type3A_89 = arith.extui %gt3A_88 : i1 to i32
      %cond3A_90 = arith.constant 0 : i32
      %cond3A_91 = arith.cmpi ne, %convert_element_type3A_89, %cond3A_90 : i32
      scf.if %cond3A_91 {
        %dma_wait3A_109 = arith.constant 1 : i32
        %dma_wait3A_110 = arith.constant 0 : i32
        %dma_wait3A_111 = arith.constant 0 : i32
        %dma_wait3A_112 = arith.constant 0 : i32
        %dma_wait3A_113 = tpu.memref_slice %arg9[%dma_wait3A_109, %dma_wait3A_111, %dma_wait3A_112] : memref<4x128x16xf32, #tpu.memory_space<vmem>> -> memref<1x128x16xf32, #tpu.memory_space<vmem>>
        %dma_wait3A_114 = tpu.memref_squeeze %dma_wait3A_113 : memref<1x128x16xf32, #tpu.memory_space<vmem>> -> memref<128x16xf32, #tpu.memory_space<vmem>>
        %dma_wait3A_115 = arith.constant 0 : i32
        %dma_wait3A_116 = tpu.memref_slice %arg8[%dma_wait3A_110, %dma_wait3A_115] : memref<56x128xi32, #tpu.memory_space<vmem>> -> memref<1x128xi32, #tpu.memory_space<vmem>>
        %dma_wait3A_117 = tpu.memref_squeeze %dma_wait3A_116 : memref<1x128xi32, #tpu.memory_space<vmem>> -> memref<128xi32, #tpu.memory_space<vmem>>
        %dma_wait3A_118 = arith.constant 0 : i32
        %dma_wait3A_119 = arith.constant 0 : i32
        %dma_wait3A_120 = tpu.memref_slice %arg10[%dma_wait3A_118, %dma_wait3A_119] : memref<100096x16xf32, #tpu.memory_space<vmem_shared>> -> memref<100096x16xf32, #tpu.memory_space<vmem_shared>>
        tpu.wait_indirect_dma semaphore(%arg16 : memref<!tpu.dma_semaphore, #tpu.memory_space<semaphore_mem>>) src(%dma_wait3A_114 : memref<128x16xf32, #tpu.memory_space<vmem>>) dst(%dma_wait3A_120 : memref<100096x16xf32, #tpu.memory_space<vmem_shared>>)
      } else {
      }
      %dma_start3A_92 = arith.constant 1 : i32
      %dma_start3A_93 = arith.constant 1 : i32
      %dma_start3A_94 = arith.constant 0 : i32
      %dma_start3A_95 = arith.constant 0 : i32
      %dma_start3A_96 = tpu.memref_slice %arg9[%dma_start3A_93, %dma_start3A_94, %dma_start3A_95] : memref<4x128x16xf32, #tpu.memory_space<vmem>> -> memref<1x128x16xf32, #tpu.memory_space<vmem>>
      %dma_start3A_97 = tpu.memref_squeeze %dma_start3A_96 : memref<1x128x16xf32, #tpu.memory_space<vmem>> -> memref<128x16xf32, #tpu.memory_space<vmem>>
      %dma_start3A_98 = arith.constant 0 : i32
      %dma_start3A_99 = tpu.memref_slice %arg7[%dma_start3A_92, %dma_start3A_98] : memref<56x128xi32, #tpu.memory_space<vmem>> -> memref<1x128xi32, #tpu.memory_space<vmem>>
      %dma_start3A_100 = tpu.memref_squeeze %dma_start3A_99 : memref<1x128xi32, #tpu.memory_space<vmem>> -> memref<128xi32, #tpu.memory_space<vmem>>
      %dma_start3A_101 = arith.constant 0 : i32
      %dma_start3A_102 = arith.constant 0 : i32
      %dma_start3A_103 = tpu.memref_slice %arg2[%dma_start3A_101, %dma_start3A_102] : memref<100096x16xf32, #tpu.memory_space<hbm>> -> memref<100096x16xf32, #tpu.memory_space<hbm>>
      tpu.enqueue_indirect_dma source(%dma_start3A_103 : memref<100096x16xf32, #tpu.memory_space<hbm>>) target(%dma_start3A_97 : memref<128x16xf32, #tpu.memory_space<vmem>>) offsets(%dma_start3A_100 : memref<128xi32, #tpu.memory_space<vmem>>) semaphore(%arg12 : memref<!tpu.dma_semaphore, #tpu.memory_space<semaphore_mem>>)
      %scan3A_104 = arith.constant 0 : i32
      %scan3A_105 = arith.constant 14 : i32
      %scan3A_106 = arith.addi %scan3A_104, %scan3A_105 : i32
      %scan3A_107 = arith.constant 1 : i32
      scf.for %scan3A_109 = %scan3A_104 to %scan3A_106 step %scan3A_107  : i32 {
        %mul3A_110 = arith.constant 1 : i32
        %mul3A_111 = arith.muli %scan3A_109, %mul3A_110 : i32
        %add3A_112 = arith.constant 0 : i32
        %add3A_113 = arith.addi %add3A_112, %mul3A_111 : i32
        %mul3A_114 = arith.constant 4 : i32
        %mul3A_115 = arith.muli %mul3A_114, %add3A_113 : i32
        %add3A_116 = arith.constant 0 : i32
        %add3A_117 = arith.addi %mul3A_115, %add3A_116 : i32
        %add3A_118 = arith.constant 2 : i32
        %add3A_119 = arith.addi %add3A_117, %add3A_118 : i32
        %lt3A = arith.constant 56 : i32
        %lt3A_120 = arith.cmpi slt, %add3A_119, %lt3A : i32
        %convert_element_type3A_121 = arith.extui %lt3A_120 : i1 to i32
        %cond3A_122 = arith.constant 0 : i32
        %cond3A_123 = arith.cmpi ne, %convert_element_type3A_121, %cond3A_122 : i32
        scf.if %cond3A_123 {
          %ge3A = arith.constant 2 : i32
          %ge3A_249 = arith.cmpi sge, %add3A_117, %ge3A : i32
          %gt3A_250 = arith.constant 0 : i32
          %gt3A_251 = arith.cmpi sgt, %add3A_67, %gt3A_250 : i32
          %or3A = arith.ori %ge3A_249, %gt3A_251 : i1
          %convert_element_type3A_252 = arith.extui %or3A : i1 to i32
          %cond3A_253 = arith.constant 0 : i32
          %cond3A_254 = arith.cmpi ne, %convert_element_type3A_252, %cond3A_253 : i32
          scf.if %cond3A_254 {
            %dma_wait3A_266 = arith.constant 2 : i32
            %dma_wait3A_267 = arith.constant 0 : i32
            %dma_wait3A_268 = arith.constant 0 : i32
            %dma_wait3A_269 = arith.constant 0 : i32
            %dma_wait3A_270 = tpu.memref_slice %arg9[%dma_wait3A_266, %dma_wait3A_268, %dma_wait3A_269] : memref<4x128x16xf32, #tpu.memory_space<vmem>> -> memref<1x128x16xf32, #tpu.memory_space<vmem>>
            %dma_wait3A_271 = tpu.memref_squeeze %dma_wait3A_270 : memref<1x128x16xf32, #tpu.memory_space<vmem>> -> memref<128x16xf32, #tpu.memory_space<vmem>>
            %dma_wait3A_272 = arith.constant 0 : i32
            %dma_wait3A_273 = tpu.memref_slice %arg8[%dma_wait3A_267, %dma_wait3A_272] : memref<56x128xi32, #tpu.memory_space<vmem>> -> memref<1x128xi32, #tpu.memory_space<vmem>>
            %dma_wait3A_274 = tpu.memref_squeeze %dma_wait3A_273 : memref<1x128xi32, #tpu.memory_space<vmem>> -> memref<128xi32, #tpu.memory_space<vmem>>
            %dma_wait3A_275 = arith.constant 0 : i32
            %dma_wait3A_276 = arith.constant 0 : i32
            %dma_wait3A_277 = tpu.memref_slice %arg10[%dma_wait3A_275, %dma_wait3A_276] : memref<100096x16xf32, #tpu.memory_space<vmem_shared>> -> memref<100096x16xf32, #tpu.memory_space<vmem_shared>>
            tpu.wait_indirect_dma semaphore(%arg17 : memref<!tpu.dma_semaphore, #tpu.memory_space<semaphore_mem>>) src(%dma_wait3A_271 : memref<128x16xf32, #tpu.memory_space<vmem>>) dst(%dma_wait3A_277 : memref<100096x16xf32, #tpu.memory_space<vmem_shared>>)
          } else {
          }
          %dma_start3A_255 = arith.constant 2 : i32
          %dma_start3A_256 = arith.constant 0 : i32
          %dma_start3A_257 = arith.constant 0 : i32
          %dma_start3A_258 = tpu.memref_slice %arg9[%dma_start3A_255, %dma_start3A_256, %dma_start3A_257] : memref<4x128x16xf32, #tpu.memory_space<vmem>> -> memref<1x128x16xf32, #tpu.memory_space<vmem>>
          %dma_start3A_259 = tpu.memref_squeeze %dma_start3A_258 : memref<1x128x16xf32, #tpu.memory_space<vmem>> -> memref<128x16xf32, #tpu.memory_space<vmem>>
          %dma_start3A_260 = arith.constant 0 : i32
          %dma_start3A_261 = tpu.memref_slice %arg7[%add3A_119, %dma_start3A_260] : memref<56x128xi32, #tpu.memory_space<vmem>> -> memref<1x128xi32, #tpu.memory_space<vmem>>
          %dma_start3A_262 = tpu.memref_squeeze %dma_start3A_261 : memref<1x128xi32, #tpu.memory_space<vmem>> -> memref<128xi32, #tpu.memory_space<vmem>>
          %dma_start3A_263 = arith.constant 0 : i32
          %dma_start3A_264 = arith.constant 0 : i32
          %dma_start3A_265 = tpu.memref_slice %arg2[%dma_start3A_263, %dma_start3A_264] : memref<100096x16xf32, #tpu.memory_space<hbm>> -> memref<100096x16xf32, #tpu.memory_space<hbm>>
          tpu.enqueue_indirect_dma source(%dma_start3A_265 : memref<100096x16xf32, #tpu.memory_space<hbm>>) target(%dma_start3A_259 : memref<128x16xf32, #tpu.memory_space<vmem>>) offsets(%dma_start3A_262 : memref<128xi32, #tpu.memory_space<vmem>>) semaphore(%arg13 : memref<!tpu.dma_semaphore, #tpu.memory_space<semaphore_mem>>)
        } else {
        }
        %dma_wait3A_124 = arith.constant 0 : i32
        %dma_wait3A_125 = arith.constant 0 : i32
        %dma_wait3A_126 = arith.constant 0 : i32
        %dma_wait3A_127 = arith.constant 0 : i32
        %dma_wait3A_128 = tpu.memref_slice %arg9[%dma_wait3A_125, %dma_wait3A_126, %dma_wait3A_127] : memref<4x128x16xf32, #tpu.memory_space<vmem>> -> memref<1x128x16xf32, #tpu.memory_space<vmem>>
        %dma_wait3A_129 = tpu.memref_squeeze %dma_wait3A_128 : memref<1x128x16xf32, #tpu.memory_space<vmem>> -> memref<128x16xf32, #tpu.memory_space<vmem>>
        %dma_wait3A_130 = arith.constant 0 : i32
        %dma_wait3A_131 = tpu.memref_slice %arg7[%dma_wait3A_124, %dma_wait3A_130] : memref<56x128xi32, #tpu.memory_space<vmem>> -> memref<1x128xi32, #tpu.memory_space<vmem>>
        %dma_wait3A_132 = tpu.memref_squeeze %dma_wait3A_131 : memref<1x128xi32, #tpu.memory_space<vmem>> -> memref<128xi32, #tpu.memory_space<vmem>>
        %dma_wait3A_133 = arith.constant 0 : i32
        %dma_wait3A_134 = arith.constant 0 : i32
        %dma_wait3A_135 = tpu.memref_slice %arg2[%dma_wait3A_133, %dma_wait3A_134] : memref<100096x16xf32, #tpu.memory_space<hbm>> -> memref<100096x16xf32, #tpu.memory_space<hbm>>
        tpu.wait_indirect_dma semaphore(%arg11 : memref<!tpu.dma_semaphore, #tpu.memory_space<semaphore_mem>>) src(%dma_wait3A_135 : memref<100096x16xf32, #tpu.memory_space<hbm>>) dst(%dma_wait3A_129 : memref<128x16xf32, #tpu.memory_space<vmem>>)
        %dma_start3A_136 = arith.constant 0 : i32
        %dma_start3A_137 = arith.constant 0 : i32
        %dma_start3A_138 = arith.constant 0 : i32
        %dma_start3A_139 = tpu.memref_slice %arg9[%dma_start3A_136, %dma_start3A_137, %dma_start3A_138] : memref<4x128x16xf32, #tpu.memory_space<vmem>> -> memref<1x128x16xf32, #tpu.memory_space<vmem>>
        %dma_start3A_140 = tpu.memref_squeeze %dma_start3A_139 : memref<1x128x16xf32, #tpu.memory_space<vmem>> -> memref<128x16xf32, #tpu.memory_space<vmem>>
        %dma_start3A_141 = arith.constant 0 : i32
        %dma_start3A_142 = tpu.memref_slice %arg8[%add3A_117, %dma_start3A_141] : memref<56x128xi32, #tpu.memory_space<vmem>> -> memref<1x128xi32, #tpu.memory_space<vmem>>
        %dma_start3A_143 = tpu.memref_squeeze %dma_start3A_142 : memref<1x128xi32, #tpu.memory_space<vmem>> -> memref<128xi32, #tpu.memory_space<vmem>>
        %dma_start3A_144 = arith.constant 0 : i32
        %dma_start3A_145 = arith.constant 0 : i32
        %dma_start3A_146 = tpu.memref_slice %arg10[%dma_start3A_144, %dma_start3A_145] : memref<100096x16xf32, #tpu.memory_space<vmem_shared>> -> memref<100096x16xf32, #tpu.memory_space<vmem_shared>>
        tpu.enqueue_indirect_dma source(%dma_start3A_140 : memref<128x16xf32, #tpu.memory_space<vmem>>) target(%dma_start3A_146 : memref<100096x16xf32, #tpu.memory_space<vmem_shared>>) offsets(%dma_start3A_143 : memref<128xi32, #tpu.memory_space<vmem>>) semaphore(%arg15 : memref<!tpu.dma_semaphore, #tpu.memory_space<semaphore_mem>>) {add = true}
        %mul3A_147 = arith.constant 4 : i32
        %mul3A_148 = arith.muli %mul3A_147, %add3A_113 : i32
        %add3A_149 = arith.constant 1 : i32
        %add3A_150 = arith.addi %mul3A_148, %add3A_149 : i32
        %add3A_151 = arith.constant 2 : i32
        %add3A_152 = arith.addi %add3A_150, %add3A_151 : i32
        %lt3A_153 = arith.constant 56 : i32
        %lt3A_154 = arith.cmpi slt, %add3A_152, %lt3A_153 : i32
        %convert_element_type3A_155 = arith.extui %lt3A_154 : i1 to i32
        %cond3A_156 = arith.constant 0 : i32
        %cond3A_157 = arith.cmpi ne, %convert_element_type3A_155, %cond3A_156 : i32
        scf.if %cond3A_157 {
          %ge3A = arith.constant 2 : i32
          %ge3A_249 = arith.cmpi sge, %add3A_150, %ge3A : i32
          %gt3A_250 = arith.constant 0 : i32
          %gt3A_251 = arith.cmpi sgt, %add3A_67, %gt3A_250 : i32
          %or3A = arith.ori %ge3A_249, %gt3A_251 : i1
          %convert_element_type3A_252 = arith.extui %or3A : i1 to i32
          %cond3A_253 = arith.constant 0 : i32
          %cond3A_254 = arith.cmpi ne, %convert_element_type3A_252, %cond3A_253 : i32
          scf.if %cond3A_254 {
            %dma_wait3A_266 = arith.constant 3 : i32
            %dma_wait3A_267 = arith.constant 0 : i32
            %dma_wait3A_268 = arith.constant 0 : i32
            %dma_wait3A_269 = arith.constant 0 : i32
            %dma_wait3A_270 = tpu.memref_slice %arg9[%dma_wait3A_266, %dma_wait3A_268, %dma_wait3A_269] : memref<4x128x16xf32, #tpu.memory_space<vmem>> -> memref<1x128x16xf32, #tpu.memory_space<vmem>>
            %dma_wait3A_271 = tpu.memref_squeeze %dma_wait3A_270 : memref<1x128x16xf32, #tpu.memory_space<vmem>> -> memref<128x16xf32, #tpu.memory_space<vmem>>
            %dma_wait3A_272 = arith.constant 0 : i32
            %dma_wait3A_273 = tpu.memref_slice %arg8[%dma_wait3A_267, %dma_wait3A_272] : memref<56x128xi32, #tpu.memory_space<vmem>> -> memref<1x128xi32, #tpu.memory_space<vmem>>
            %dma_wait3A_274 = tpu.memref_squeeze %dma_wait3A_273 : memref<1x128xi32, #tpu.memory_space<vmem>> -> memref<128xi32, #tpu.memory_space<vmem>>
            %dma_wait3A_275 = arith.constant 0 : i32
            %dma_wait3A_276 = arith.constant 0 : i32
            %dma_wait3A_277 = tpu.memref_slice %arg10[%dma_wait3A_275, %dma_wait3A_276] : memref<100096x16xf32, #tpu.memory_space<vmem_shared>> -> memref<100096x16xf32, #tpu.memory_space<vmem_shared>>
            tpu.wait_indirect_dma semaphore(%arg18 : memref<!tpu.dma_semaphore, #tpu.memory_space<semaphore_mem>>) src(%dma_wait3A_271 : memref<128x16xf32, #tpu.memory_space<vmem>>) dst(%dma_wait3A_277 : memref<100096x16xf32, #tpu.memory_space<vmem_shared>>)
          } else {
          }
          %dma_start3A_255 = arith.constant 3 : i32
          %dma_start3A_256 = arith.constant 0 : i32
          %dma_start3A_257 = arith.constant 0 : i32
          %dma_start3A_258 = tpu.memref_slice %arg9[%dma_start3A_255, %dma_start3A_256, %dma_start3A_257] : memref<4x128x16xf32, #tpu.memory_space<vmem>> -> memref<1x128x16xf32, #tpu.memory_space<vmem>>
          %dma_start3A_259 = tpu.memref_squeeze %dma_start3A_258 : memref<1x128x16xf32, #tpu.memory_space<vmem>> -> memref<128x16xf32, #tpu.memory_space<vmem>>
          %dma_start3A_260 = arith.constant 0 : i32
          %dma_start3A_261 = tpu.memref_slice %arg7[%add3A_152, %dma_start3A_260] : memref<56x128xi32, #tpu.memory_space<vmem>> -> memref<1x128xi32, #tpu.memory_space<vmem>>
          %dma_start3A_262 = tpu.memref_squeeze %dma_start3A_261 : memref<1x128xi32, #tpu.memory_space<vmem>> -> memref<128xi32, #tpu.memory_space<vmem>>
          %dma_start3A_263 = arith.constant 0 : i32
          %dma_start3A_264 = arith.constant 0 : i32
          %dma_start3A_265 = tpu.memref_slice %arg2[%dma_start3A_263, %dma_start3A_264] : memref<100096x16xf32, #tpu.memory_space<hbm>> -> memref<100096x16xf32, #tpu.memory_space<hbm>>
          tpu.enqueue_indirect_dma source(%dma_start3A_265 : memref<100096x16xf32, #tpu.memory_space<hbm>>) target(%dma_start3A_259 : memref<128x16xf32, #tpu.memory_space<vmem>>) offsets(%dma_start3A_262 : memref<128xi32, #tpu.memory_space<vmem>>) semaphore(%arg14 : memref<!tpu.dma_semaphore, #tpu.memory_space<semaphore_mem>>)
        } else {
        }
        %dma_wait3A_158 = arith.constant 0 : i32
        %dma_wait3A_159 = arith.constant 1 : i32
        %dma_wait3A_160 = arith.constant 0 : i32
        %dma_wait3A_161 = arith.constant 0 : i32
        %dma_wait3A_162 = tpu.memref_slice %arg9[%dma_wait3A_159, %dma_wait3A_160, %dma_wait3A_161] : memref<4x128x16xf32, #tpu.memory_space<vmem>> -> memref<1x128x16xf32, #tpu.memory_space<vmem>>
        %dma_wait3A_163 = tpu.memref_squeeze %dma_wait3A_162 : memref<1x128x16xf32, #tpu.memory_space<vmem>> -> memref<128x16xf32, #tpu.memory_space<vmem>>
        %dma_wait3A_164 = arith.constant 0 : i32
        %dma_wait3A_165 = tpu.memref_slice %arg7[%dma_wait3A_158, %dma_wait3A_164] : memref<56x128xi32, #tpu.memory_space<vmem>> -> memref<1x128xi32, #tpu.memory_space<vmem>>
        %dma_wait3A_166 = tpu.memref_squeeze %dma_wait3A_165 : memref<1x128xi32, #tpu.memory_space<vmem>> -> memref<128xi32, #tpu.memory_space<vmem>>
        %dma_wait3A_167 = arith.constant 0 : i32
        %dma_wait3A_168 = arith.constant 0 : i32
        %dma_wait3A_169 = tpu.memref_slice %arg2[%dma_wait3A_167, %dma_wait3A_168] : memref<100096x16xf32, #tpu.memory_space<hbm>> -> memref<100096x16xf32, #tpu.memory_space<hbm>>
        tpu.wait_indirect_dma semaphore(%arg12 : memref<!tpu.dma_semaphore, #tpu.memory_space<semaphore_mem>>) src(%dma_wait3A_169 : memref<100096x16xf32, #tpu.memory_space<hbm>>) dst(%dma_wait3A_163 : memref<128x16xf32, #tpu.memory_space<vmem>>)
        %dma_start3A_170 = arith.constant 1 : i32
        %dma_start3A_171 = arith.constant 0 : i32
        %dma_start3A_172 = arith.constant 0 : i32
        %dma_start3A_173 = tpu.memref_slice %arg9[%dma_start3A_170, %dma_start3A_171, %dma_start3A_172] : memref<4x128x16xf32, #tpu.memory_space<vmem>> -> memref<1x128x16xf32, #tpu.memory_space<vmem>>
        %dma_start3A_174 = tpu.memref_squeeze %dma_start3A_173 : memref<1x128x16xf32, #tpu.memory_space<vmem>> -> memref<128x16xf32, #tpu.memory_space<vmem>>
        %dma_start3A_175 = arith.constant 0 : i32
        %dma_start3A_176 = tpu.memref_slice %arg8[%add3A_150, %dma_start3A_175] : memref<56x128xi32, #tpu.memory_space<vmem>> -> memref<1x128xi32, #tpu.memory_space<vmem>>
        %dma_start3A_177 = tpu.memref_squeeze %dma_start3A_176 : memref<1x128xi32, #tpu.memory_space<vmem>> -> memref<128xi32, #tpu.memory_space<vmem>>
        %dma_start3A_178 = arith.constant 0 : i32
        %dma_start3A_179 = arith.constant 0 : i32
        %dma_start3A_180 = tpu.memref_slice %arg10[%dma_start3A_178, %dma_start3A_179] : memref<100096x16xf32, #tpu.memory_space<vmem_shared>> -> memref<100096x16xf32, #tpu.memory_space<vmem_shared>>
        tpu.enqueue_indirect_dma source(%dma_start3A_174 : memref<128x16xf32, #tpu.memory_space<vmem>>) target(%dma_start3A_180 : memref<100096x16xf32, #tpu.memory_space<vmem_shared>>) offsets(%dma_start3A_177 : memref<128xi32, #tpu.memory_space<vmem>>) semaphore(%arg16 : memref<!tpu.dma_semaphore, #tpu.memory_space<semaphore_mem>>) {add = true}
        %mul3A_181 = arith.constant 4 : i32
        %mul3A_182 = arith.muli %mul3A_181, %add3A_113 : i32
        %add3A_183 = arith.constant 2 : i32
        %add3A_184 = arith.addi %mul3A_182, %add3A_183 : i32
        %add3A_185 = arith.constant 2 : i32
        %add3A_186 = arith.addi %add3A_184, %add3A_185 : i32
        %lt3A_187 = arith.constant 56 : i32
        %lt3A_188 = arith.cmpi slt, %add3A_186, %lt3A_187 : i32
        %convert_element_type3A_189 = arith.extui %lt3A_188 : i1 to i32
        %cond3A_190 = arith.constant 0 : i32
        %cond3A_191 = arith.cmpi ne, %convert_element_type3A_189, %cond3A_190 : i32
        scf.if %cond3A_191 {
          %ge3A = arith.constant 2 : i32
          %ge3A_249 = arith.cmpi sge, %add3A_184, %ge3A : i32
          %gt3A_250 = arith.constant 0 : i32
          %gt3A_251 = arith.cmpi sgt, %add3A_67, %gt3A_250 : i32
          %or3A = arith.ori %ge3A_249, %gt3A_251 : i1
          %convert_element_type3A_252 = arith.extui %or3A : i1 to i32
          %cond3A_253 = arith.constant 0 : i32
          %cond3A_254 = arith.cmpi ne, %convert_element_type3A_252, %cond3A_253 : i32
          scf.if %cond3A_254 {
            %dma_wait3A_266 = arith.constant 0 : i32
            %dma_wait3A_267 = arith.constant 0 : i32
            %dma_wait3A_268 = arith.constant 0 : i32
            %dma_wait3A_269 = arith.constant 0 : i32
            %dma_wait3A_270 = tpu.memref_slice %arg9[%dma_wait3A_266, %dma_wait3A_268, %dma_wait3A_269] : memref<4x128x16xf32, #tpu.memory_space<vmem>> -> memref<1x128x16xf32, #tpu.memory_space<vmem>>
            %dma_wait3A_271 = tpu.memref_squeeze %dma_wait3A_270 : memref<1x128x16xf32, #tpu.memory_space<vmem>> -> memref<128x16xf32, #tpu.memory_space<vmem>>
            %dma_wait3A_272 = arith.constant 0 : i32
            %dma_wait3A_273 = tpu.memref_slice %arg8[%dma_wait3A_267, %dma_wait3A_272] : memref<56x128xi32, #tpu.memory_space<vmem>> -> memref<1x128xi32, #tpu.memory_space<vmem>>
            %dma_wait3A_274 = tpu.memref_squeeze %dma_wait3A_273 : memref<1x128xi32, #tpu.memory_space<vmem>> -> memref<128xi32, #tpu.memory_space<vmem>>
            %dma_wait3A_275 = arith.constant 0 : i32
            %dma_wait3A_276 = arith.constant 0 : i32
            %dma_wait3A_277 = tpu.memref_slice %arg10[%dma_wait3A_275, %dma_wait3A_276] : memref<100096x16xf32, #tpu.memory_space<vmem_shared>> -> memref<100096x16xf32, #tpu.memory_space<vmem_shared>>
            tpu.wait_indirect_dma semaphore(%arg15 : memref<!tpu.dma_semaphore, #tpu.memory_space<semaphore_mem>>) src(%dma_wait3A_271 : memref<128x16xf32, #tpu.memory_space<vmem>>) dst(%dma_wait3A_277 : memref<100096x16xf32, #tpu.memory_space<vmem_shared>>)
          } else {
          }
          %dma_start3A_255 = arith.constant 0 : i32
          %dma_start3A_256 = arith.constant 0 : i32
          %dma_start3A_257 = arith.constant 0 : i32
          %dma_start3A_258 = tpu.memref_slice %arg9[%dma_start3A_255, %dma_start3A_256, %dma_start3A_257] : memref<4x128x16xf32, #tpu.memory_space<vmem>> -> memref<1x128x16xf32, #tpu.memory_space<vmem>>
          %dma_start3A_259 = tpu.memref_squeeze %dma_start3A_258 : memref<1x128x16xf32, #tpu.memory_space<vmem>> -> memref<128x16xf32, #tpu.memory_space<vmem>>
          %dma_start3A_260 = arith.constant 0 : i32
          %dma_start3A_261 = tpu.memref_slice %arg7[%add3A_186, %dma_start3A_260] : memref<56x128xi32, #tpu.memory_space<vmem>> -> memref<1x128xi32, #tpu.memory_space<vmem>>
          %dma_start3A_262 = tpu.memref_squeeze %dma_start3A_261 : memref<1x128xi32, #tpu.memory_space<vmem>> -> memref<128xi32, #tpu.memory_space<vmem>>
          %dma_start3A_263 = arith.constant 0 : i32
          %dma_start3A_264 = arith.constant 0 : i32
          %dma_start3A_265 = tpu.memref_slice %arg2[%dma_start3A_263, %dma_start3A_264] : memref<100096x16xf32, #tpu.memory_space<hbm>> -> memref<100096x16xf32, #tpu.memory_space<hbm>>
          tpu.enqueue_indirect_dma source(%dma_start3A_265 : memref<100096x16xf32, #tpu.memory_space<hbm>>) target(%dma_start3A_259 : memref<128x16xf32, #tpu.memory_space<vmem>>) offsets(%dma_start3A_262 : memref<128xi32, #tpu.memory_space<vmem>>) semaphore(%arg11 : memref<!tpu.dma_semaphore, #tpu.memory_space<semaphore_mem>>)
        } else {
        }
        %dma_wait3A_192 = arith.constant 0 : i32
        %dma_wait3A_193 = arith.constant 2 : i32
        %dma_wait3A_194 = arith.constant 0 : i32
        %dma_wait3A_195 = arith.constant 0 : i32
        %dma_wait3A_196 = tpu.memref_slice %arg9[%dma_wait3A_193, %dma_wait3A_194, %dma_wait3A_195] : memref<4x128x16xf32, #tpu.memory_space<vmem>> -> memref<1x128x16xf32, #tpu.memory_space<vmem>>
        %dma_wait3A_197 = tpu.memref_squeeze %dma_wait3A_196 : memref<1x128x16xf32, #tpu.memory_space<vmem>> -> memref<128x16xf32, #tpu.memory_space<vmem>>
        %dma_wait3A_198 = arith.constant 0 : i32
        %dma_wait3A_199 = tpu.memref_slice %arg7[%dma_wait3A_192, %dma_wait3A_198] : memref<56x128xi32, #tpu.memory_space<vmem>> -> memref<1x128xi32, #tpu.memory_space<vmem>>
        %dma_wait3A_200 = tpu.memref_squeeze %dma_wait3A_199 : memref<1x128xi32, #tpu.memory_space<vmem>> -> memref<128xi32, #tpu.memory_space<vmem>>
        %dma_wait3A_201 = arith.constant 0 : i32
        %dma_wait3A_202 = arith.constant 0 : i32
        %dma_wait3A_203 = tpu.memref_slice %arg2[%dma_wait3A_201, %dma_wait3A_202] : memref<100096x16xf32, #tpu.memory_space<hbm>> -> memref<100096x16xf32, #tpu.memory_space<hbm>>
        tpu.wait_indirect_dma semaphore(%arg13 : memref<!tpu.dma_semaphore, #tpu.memory_space<semaphore_mem>>) src(%dma_wait3A_203 : memref<100096x16xf32, #tpu.memory_space<hbm>>) dst(%dma_wait3A_197 : memref<128x16xf32, #tpu.memory_space<vmem>>)
        %dma_start3A_204 = arith.constant 2 : i32
        %dma_start3A_205 = arith.constant 0 : i32
        %dma_start3A_206 = arith.constant 0 : i32
        %dma_start3A_207 = tpu.memref_slice %arg9[%dma_start3A_204, %dma_start3A_205, %dma_start3A_206] : memref<4x128x16xf32, #tpu.memory_space<vmem>> -> memref<1x128x16xf32, #tpu.memory_space<vmem>>
        %dma_start3A_208 = tpu.memref_squeeze %dma_start3A_207 : memref<1x128x16xf32, #tpu.memory_space<vmem>> -> memref<128x16xf32, #tpu.memory_space<vmem>>
        %dma_start3A_209 = arith.constant 0 : i32
        %dma_start3A_210 = tpu.memref_slice %arg8[%add3A_184, %dma_start3A_209] : memref<56x128xi32, #tpu.memory_space<vmem>> -> memref<1x128xi32, #tpu.memory_space<vmem>>
        %dma_start3A_211 = tpu.memref_squeeze %dma_start3A_210 : memref<1x128xi32, #tpu.memory_space<vmem>> -> memref<128xi32, #tpu.memory_space<vmem>>
        %dma_start3A_212 = arith.constant 0 : i32
        %dma_start3A_213 = arith.constant 0 : i32
        %dma_start3A_214 = tpu.memref_slice %arg10[%dma_start3A_212, %dma_start3A_213] : memref<100096x16xf32, #tpu.memory_space<vmem_shared>> -> memref<100096x16xf32, #tpu.memory_space<vmem_shared>>
        tpu.enqueue_indirect_dma source(%dma_start3A_208 : memref<128x16xf32, #tpu.memory_space<vmem>>) target(%dma_start3A_214 : memref<100096x16xf32, #tpu.memory_space<vmem_shared>>) offsets(%dma_start3A_211 : memref<128xi32, #tpu.memory_space<vmem>>) semaphore(%arg17 : memref<!tpu.dma_semaphore, #tpu.memory_space<semaphore_mem>>) {add = true}
        %mul3A_215 = arith.constant 4 : i32
        %mul3A_216 = arith.muli %mul3A_215, %add3A_113 : i32
        %add3A_217 = arith.constant 3 : i32
        %add3A_218 = arith.addi %mul3A_216, %add3A_217 : i32
        %add3A_219 = arith.constant 2 : i32
        %add3A_220 = arith.addi %add3A_218, %add3A_219 : i32
        %lt3A_221 = arith.constant 56 : i32
        %lt3A_222 = arith.cmpi slt, %add3A_220, %lt3A_221 : i32
        %convert_element_type3A_223 = arith.extui %lt3A_222 : i1 to i32
        %cond3A_224 = arith.constant 0 : i32
        %cond3A_225 = arith.cmpi ne, %convert_element_type3A_223, %cond3A_224 : i32
        scf.if %cond3A_225 {
          %ge3A = arith.constant 2 : i32
          %ge3A_249 = arith.cmpi sge, %add3A_218, %ge3A : i32
          %gt3A_250 = arith.constant 0 : i32
          %gt3A_251 = arith.cmpi sgt, %add3A_67, %gt3A_250 : i32
          %or3A = arith.ori %ge3A_249, %gt3A_251 : i1
          %convert_element_type3A_252 = arith.extui %or3A : i1 to i32
          %cond3A_253 = arith.constant 0 : i32
          %cond3A_254 = arith.cmpi ne, %convert_element_type3A_252, %cond3A_253 : i32
          scf.if %cond3A_254 {
            %dma_wait3A_266 = arith.constant 1 : i32
            %dma_wait3A_267 = arith.constant 0 : i32
            %dma_wait3A_268 = arith.constant 0 : i32
            %dma_wait3A_269 = arith.constant 0 : i32
            %dma_wait3A_270 = tpu.memref_slice %arg9[%dma_wait3A_266, %dma_wait3A_268, %dma_wait3A_269] : memref<4x128x16xf32, #tpu.memory_space<vmem>> -> memref<1x128x16xf32, #tpu.memory_space<vmem>>
            %dma_wait3A_271 = tpu.memref_squeeze %dma_wait3A_270 : memref<1x128x16xf32, #tpu.memory_space<vmem>> -> memref<128x16xf32, #tpu.memory_space<vmem>>
            %dma_wait3A_272 = arith.constant 0 : i32
            %dma_wait3A_273 = tpu.memref_slice %arg8[%dma_wait3A_267, %dma_wait3A_272] : memref<56x128xi32, #tpu.memory_space<vmem>> -> memref<1x128xi32, #tpu.memory_space<vmem>>
            %dma_wait3A_274 = tpu.memref_squeeze %dma_wait3A_273 : memref<1x128xi32, #tpu.memory_space<vmem>> -> memref<128xi32, #tpu.memory_space<vmem>>
            %dma_wait3A_275 = arith.constant 0 : i32
            %dma_wait3A_276 = arith.constant 0 : i32
            %dma_wait3A_277 = tpu.memref_slice %arg10[%dma_wait3A_275, %dma_wait3A_276] : memref<100096x16xf32, #tpu.memory_space<vmem_shared>> -> memref<100096x16xf32, #tpu.memory_space<vmem_shared>>
            tpu.wait_indirect_dma semaphore(%arg16 : memref<!tpu.dma_semaphore, #tpu.memory_space<semaphore_mem>>) src(%dma_wait3A_271 : memref<128x16xf32, #tpu.memory_space<vmem>>) dst(%dma_wait3A_277 : memref<100096x16xf32, #tpu.memory_space<vmem_shared>>)
          } else {
          }
          %dma_start3A_255 = arith.constant 1 : i32
          %dma_start3A_256 = arith.constant 0 : i32
          %dma_start3A_257 = arith.constant 0 : i32
          %dma_start3A_258 = tpu.memref_slice %arg9[%dma_start3A_255, %dma_start3A_256, %dma_start3A_257] : memref<4x128x16xf32, #tpu.memory_space<vmem>> -> memref<1x128x16xf32, #tpu.memory_space<vmem>>
          %dma_start3A_259 = tpu.memref_squeeze %dma_start3A_258 : memref<1x128x16xf32, #tpu.memory_space<vmem>> -> memref<128x16xf32, #tpu.memory_space<vmem>>
          %dma_start3A_260 = arith.constant 0 : i32
          %dma_start3A_261 = tpu.memref_slice %arg7[%add3A_220, %dma_start3A_260] : memref<56x128xi32, #tpu.memory_space<vmem>> -> memref<1x128xi32, #tpu.memory_space<vmem>>
          %dma_start3A_262 = tpu.memref_squeeze %dma_start3A_261 : memref<1x128xi32, #tpu.memory_space<vmem>> -> memref<128xi32, #tpu.memory_space<vmem>>
          %dma_start3A_263 = arith.constant 0 : i32
          %dma_start3A_264 = arith.constant 0 : i32
          %dma_start3A_265 = tpu.memref_slice %arg2[%dma_start3A_263, %dma_start3A_264] : memref<100096x16xf32, #tpu.memory_space<hbm>> -> memref<100096x16xf32, #tpu.memory_space<hbm>>
          tpu.enqueue_indirect_dma source(%dma_start3A_265 : memref<100096x16xf32, #tpu.memory_space<hbm>>) target(%dma_start3A_259 : memref<128x16xf32, #tpu.memory_space<vmem>>) offsets(%dma_start3A_262 : memref<128xi32, #tpu.memory_space<vmem>>) semaphore(%arg12 : memref<!tpu.dma_semaphore, #tpu.memory_space<semaphore_mem>>)
        } else {
        }
        %dma_wait3A_226 = arith.constant 0 : i32
        %dma_wait3A_227 = arith.constant 3 : i32
        %dma_wait3A_228 = arith.constant 0 : i32
        %dma_wait3A_229 = arith.constant 0 : i32
        %dma_wait3A_230 = tpu.memref_slice %arg9[%dma_wait3A_227, %dma_wait3A_228, %dma_wait3A_229] : memref<4x128x16xf32, #tpu.memory_space<vmem>> -> memref<1x128x16xf32, #tpu.memory_space<vmem>>
        %dma_wait3A_231 = tpu.memref_squeeze %dma_wait3A_230 : memref<1x128x16xf32, #tpu.memory_space<vmem>> -> memref<128x16xf32, #tpu.memory_space<vmem>>
        %dma_wait3A_232 = arith.constant 0 : i32
        %dma_wait3A_233 = tpu.memref_slice %arg7[%dma_wait3A_226, %dma_wait3A_232] : memref<56x128xi32, #tpu.memory_space<vmem>> -> memref<1x128xi32, #tpu.memory_space<vmem>>
        %dma_wait3A_234 = tpu.memref_squeeze %dma_wait3A_233 : memref<1x128xi32, #tpu.memory_space<vmem>> -> memref<128xi32, #tpu.memory_space<vmem>>
        %dma_wait3A_235 = arith.constant 0 : i32
        %dma_wait3A_236 = arith.constant 0 : i32
        %dma_wait3A_237 = tpu.memref_slice %arg2[%dma_wait3A_235, %dma_wait3A_236] : memref<100096x16xf32, #tpu.memory_space<hbm>> -> memref<100096x16xf32, #tpu.memory_space<hbm>>
        tpu.wait_indirect_dma semaphore(%arg14 : memref<!tpu.dma_semaphore, #tpu.memory_space<semaphore_mem>>) src(%dma_wait3A_237 : memref<100096x16xf32, #tpu.memory_space<hbm>>) dst(%dma_wait3A_231 : memref<128x16xf32, #tpu.memory_space<vmem>>)
        %dma_start3A_238 = arith.constant 3 : i32
        %dma_start3A_239 = arith.constant 0 : i32
        %dma_start3A_240 = arith.constant 0 : i32
        %dma_start3A_241 = tpu.memref_slice %arg9[%dma_start3A_238, %dma_start3A_239, %dma_start3A_240] : memref<4x128x16xf32, #tpu.memory_space<vmem>> -> memref<1x128x16xf32, #tpu.memory_space<vmem>>
        %dma_start3A_242 = tpu.memref_squeeze %dma_start3A_241 : memref<1x128x16xf32, #tpu.memory_space<vmem>> -> memref<128x16xf32, #tpu.memory_space<vmem>>
        %dma_start3A_243 = arith.constant 0 : i32
        %dma_start3A_244 = tpu.memref_slice %arg8[%add3A_218, %dma_start3A_243] : memref<56x128xi32, #tpu.memory_space<vmem>> -> memref<1x128xi32, #tpu.memory_space<vmem>>
        %dma_start3A_245 = tpu.memref_squeeze %dma_start3A_244 : memref<1x128xi32, #tpu.memory_space<vmem>> -> memref<128xi32, #tpu.memory_space<vmem>>
        %dma_start3A_246 = arith.constant 0 : i32
        %dma_start3A_247 = arith.constant 0 : i32
        %dma_start3A_248 = tpu.memref_slice %arg10[%dma_start3A_246, %dma_start3A_247] : memref<100096x16xf32, #tpu.memory_space<vmem_shared>> -> memref<100096x16xf32, #tpu.memory_space<vmem_shared>>
        tpu.enqueue_indirect_dma source(%dma_start3A_242 : memref<128x16xf32, #tpu.memory_space<vmem>>) target(%dma_start3A_248 : memref<100096x16xf32, #tpu.memory_space<vmem_shared>>) offsets(%dma_start3A_245 : memref<128xi32, #tpu.memory_space<vmem>>) semaphore(%arg18 : memref<!tpu.dma_semaphore, #tpu.memory_space<semaphore_mem>>) {add = true}
      }
      %scan3A_108 = arith.constant 14 : i32
    }
    %scan3A_10 = arith.constant 14 : i32
    %dma_wait3A = arith.constant 0 : i32
    %dma_wait3A_11 = arith.constant 0 : i32
    %dma_wait3A_12 = arith.constant 0 : i32
    %dma_wait3A_13 = arith.constant 0 : i32
    %dma_wait3A_14 = tpu.memref_slice %arg9[%dma_wait3A, %dma_wait3A_12, %dma_wait3A_13] : memref<4x128x16xf32, #tpu.memory_space<vmem>> -> memref<1x128x16xf32, #tpu.memory_space<vmem>>
    %dma_wait3A_15 = tpu.memref_squeeze %dma_wait3A_14 : memref<1x128x16xf32, #tpu.memory_space<vmem>> -> memref<128x16xf32, #tpu.memory_space<vmem>>
    %dma_wait3A_16 = arith.constant 0 : i32
    %dma_wait3A_17 = tpu.memref_slice %arg8[%dma_wait3A_11, %dma_wait3A_16] : memref<56x128xi32, #tpu.memory_space<vmem>> -> memref<1x128xi32, #tpu.memory_space<vmem>>
    %dma_wait3A_18 = tpu.memref_squeeze %dma_wait3A_17 : memref<1x128xi32, #tpu.memory_space<vmem>> -> memref<128xi32, #tpu.memory_space<vmem>>
    %dma_wait3A_19 = arith.constant 0 : i32
    %dma_wait3A_20 = arith.constant 0 : i32
    %dma_wait3A_21 = tpu.memref_slice %arg10[%dma_wait3A_19, %dma_wait3A_20] : memref<100096x16xf32, #tpu.memory_space<vmem_shared>> -> memref<100096x16xf32, #tpu.memory_space<vmem_shared>>
    tpu.wait_indirect_dma semaphore(%arg15 : memref<!tpu.dma_semaphore, #tpu.memory_space<semaphore_mem>>) src(%dma_wait3A_15 : memref<128x16xf32, #tpu.memory_space<vmem>>) dst(%dma_wait3A_21 : memref<100096x16xf32, #tpu.memory_space<vmem_shared>>)
    %dma_wait3A_22 = arith.constant 1 : i32
    %dma_wait3A_23 = arith.constant 0 : i32
    %dma_wait3A_24 = arith.constant 0 : i32
    %dma_wait3A_25 = arith.constant 0 : i32
    %dma_wait3A_26 = tpu.memref_slice %arg9[%dma_wait3A_22, %dma_wait3A_24, %dma_wait3A_25] : memref<4x128x16xf32, #tpu.memory_space<vmem>> -> memref<1x128x16xf32, #tpu.memory_space<vmem>>
    %dma_wait3A_27 = tpu.memref_squeeze %dma_wait3A_26 : memref<1x128x16xf32, #tpu.memory_space<vmem>> -> memref<128x16xf32, #tpu.memory_space<vmem>>
    %dma_wait3A_28 = arith.constant 0 : i32
    %dma_wait3A_29 = tpu.memref_slice %arg8[%dma_wait3A_23, %dma_wait3A_28] : memref<56x128xi32, #tpu.memory_space<vmem>> -> memref<1x128xi32, #tpu.memory_space<vmem>>
    %dma_wait3A_30 = tpu.memref_squeeze %dma_wait3A_29 : memref<1x128xi32, #tpu.memory_space<vmem>> -> memref<128xi32, #tpu.memory_space<vmem>>
    %dma_wait3A_31 = arith.constant 0 : i32
    %dma_wait3A_32 = arith.constant 0 : i32
    %dma_wait3A_33 = tpu.memref_slice %arg10[%dma_wait3A_31, %dma_wait3A_32] : memref<100096x16xf32, #tpu.memory_space<vmem_shared>> -> memref<100096x16xf32, #tpu.memory_space<vmem_shared>>
    tpu.wait_indirect_dma semaphore(%arg16 : memref<!tpu.dma_semaphore, #tpu.memory_space<semaphore_mem>>) src(%dma_wait3A_27 : memref<128x16xf32, #tpu.memory_space<vmem>>) dst(%dma_wait3A_33 : memref<100096x16xf32, #tpu.memory_space<vmem_shared>>)
    %dma_wait3A_34 = arith.constant 2 : i32
    %dma_wait3A_35 = arith.constant 0 : i32
    %dma_wait3A_36 = arith.constant 0 : i32
    %dma_wait3A_37 = arith.constant 0 : i32
    %dma_wait3A_38 = tpu.memref_slice %arg9[%dma_wait3A_34, %dma_wait3A_36, %dma_wait3A_37] : memref<4x128x16xf32, #tpu.memory_space<vmem>> -> memref<1x128x16xf32, #tpu.memory_space<vmem>>
    %dma_wait3A_39 = tpu.memref_squeeze %dma_wait3A_38 : memref<1x128x16xf32, #tpu.memory_space<vmem>> -> memref<128x16xf32, #tpu.memory_space<vmem>>
    %dma_wait3A_40 = arith.constant 0 : i32
    %dma_wait3A_41 = tpu.memref_slice %arg8[%dma_wait3A_35, %dma_wait3A_40] : memref<56x128xi32, #tpu.memory_space<vmem>> -> memref<1x128xi32, #tpu.memory_space<vmem>>
    %dma_wait3A_42 = tpu.memref_squeeze %dma_wait3A_41 : memref<1x128xi32, #tpu.memory_space<vmem>> -> memref<128xi32, #tpu.memory_space<vmem>>
    %dma_wait3A_43 = arith.constant 0 : i32
    %dma_wait3A_44 = arith.constant 0 : i32
    %dma_wait3A_45 = tpu.memref_slice %arg10[%dma_wait3A_43, %dma_wait3A_44] : memref<100096x16xf32, #tpu.memory_space<vmem_shared>> -> memref<100096x16xf32, #tpu.memory_space<vmem_shared>>
    tpu.wait_indirect_dma semaphore(%arg17 : memref<!tpu.dma_semaphore, #tpu.memory_space<semaphore_mem>>) src(%dma_wait3A_39 : memref<128x16xf32, #tpu.memory_space<vmem>>) dst(%dma_wait3A_45 : memref<100096x16xf32, #tpu.memory_space<vmem_shared>>)
    %dma_wait3A_46 = arith.constant 3 : i32
    %dma_wait3A_47 = arith.constant 0 : i32
    %dma_wait3A_48 = arith.constant 0 : i32
    %dma_wait3A_49 = arith.constant 0 : i32
    %dma_wait3A_50 = tpu.memref_slice %arg9[%dma_wait3A_46, %dma_wait3A_48, %dma_wait3A_49] : memref<4x128x16xf32, #tpu.memory_space<vmem>> -> memref<1x128x16xf32, #tpu.memory_space<vmem>>
    %dma_wait3A_51 = tpu.memref_squeeze %dma_wait3A_50 : memref<1x128x16xf32, #tpu.memory_space<vmem>> -> memref<128x16xf32, #tpu.memory_space<vmem>>
    %dma_wait3A_52 = arith.constant 0 : i32
    %dma_wait3A_53 = tpu.memref_slice %arg8[%dma_wait3A_47, %dma_wait3A_52] : memref<56x128xi32, #tpu.memory_space<vmem>> -> memref<1x128xi32, #tpu.memory_space<vmem>>
    %dma_wait3A_54 = tpu.memref_squeeze %dma_wait3A_53 : memref<1x128xi32, #tpu.memory_space<vmem>> -> memref<128xi32, #tpu.memory_space<vmem>>
    %dma_wait3A_55 = arith.constant 0 : i32
    %dma_wait3A_56 = arith.constant 0 : i32
    %dma_wait3A_57 = tpu.memref_slice %arg10[%dma_wait3A_55, %dma_wait3A_56] : memref<100096x16xf32, #tpu.memory_space<vmem_shared>> -> memref<100096x16xf32, #tpu.memory_space<vmem_shared>>
    tpu.wait_indirect_dma semaphore(%arg18 : memref<!tpu.dma_semaphore, #tpu.memory_space<semaphore_mem>>) src(%dma_wait3A_51 : memref<128x16xf32, #tpu.memory_space<vmem>>) dst(%dma_wait3A_57 : memref<100096x16xf32, #tpu.memory_space<vmem_shared>>)
    %barrier3A_58 = arith.constant 0 : index
    tpu.barrier barrier_id(%barrier3A_58)
    %mul3A_59 = arith.constant 6256 : i32
    %mul3A_60 = arith.muli %arg1, %mul3A_59 : i32
    %mul3A_61 = arith.constant 6256 : i32
    %mul3A_62 = arith.muli %arg1, %mul3A_61 : i32
    "tpu.region"() ({
      %run_scoped3A = tpu.sem_alloc : memref<!tpu.dma_semaphore, #tpu.memory_space<semaphore_mem>>
      %dma_start3A = arith.constant 0 : i32
      %dma_start3A_63 = tpu.memref_slice %arg6[%arg0, %mul3A_62, %dma_start3A] : memref<2x100096x16xf32, #tpu.memory_space<hbm>> -> memref<1x6256x16xf32, #tpu.memory_space<hbm>>
      %dma_start3A_64 = tpu.memref_squeeze %dma_start3A_63 : memref<1x6256x16xf32, #tpu.memory_space<hbm>> -> memref<6256x16xf32, #tpu.memory_space<hbm>>
      %dma_start3A_65 = arith.constant 0 : i32
      %dma_start3A_66 = tpu.memref_slice %arg10[%mul3A_60, %dma_start3A_65] : memref<100096x16xf32, #tpu.memory_space<vmem_shared>> -> memref<6256x16xf32, #tpu.memory_space<vmem_shared>>
      tpu.enqueue_dma source(%dma_start3A_66 : memref<6256x16xf32, #tpu.memory_space<vmem_shared>>) target(%dma_start3A_64 : memref<6256x16xf32, #tpu.memory_space<hbm>>) target_semaphore(%run_scoped3A : memref<!tpu.dma_semaphore, #tpu.memory_space<semaphore_mem>>)
      %dma_wait3A_67 = arith.constant 0 : i32
      %dma_wait3A_68 = tpu.memref_slice %arg6[%arg0, %mul3A_62, %dma_wait3A_67] : memref<2x100096x16xf32, #tpu.memory_space<hbm>> -> memref<1x6256x16xf32, #tpu.memory_space<hbm>>
      %dma_wait3A_69 = tpu.memref_squeeze %dma_wait3A_68 : memref<1x6256x16xf32, #tpu.memory_space<hbm>> -> memref<6256x16xf32, #tpu.memory_space<hbm>>
      %dma_wait3A_70 = arith.constant 0 : i32
      %dma_wait3A_71 = tpu.memref_slice %arg10[%mul3A_60, %dma_wait3A_70] : memref<100096x16xf32, #tpu.memory_space<vmem_shared>> -> memref<6256x16xf32, #tpu.memory_space<vmem_shared>>
      tpu.wait_dma2 semaphore(%run_scoped3A : memref<!tpu.dma_semaphore, #tpu.memory_space<semaphore_mem>>) src(%dma_wait3A_71 : memref<6256x16xf32, #tpu.memory_space<vmem_shared>>) dst(%dma_wait3A_69 : memref<6256x16xf32, #tpu.memory_space<hbm>>)
      tpu.yield
    }) : () -> ()
    return
  }
}

module attributes {stable_mosaic.version = 14 : i64} {
  func.func @body(%arg0: i32, %arg1: memref<1x3128x128xf32, #tpu.memory_space<vmem>>, %arg2: memref<1x3128x128xf32, #tpu.memory_space<vmem>>, %arg3: memref<3128x128xf32, #tpu.memory_space<vmem>>, %arg4: memref<128x128xbf16, #tpu.memory_space<vmem>>, %arg5: memref<3128x128xf32, #tpu.memory_space<vmem>>, %arg6: memref<3128x128xf32, #tpu.memory_space<vmem>>) attributes {dimension_semantics = [#tpu.dimension_semantics<arbitrary>], iteration_bounds = array<i64: 4>, scalar_prefetch = 0 : i64, scratch_operands = 0 : i64, tpu.core_type = #tpu.core_type<tc>, window_params = [{transform_indices = @transform_0, window_bounds = array<i64: 1, 3128, 128>}, {transform_indices = @transform_1, window_bounds = array<i64: 1, 3128, 128>}, {transform_indices = @transform_2, window_bounds = array<i64: 3128, 128>}, {pipeline_mode = #tpu.pipeline_mode<synchronous>, transform_indices = @transform_3, window_bounds = array<i64: 128, 128>}, {transform_indices = @transform_4, window_bounds = array<i64: 3128, 128>}, {transform_indices = @transform_5, window_bounds = array<i64: 3128, 128>}]} {
    %get3A = arith.constant 0 : index
    %get3A_0 = arith.constant 0 : index
    %get3A_1 = arith.constant 0 : index
    %get3A_2 = vector.load %arg1[%get3A, %get3A_0, %get3A_1] : memref<1x3128x128xf32, #tpu.memory_space<vmem>>, vector<1x3128x128xf32>
    %get3A_3 = vector.shape_cast %get3A_2 : vector<1x3128x128xf32> to vector<3128x128xf32>
    %get3A_4 = arith.constant 0 : index
    %get3A_5 = arith.constant 0 : index
    %get3A_6 = arith.constant 0 : index
    %get3A_7 = vector.load %arg2[%get3A_4, %get3A_5, %get3A_6] : memref<1x3128x128xf32, #tpu.memory_space<vmem>>, vector<1x3128x128xf32>
    %get3A_8 = vector.shape_cast %get3A_7 : vector<1x3128x128xf32> to vector<3128x128xf32>
    %add3A = arith.addf %get3A_3, %get3A_8 : vector<3128x128xf32>
    %get3A_9 = arith.constant 0 : index
    %get3A_10 = arith.constant 0 : index
    %get3A_11 = vector.load %arg4[%get3A_9, %get3A_10] : memref<128x128xbf16, #tpu.memory_space<vmem>>, vector<128x128xbf16>
    %convert_element_type3A = arith.truncf %add3A : vector<3128x128xf32> to vector<3128x128xbf16>
    %convert_element_type3A_12 = arith.extf %convert_element_type3A : vector<3128x128xbf16> to vector<3128x128xf32>
    %sub3A = arith.subf %add3A, %convert_element_type3A_12 : vector<3128x128xf32>
    %convert_element_type3A_13 = arith.truncf %sub3A : vector<3128x128xf32> to vector<3128x128xbf16>
    %dot_general3A = arith.constant dense<0.000000e+00> : vector<3128x128xf32>
    %dot_general3A_14 = tpu.matmul %convert_element_type3A, %get3A_11, %dot_general3A {dimension_numbers = #tpu.dot_dimension_numbers<[1], [0], [0], [1], [0, 0, 1, 1], [], []>, transpose_lhs_hint = false} : vector<3128x128xbf16>, vector<128x128xbf16>, vector<3128x128xf32> -> vector<3128x128xf32>
    %dot_general3A_15 = arith.constant dense<0.000000e+00> : vector<3128x128xf32>
    %dot_general3A_16 = tpu.matmul %convert_element_type3A_13, %get3A_11, %dot_general3A_15 {dimension_numbers = #tpu.dot_dimension_numbers<[1], [0], [0], [1], [0, 0, 1, 1], [], []>, transpose_lhs_hint = false} : vector<3128x128xbf16>, vector<128x128xbf16>, vector<3128x128xf32> -> vector<3128x128xf32>
    %add3A_17 = arith.addf %dot_general3A_14, %dot_general3A_16 : vector<3128x128xf32>
    %max3A = arith.constant 1.000000e+00 : f32
    %max3A_18 = vector.broadcast %max3A : f32 to vector<3128x128xf32>
    %max3A_19 = arith.maximumf %add3A_17, %max3A_18 : vector<3128x128xf32>
    %rsqrt3A = math.rsqrt %max3A_19 : vector<3128x128xf32>
    %iota3A = tpu.iota {dimensions = array<i32: 1>} : vector<3128x128xi32>
    %get3A_20 = arith.constant 0 : index
    %get3A_21 = arith.constant 0 : index
    %get3A_22 = vector.load %arg3[%get3A_20, %get3A_21] : memref<3128x128xf32, #tpu.memory_space<vmem>>, vector<3128x128xf32>
    %jit3A = arith.constant 16 : i32
    %eq3A = arith.constant 0 : i32
    %eq3A_23 = arith.cmpi eq, %jit3A, %eq3A : i32
    %jit3A_24 = arith.constant 1 : i32
    %select_n3A = arith.select %eq3A_23, %jit3A_24, %jit3A : i32
    %rem3A = vector.broadcast %select_n3A : i32 to vector<3128x128xi32>
    %rem3A_25 = arith.remsi %iota3A, %rem3A : vector<3128x128xi32>
    %ne3A = arith.constant 0 : i32
    %ne3A_26 = vector.broadcast %ne3A : i32 to vector<3128x128xi32>
    %ne3A_27 = arith.cmpi ne, %rem3A_25, %ne3A_26 : vector<3128x128xi32>
    %lt3A = arith.constant 0 : i32
    %lt3A_28 = vector.broadcast %lt3A : i32 to vector<3128x128xi32>
    %lt3A_29 = arith.cmpi slt, %rem3A_25, %lt3A_28 : vector<3128x128xi32>
    %lt3A_30 = arith.constant 0 : i32
    %lt3A_31 = arith.cmpi slt, %select_n3A, %lt3A_30 : i32
    %ne3A_32 = vector.broadcast %lt3A_31 : i1 to vector<3128x128xi1>
    %ne3A_33 = vector.broadcast %ne3A_32 : vector<3128x128xi1> to vector<3128x128xi1>
    %ne3A_34 = arith.xori %lt3A_29, %ne3A_33 : vector<3128x128xi1>
    %and3A = arith.andi %ne3A_34, %ne3A_27 : vector<3128x128xi1>
    %add3A_35 = vector.broadcast %select_n3A : i32 to vector<3128x128xi32>
    %add3A_36 = arith.addi %rem3A_25, %add3A_35 : vector<3128x128xi32>
    %select_n3A_37 = arith.select %and3A, %add3A_36, %rem3A_25 : vector<3128x128xi1>, vector<3128x128xi32>
    %lt3A_38 = arith.constant 10 : i32
    %lt3A_39 = vector.broadcast %lt3A_38 : i32 to vector<3128x128xi32>
    %lt3A_40 = arith.cmpi slt, %select_n3A_37, %lt3A_39 : vector<3128x128xi32>
    %jit3A_41 = arith.constant 1.000000e+00 : f32
    %broadcast_in_dim3A = vector.broadcast %jit3A_41 : f32 to vector<3128x128xf32>
    %select_n3A_42 = arith.select %lt3A_40, %rsqrt3A, %broadcast_in_dim3A : vector<3128x128xi1>, vector<3128x128xf32>
    %mul3A = arith.mulf %get3A_22, %select_n3A_42 : vector<3128x128xf32>
    %swap3A = arith.constant 0 : index
    %swap3A_43 = arith.constant 0 : index
    %swap3A_44 = vector.load %arg5[%swap3A, %swap3A_43] : memref<3128x128xf32, #tpu.memory_space<vmem>>, vector<3128x128xf32>
    tpu.vector_store %arg5[%swap3A, %swap3A_43], %mul3A {strides = array<i32>} : memref<3128x128xf32, #tpu.memory_space<vmem>>, vector<3128x128xf32>,
    %swap3A_45 = arith.constant 0 : index
    %swap3A_46 = arith.constant 0 : index
    %swap3A_47 = vector.load %arg6[%swap3A_45, %swap3A_46] : memref<3128x128xf32, #tpu.memory_space<vmem>>, vector<3128x128xf32>
    tpu.vector_store %arg6[%swap3A_45, %swap3A_46], %rsqrt3A {strides = array<i32>} : memref<3128x128xf32, #tpu.memory_space<vmem>>, vector<3128x128xf32>,
    return
  }
  func.func @transform_0(%arg0: i32) -> (i32, i32, i32) {
    %c0_i32 = arith.constant 0 : i32
    %c0_i32_0 = arith.constant 0 : i32
    %c0_i32_1 = arith.constant 0 : i32
    return %c0_i32, %arg0, %c0_i32_0 : i32, i32, i32
  }
  func.func @transform_1(%arg0: i32) -> (i32, i32, i32) {
    %c1_i32 = arith.constant 1 : i32
    %c0_i32 = arith.constant 0 : i32
    %c0_i32_0 = arith.constant 0 : i32
    return %c1_i32, %arg0, %c0_i32 : i32, i32, i32
  }
  func.func @transform_2(%arg0: i32) -> (i32, i32) {
    %c0_i32 = arith.constant 0 : i32
    %c0_i32_0 = arith.constant 0 : i32
    return %arg0, %c0_i32 : i32, i32
  }
  func.func @transform_3(%arg0: i32) -> (i32, i32) {
    %c0_i32 = arith.constant 0 : i32
    %c0_i32_0 = arith.constant 0 : i32
    %c0_i32_1 = arith.constant 0 : i32
    return %c0_i32, %c0_i32_0 : i32, i32
  }
  func.func @transform_4(%arg0: i32) -> (i32, i32) {
    %c0_i32 = arith.constant 0 : i32
    %c0_i32_0 = arith.constant 0 : i32
    return %arg0, %c0_i32 : i32, i32
  }
  func.func @transform_5(%arg0: i32) -> (i32, i32) {
    %c0_i32 = arith.constant 0 : i32
    %c0_i32_0 = arith.constant 0 : i32
    return %arg0, %c0_i32 : i32, i32
  }
}

module attributes {stable_mosaic.version = 14 : i64} {
  func.func @body(%arg0: i32, %arg1: memref<1x3128x128xf32, #tpu.memory_space<vmem>>, %arg2: memref<1x3128x128xf32, #tpu.memory_space<vmem>>, %arg3: memref<3128x128xf32, #tpu.memory_space<vmem>>, %arg4: memref<128x128xbf16, #tpu.memory_space<vmem>>, %arg5: memref<128x128xbf16, #tpu.memory_space<vmem>>, %arg6: memref<128x128xbf16, #tpu.memory_space<vmem>>, %arg7: memref<8x128xf32, #tpu.memory_space<vmem>>, %arg8: memref<3128x128xf32, #tpu.memory_space<vmem>>, %arg9: memref<3128x128xf32, #tpu.memory_space<vmem>>) attributes {dimension_semantics = [#tpu.dimension_semantics<arbitrary>], iteration_bounds = array<i64: 4>, scalar_prefetch = 0 : i64, scratch_operands = 0 : i64, tpu.core_type = #tpu.core_type<tc>, window_params = [{transform_indices = @transform_0, window_bounds = array<i64: 1, 3128, 128>}, {transform_indices = @transform_1, window_bounds = array<i64: 1, 3128, 128>}, {transform_indices = @transform_2, window_bounds = array<i64: 3128, 128>}, {pipeline_mode = #tpu.pipeline_mode<synchronous>, transform_indices = @transform_3, window_bounds = array<i64: 128, 128>}, {pipeline_mode = #tpu.pipeline_mode<synchronous>, transform_indices = @transform_4, window_bounds = array<i64: 128, 128>}, {pipeline_mode = #tpu.pipeline_mode<synchronous>, transform_indices = @transform_5, window_bounds = array<i64: 128, 128>}, {pipeline_mode = #tpu.pipeline_mode<synchronous>, transform_indices = @transform_6, window_bounds = array<i64: 8, 128>}, {transform_indices = @transform_7, window_bounds = array<i64: 3128, 128>}, {transform_indices = @transform_8, window_bounds = array<i64: 3128, 128>}]} {
    %get3A = arith.constant 0 : index
    %get3A_0 = arith.constant 0 : index
    %get3A_1 = arith.constant 0 : index
    %get3A_2 = vector.load %arg1[%get3A, %get3A_0, %get3A_1] : memref<1x3128x128xf32, #tpu.memory_space<vmem>>, vector<1x3128x128xf32>
    %get3A_3 = vector.shape_cast %get3A_2 : vector<1x3128x128xf32> to vector<3128x128xf32>
    %get3A_4 = arith.constant 0 : index
    %get3A_5 = arith.constant 0 : index
    %get3A_6 = arith.constant 0 : index
    %get3A_7 = vector.load %arg2[%get3A_4, %get3A_5, %get3A_6] : memref<1x3128x128xf32, #tpu.memory_space<vmem>>, vector<1x3128x128xf32>
    %get3A_8 = vector.shape_cast %get3A_7 : vector<1x3128x128xf32> to vector<3128x128xf32>
    %add3A = arith.addf %get3A_3, %get3A_8 : vector<3128x128xf32>
    %get3A_9 = arith.constant 0 : index
    %get3A_10 = arith.constant 0 : index
    %get3A_11 = vector.load %arg4[%get3A_9, %get3A_10] : memref<128x128xbf16, #tpu.memory_space<vmem>>, vector<128x128xbf16>
    %convert_element_type3A = arith.truncf %add3A : vector<3128x128xf32> to vector<3128x128xbf16>
    %convert_element_type3A_12 = arith.extf %convert_element_type3A : vector<3128x128xbf16> to vector<3128x128xf32>
    %sub3A = arith.subf %add3A, %convert_element_type3A_12 : vector<3128x128xf32>
    %convert_element_type3A_13 = arith.truncf %sub3A : vector<3128x128xf32> to vector<3128x128xbf16>
    %dot_general3A = arith.constant dense<0.000000e+00> : vector<3128x128xf32>
    %dot_general3A_14 = tpu.matmul %convert_element_type3A, %get3A_11, %dot_general3A {dimension_numbers = #tpu.dot_dimension_numbers<[1], [0], [0], [1], [0, 0, 1, 1], [], []>, transpose_lhs_hint = false} : vector<3128x128xbf16>, vector<128x128xbf16>, vector<3128x128xf32> -> vector<3128x128xf32>
    %dot_general3A_15 = arith.constant dense<0.000000e+00> : vector<3128x128xf32>
    %dot_general3A_16 = tpu.matmul %convert_element_type3A_13, %get3A_11, %dot_general3A_15 {dimension_numbers = #tpu.dot_dimension_numbers<[1], [0], [0], [1], [0, 0, 1, 1], [], []>, transpose_lhs_hint = false} : vector<3128x128xbf16>, vector<128x128xbf16>, vector<3128x128xf32> -> vector<3128x128xf32>
    %add3A_17 = arith.addf %dot_general3A_14, %dot_general3A_16 : vector<3128x128xf32>
    %max3A = arith.constant 1.000000e+00 : f32
    %max3A_18 = vector.broadcast %max3A : f32 to vector<3128x128xf32>
    %max3A_19 = arith.maximumf %add3A_17, %max3A_18 : vector<3128x128xf32>
    %rsqrt3A = math.rsqrt %max3A_19 : vector<3128x128xf32>
    %mul3A = arith.mulf %add3A, %rsqrt3A : vector<3128x128xf32>
    %get3A_20 = arith.constant 0 : index
    %get3A_21 = arith.constant 0 : index
    %get3A_22 = vector.load %arg5[%get3A_20, %get3A_21] : memref<128x128xbf16, #tpu.memory_space<vmem>>, vector<128x128xbf16>
    %get3A_23 = arith.constant 0 : index
    %get3A_24 = arith.constant 0 : index
    %get3A_25 = vector.load %arg6[%get3A_23, %get3A_24] : memref<128x128xbf16, #tpu.memory_space<vmem>>, vector<128x128xbf16>
    %convert_element_type3A_26 = arith.truncf %mul3A : vector<3128x128xf32> to vector<3128x128xbf16>
    %convert_element_type3A_27 = arith.extf %convert_element_type3A_26 : vector<3128x128xbf16> to vector<3128x128xf32>
    %sub3A_28 = arith.subf %mul3A, %convert_element_type3A_27 : vector<3128x128xf32>
    %convert_element_type3A_29 = arith.truncf %sub3A_28 : vector<3128x128xf32> to vector<3128x128xbf16>
    %dot_general3A_30 = arith.constant dense<0.000000e+00> : vector<3128x128xf32>
    %dot_general3A_31 = tpu.matmul %convert_element_type3A_26, %get3A_22, %dot_general3A_30 {dimension_numbers = #tpu.dot_dimension_numbers<[1], [0], [0], [1], [0, 0, 1, 1], [], []>, transpose_lhs_hint = false} : vector<3128x128xbf16>, vector<128x128xbf16>, vector<3128x128xf32> -> vector<3128x128xf32>
    %dot_general3A_32 = arith.constant dense<0.000000e+00> : vector<3128x128xf32>
    %dot_general3A_33 = tpu.matmul %convert_element_type3A_26, %get3A_25, %dot_general3A_32 {dimension_numbers = #tpu.dot_dimension_numbers<[1], [0], [0], [1], [0, 0, 1, 1], [], []>, transpose_lhs_hint = false} : vector<3128x128xbf16>, vector<128x128xbf16>, vector<3128x128xf32> -> vector<3128x128xf32>
    %add3A_34 = arith.addf %dot_general3A_31, %dot_general3A_33 : vector<3128x128xf32>
    %dot_general3A_35 = arith.constant dense<0.000000e+00> : vector<3128x128xf32>
    %dot_general3A_36 = tpu.matmul %convert_element_type3A_29, %get3A_22, %dot_general3A_35 {dimension_numbers = #tpu.dot_dimension_numbers<[1], [0], [0], [1], [0, 0, 1, 1], [], []>, transpose_lhs_hint = false} : vector<3128x128xbf16>, vector<128x128xbf16>, vector<3128x128xf32> -> vector<3128x128xf32>
    %add3A_37 = arith.addf %add3A_34, %dot_general3A_36 : vector<3128x128xf32>
    %get3A_38 = arith.constant 0 : index
    %get3A_39 = arith.constant 0 : index
    %get3A_40 = vector.load %arg7[%get3A_38, %get3A_39] : memref<8x128xf32, #tpu.memory_space<vmem>>, vector<1x128xf32>
    %add3A_41 = vector.broadcast %get3A_40 : vector<1x128xf32> to vector<3128x128xf32>
    %add3A_42 = arith.addf %add3A_37, %add3A_41 : vector<3128x128xf32>
    %max3A_43 = arith.constant 0.000000e+00 : f32
    %max3A_44 = vector.broadcast %max3A_43 : f32 to vector<3128x128xf32>
    %max3A_45 = arith.maximumf %add3A_42, %max3A_44 : vector<3128x128xf32>
    %get3A_46 = arith.constant 0 : index
    %get3A_47 = arith.constant 0 : index
    %get3A_48 = vector.load %arg3[%get3A_46, %get3A_47] : memref<3128x128xf32, #tpu.memory_space<vmem>>, vector<3128x128xf32>
    %mul3A_49 = arith.mulf %max3A_45, %get3A_48 : vector<3128x128xf32>
    %swap3A = arith.constant 0 : index
    %swap3A_50 = arith.constant 0 : index
    %swap3A_51 = vector.load %arg8[%swap3A, %swap3A_50] : memref<3128x128xf32, #tpu.memory_space<vmem>>, vector<3128x128xf32>
    tpu.vector_store %arg8[%swap3A, %swap3A_50], %mul3A_49 {strides = array<i32>} : memref<3128x128xf32, #tpu.memory_space<vmem>>, vector<3128x128xf32>,
    %swap3A_52 = arith.constant 0 : index
    %swap3A_53 = arith.constant 0 : index
    %swap3A_54 = vector.load %arg9[%swap3A_52, %swap3A_53] : memref<3128x128xf32, #tpu.memory_space<vmem>>, vector<3128x128xf32>
    tpu.vector_store %arg9[%swap3A_52, %swap3A_53], %rsqrt3A {strides = array<i32>} : memref<3128x128xf32, #tpu.memory_space<vmem>>, vector<3128x128xf32>,
    return
  }
  func.func @transform_0(%arg0: i32) -> (i32, i32, i32) {
    %c0_i32 = arith.constant 0 : i32
    %c0_i32_0 = arith.constant 0 : i32
    %c0_i32_1 = arith.constant 0 : i32
    return %c0_i32, %arg0, %c0_i32_0 : i32, i32, i32
  }
  func.func @transform_1(%arg0: i32) -> (i32, i32, i32) {
    %c1_i32 = arith.constant 1 : i32
    %c0_i32 = arith.constant 0 : i32
    %c0_i32_0 = arith.constant 0 : i32
    return %c1_i32, %arg0, %c0_i32 : i32, i32, i32
  }
  func.func @transform_2(%arg0: i32) -> (i32, i32) {
    %c0_i32 = arith.constant 0 : i32
    %c0_i32_0 = arith.constant 0 : i32
    return %arg0, %c0_i32 : i32, i32
  }
  func.func @transform_3(%arg0: i32) -> (i32, i32) {
    %c0_i32 = arith.constant 0 : i32
    %c0_i32_0 = arith.constant 0 : i32
    %c0_i32_1 = arith.constant 0 : i32
    return %c0_i32, %c0_i32_0 : i32, i32
  }
  func.func @transform_4(%arg0: i32) -> (i32, i32) {
    %c0_i32 = arith.constant 0 : i32
    %c0_i32_0 = arith.constant 0 : i32
    %c0_i32_1 = arith.constant 0 : i32
    return %c0_i32, %c0_i32_0 : i32, i32
  }
  func.func @transform_5(%arg0: i32) -> (i32, i32) {
    %c0_i32 = arith.constant 0 : i32
    %c0_i32_0 = arith.constant 0 : i32
    %c0_i32_1 = arith.constant 0 : i32
    return %c0_i32, %c0_i32_0 : i32, i32
  }
  func.func @transform_6(%arg0: i32) -> (i32, i32) {
    %c0_i32 = arith.constant 0 : i32
    %c0_i32_0 = arith.constant 0 : i32
    %c0_i32_1 = arith.constant 0 : i32
    return %c0_i32, %c0_i32_0 : i32, i32
  }
  func.func @transform_7(%arg0: i32) -> (i32, i32) {
    %c0_i32 = arith.constant 0 : i32
    %c0_i32_0 = arith.constant 0 : i32
    return %arg0, %c0_i32 : i32, i32
  }
  func.func @transform_8(%arg0: i32) -> (i32, i32) {
    %c0_i32 = arith.constant 0 : i32
    %c0_i32_0 = arith.constant 0 : i32
    return %arg0, %c0_i32 : i32, i32
  }
}

module attributes {stable_mosaic.version = 14 : i64} {
  func.func @body(%arg0: i32, %arg1: memref<1x3128x128xf32, #tpu.memory_space<vmem>>, %arg2: memref<1x3128x128xf32, #tpu.memory_space<vmem>>, %arg3: memref<3128x128xf32, #tpu.memory_space<vmem>>, %arg4: memref<128x128xbf16, #tpu.memory_space<vmem>>, %arg5: memref<128x128xbf16, #tpu.memory_space<vmem>>, %arg6: memref<8x128xf32, #tpu.memory_space<vmem>>, %arg7: memref<3128x128xf32, #tpu.memory_space<vmem>>) attributes {dimension_semantics = [#tpu.dimension_semantics<arbitrary>], iteration_bounds = array<i64: 4>, scalar_prefetch = 0 : i64, scratch_operands = 0 : i64, tpu.core_type = #tpu.core_type<tc>, window_params = [{transform_indices = @transform_0, window_bounds = array<i64: 1, 3128, 128>}, {transform_indices = @transform_1, window_bounds = array<i64: 1, 3128, 128>}, {transform_indices = @transform_2, window_bounds = array<i64: 3128, 128>}, {pipeline_mode = #tpu.pipeline_mode<synchronous>, transform_indices = @transform_3, window_bounds = array<i64: 128, 128>}, {pipeline_mode = #tpu.pipeline_mode<synchronous>, transform_indices = @transform_4, window_bounds = array<i64: 128, 128>}, {pipeline_mode = #tpu.pipeline_mode<synchronous>, transform_indices = @transform_5, window_bounds = array<i64: 8, 128>}, {transform_indices = @transform_6, window_bounds = array<i64: 3128, 128>}]} {
    %get3A = arith.constant 0 : index
    %get3A_0 = arith.constant 0 : index
    %get3A_1 = arith.constant 0 : index
    %get3A_2 = vector.load %arg1[%get3A, %get3A_0, %get3A_1] : memref<1x3128x128xf32, #tpu.memory_space<vmem>>, vector<1x3128x128xf32>
    %get3A_3 = vector.shape_cast %get3A_2 : vector<1x3128x128xf32> to vector<3128x128xf32>
    %get3A_4 = arith.constant 0 : index
    %get3A_5 = arith.constant 0 : index
    %get3A_6 = arith.constant 0 : index
    %get3A_7 = vector.load %arg2[%get3A_4, %get3A_5, %get3A_6] : memref<1x3128x128xf32, #tpu.memory_space<vmem>>, vector<1x3128x128xf32>
    %get3A_8 = vector.shape_cast %get3A_7 : vector<1x3128x128xf32> to vector<3128x128xf32>
    %add3A = arith.addf %get3A_3, %get3A_8 : vector<3128x128xf32>
    %get3A_9 = arith.constant 0 : index
    %get3A_10 = arith.constant 0 : index
    %get3A_11 = vector.load %arg3[%get3A_9, %get3A_10] : memref<3128x128xf32, #tpu.memory_space<vmem>>, vector<3128x128xf32>
    %mul3A = arith.mulf %add3A, %get3A_11 : vector<3128x128xf32>
    %get3A_12 = arith.constant 0 : index
    %get3A_13 = arith.constant 0 : index
    %get3A_14 = vector.load %arg4[%get3A_12, %get3A_13] : memref<128x128xbf16, #tpu.memory_space<vmem>>, vector<128x128xbf16>
    %get3A_15 = arith.constant 0 : index
    %get3A_16 = arith.constant 0 : index
    %get3A_17 = vector.load %arg5[%get3A_15, %get3A_16] : memref<128x128xbf16, #tpu.memory_space<vmem>>, vector<128x128xbf16>
    %convert_element_type3A = arith.truncf %mul3A : vector<3128x128xf32> to vector<3128x128xbf16>
    %convert_element_type3A_18 = arith.extf %convert_element_type3A : vector<3128x128xbf16> to vector<3128x128xf32>
    %sub3A = arith.subf %mul3A, %convert_element_type3A_18 : vector<3128x128xf32>
    %convert_element_type3A_19 = arith.truncf %sub3A : vector<3128x128xf32> to vector<3128x128xbf16>
    %dot_general3A = arith.constant dense<0.000000e+00> : vector<3128x128xf32>
    %dot_general3A_20 = tpu.matmul %convert_element_type3A, %get3A_14, %dot_general3A {dimension_numbers = #tpu.dot_dimension_numbers<[1], [0], [0], [1], [0, 0, 1, 1], [], []>, transpose_lhs_hint = false} : vector<3128x128xbf16>, vector<128x128xbf16>, vector<3128x128xf32> -> vector<3128x128xf32>
    %dot_general3A_21 = arith.constant dense<0.000000e+00> : vector<3128x128xf32>
    %dot_general3A_22 = tpu.matmul %convert_element_type3A, %get3A_17, %dot_general3A_21 {dimension_numbers = #tpu.dot_dimension_numbers<[1], [0], [0], [1], [0, 0, 1, 1], [], []>, transpose_lhs_hint = false} : vector<3128x128xbf16>, vector<128x128xbf16>, vector<3128x128xf32> -> vector<3128x128xf32>
    %add3A_23 = arith.addf %dot_general3A_20, %dot_general3A_22 : vector<3128x128xf32>
    %dot_general3A_24 = arith.constant dense<0.000000e+00> : vector<3128x128xf32>
    %dot_general3A_25 = tpu.matmul %convert_element_type3A_19, %get3A_14, %dot_general3A_24 {dimension_numbers = #tpu.dot_dimension_numbers<[1], [0], [0], [1], [0, 0, 1, 1], [], []>, transpose_lhs_hint = false} : vector<3128x128xbf16>, vector<128x128xbf16>, vector<3128x128xf32> -> vector<3128x128xf32>
    %add3A_26 = arith.addf %add3A_23, %dot_general3A_25 : vector<3128x128xf32>
    %get3A_27 = arith.constant 0 : index
    %get3A_28 = arith.constant 0 : index
    %get3A_29 = vector.load %arg6[%get3A_27, %get3A_28] : memref<8x128xf32, #tpu.memory_space<vmem>>, vector<1x128xf32>
    %add3A_30 = vector.broadcast %get3A_29 : vector<1x128xf32> to vector<3128x128xf32>
    %add3A_31 = arith.addf %add3A_26, %add3A_30 : vector<3128x128xf32>
    %swap3A = arith.constant 0 : index
    %swap3A_32 = arith.constant 0 : index
    %swap3A_33 = vector.load %arg7[%swap3A, %swap3A_32] : memref<3128x128xf32, #tpu.memory_space<vmem>>, vector<3128x128xf32>
    tpu.vector_store %arg7[%swap3A, %swap3A_32], %add3A_31 {strides = array<i32>} : memref<3128x128xf32, #tpu.memory_space<vmem>>, vector<3128x128xf32>,
    return
  }
  func.func @transform_0(%arg0: i32) -> (i32, i32, i32) {
    %c0_i32 = arith.constant 0 : i32
    %c0_i32_0 = arith.constant 0 : i32
    %c0_i32_1 = arith.constant 0 : i32
    return %c0_i32, %arg0, %c0_i32_0 : i32, i32, i32
  }
  func.func @transform_1(%arg0: i32) -> (i32, i32, i32) {
    %c1_i32 = arith.constant 1 : i32
    %c0_i32 = arith.constant 0 : i32
    %c0_i32_0 = arith.constant 0 : i32
    return %c1_i32, %arg0, %c0_i32 : i32, i32, i32
  }
  func.func @transform_2(%arg0: i32) -> (i32, i32) {
    %c0_i32 = arith.constant 0 : i32
    %c0_i32_0 = arith.constant 0 : i32
    return %arg0, %c0_i32 : i32, i32
  }
  func.func @transform_3(%arg0: i32) -> (i32, i32) {
    %c0_i32 = arith.constant 0 : i32
    %c0_i32_0 = arith.constant 0 : i32
    %c0_i32_1 = arith.constant 0 : i32
    return %c0_i32, %c0_i32_0 : i32, i32
  }
  func.func @transform_4(%arg0: i32) -> (i32, i32) {
    %c0_i32 = arith.constant 0 : i32
    %c0_i32_0 = arith.constant 0 : i32
    %c0_i32_1 = arith.constant 0 : i32
    return %c0_i32, %c0_i32_0 : i32, i32
  }
  func.func @transform_5(%arg0: i32) -> (i32, i32) {
    %c0_i32 = arith.constant 0 : i32
    %c0_i32_0 = arith.constant 0 : i32
    %c0_i32_1 = arith.constant 0 : i32
    return %c0_i32, %c0_i32_0 : i32, i32
  }
  func.func @transform_6(%arg0: i32) -> (i32, i32) {
    %c0_i32 = arith.constant 0 : i32
    %c0_i32_0 = arith.constant 0 : i32
    return %arg0, %c0_i32 : i32, i32
  }
}

</mosaic_0001>

<sc_bundles>
// kernel: kernel.11.cloned.1.call-start
scs
__scs_entry_jumppad:
0x0: {  	(pc) =	sbr.rel $0x88, $3  }
0x1: {  	(tag) =	ssettag $0x0;
	lr =	simm.s32 $0x1  }
0x2: {  	[smem:$0x3F9B] =	sst lr;
	_ =	strace $0xD0000000  }
0x3: {  	_ = 	snop  }
0x4: {  	_ = 	snop  }
0x5: {  	_ = 	snop  }
0x6: {  	_ = 	snop  }
0x7: {  	_ = 	snop  }
__scs_overlays_trampoline_lowered:
0x8: {  	[smem:$0x3FAA] =	sst s0  }
0x9: {  	[smem:$0x3FAB] =	sst s1  }
0xa: {  	[smem:$0x3FAC] =	sst s2  }
0xb: {  	[smem:$0x3FAD] =	sst s3  }
0xc: {  	[smem:$0x3FAE] =	sst s4  }
0xd: {  	[smem:$0x3FAF] =	sst s5  }
0xe: {  	[smem:$0x3FB0] =	sst s6  }
0xf: {  	[smem:$0x3FB1] =	sst s7  }
0x10: {  	[smem:$0x3FB2] =	sst s8  }
0x11: {  	[smem:$0x3FB3] =	sst s9;
	s0 =	simm.s32 @!p0 $0x0  }
0x12: {  	s1 =	sld [smem:$0x3F99];
	s0 =	simm.s32 @p0 $0x1  }
0x13: {  	[smem:$0x3FB4] =	sst s0;
	s0 =	simm.s32 @!p1 $0x0  }
0x14: {  	s2 =	sld [smem:$0x3F98];
	s0 =	simm.s32 @p1 $0x1  }
0x15: {  	[smem:$0x3FB5] =	sst s0;
	s0 =	simm.s32 @!p2 $0x0  }
0x16: {  	s3 =	sld [smem:$0x3FDB];
	s0 =	simm.s32 @p2 $0x1  }
0x17: {  	s4 =	simm.s32 $0x1BF5;
	[smem:$0x3FB7] =	sst s0  }
0x18: {  	s0 =	sld [smem:$0x3F9A];
	_ =	swait.ge [sflag:s4], $0x0  }
0x19: {  	s7 =	sld [smem:$0x3F9B]  }
0x1a: {  	s8 =	sadd.s32 $0xFFFFE003, lr  }
0x1b: {  	s9 =	sadd.s32 $0xFFFFFEF7, lr;
	s5 =	simm.s32 $0xFFFFFFFF;
	p2 =	slt.u32 s8, $0xFFFFF086  }
0x1c: {  	p1 =	slt.u32 s9, $0xF7A;
	s5 =	simm.s32 @!p2 $0x0  }
0x1d: {  	s5 =	simm.s32 @p1 $0x1;
	p0 =	seq.s32 s7, s2  }
0x1e: {  	s7 =	smul.u32 @!p0 $0xF7A, s2;
	p2 =	seq.s32 @!p0 s5, $0x0  }
0x1f: {  	s9 =	smul.u32 $0xF7A, s1;
	s8 =	simm.s32 @!p0 $0x1BF5;
	p2 =	por !p2, p0  }
0x20: {  	[sflag:s8] =	ssyncset.s32 @!p0 $0xFFFFF086;
	s6 =	sadd.s32 @!p0 s3, s7;
	s7 =	simm.s32 @!p0 $0x108  }
0x21: {  	s3 =	sadd.s32 s3, s9;
	s6 =	sadd.s32 @!p0 $0x88, s6;
	s7 =	simm.s32 @p2 $0x1082  }
0x22: {  	[simem:s7], [sflag:s8] =	dma.local @!p0 [hbm:s6], $0xF7A  }
0x23: {  	s9 =	sor.u32 $0xD0000000, s2;
	s6 =	simm.s32 $0x108;
	_ =	swait.ge @!p0 [sflag:s8], $0x0  }
0x24: {  	s3 =	sadd.s32 $0x88, s3;
	s6 =	simm.s32 @!p1 $0x1082;
	[sflag:s4] =	ssyncset.s32 $0xFFFFF086  }
0x25: {  	[simem:s6], [sflag:s4] =	dma.local [hbm:s3], $0xF7A  }
0x26: {  	[smem:$0x3F9B] =	sst s1;
	(tag) =	ssettag s2;
	_ =	strace s9  }
0x27: {  	s1 =	sld [smem:$0x3FAB]  }
0x28: {  	s2 =	sld [smem:$0x3FAC]  }
0x29: {  	s4 =	sld [smem:$0x3FAE]  }
0x2a: {  	p0 =	seq.s32 s5, $0x0;
	s5 =	sld [smem:$0x3FAF]  }
0x2b: {  	s6 =	sld [smem:$0x3FB0]  }
0x2c: {  	s7 =	sld [smem:$0x3FB1]  }
0x2d: {  	s3 =	simm.s32 $0x108;
	s8 =	sld [smem:$0x3FB2]  }
0x2e: {  	s3 =	simm.s32 @!p0 $0x1082;
	s9 =	sld [smem:$0x3FB3]  }
0x2f: {  	lr =	sadd.s32 s0, s3;
	s0 =	sld [smem:$0x3FAA]  }
0x30: {  	s3 =	sld [smem:$0x3FAD]  }
0x31: {  	[smem:$0x3FB6] =	sst s10  }
0x32: {  	s10 =	sld [smem:$0x3FB4];
	_ =	sdelay $0x3  }
0x33: {  	p0 =	seq.s32 s10, $0x1;
	s10 =	sld [smem:$0x3FB6];
	_ =	sdelay $0x3  }
0x34: {  	[smem:$0x3FB6] =	sst s10  }
0x35: {  	s10 =	sld [smem:$0x3FB5];
	_ =	sdelay $0x3  }
0x36: {  	p1 =	seq.s32 s10, $0x1;
	s10 =	sld [smem:$0x3FB6];
	_ =	sdelay $0x3  }
0x37: {  	[smem:$0x3FB6] =	sst s10  }
0x38: {  	s10 =	sld [smem:$0x3FB7]  }
0x39: {  	_ = 	snop;
	(pc) =	sbr.ind lr, $3  }
0x3a: {  	_ = 	snop  }
0x3b: {  	_ = 	snop  }
0x3c: {  	p2 =	seq.s32 s10, $0x1;
	s10 =	sld [smem:$0x3FB6]  }
0x3d: {  	_ =	shalt  }
0x3e: {  	_ =	shalt  }
0x3f: {  	_ =	shalt  }
0x40: {  	_ =	shalt  }
0x41: {  	_ =	shalt  }
0x42: {  	_ =	shalt  }
0x43: {  	_ =	shalt  }
0x44: {  	_ =	shalt  }
0x45: {  	_ =	shalt  }
0x46: {  	_ =	shalt  }
0x47: {  	_ =	shalt  }
0x48: {  	_ =	shalt  }
0x49: {  	_ =	shalt  }
0x4a: {  	_ =	shalt  }
0x4b: {  	_ =	shalt  }
0x4c: {  	_ =	shalt  }
0x4d: {  	_ =	shalt  }
0x4e: {  	_ =	shalt  }
0x4f: {  	_ =	shalt  }
0x50: {  	_ =	shalt  }
0x51: {  	_ =	shalt  }
0x52: {  	_ =	shalt  }
0x53: {  	_ =	shalt  }
0x54: {  	_ =	shalt  }
0x55: {  	_ =	shalt  }
0x56: {  	_ =	shalt  }
0x57: {  	_ =	shalt  }
0x58: {  	_ =	shalt  }
0x59: {  	_ =	shalt  }
0x5a: {  	_ =	shalt  }
0x5b: {  	_ =	shalt  }
0x5c: {  	_ =	shalt  }
0x5d: {  	_ =	shalt  }
0x5e: {  	_ =	shalt  }
0x5f: {  	_ =	shalt  }
0x60: {  	_ =	shalt  }
0x61: {  	_ =	shalt  }
0x62: {  	_ =	shalt  }
0x63: {  	_ =	shalt  }
0x64: {  	_ =	shalt  }
0x65: {  	_ =	shalt  }
0x66: {  	_ =	shalt  }
0x67: {  	_ =	shalt  }
0x68: {  	_ =	shalt  }
0x69: {  	_ =	shalt  }
0x6a: {  	_ =	shalt  }
0x6b: {  	_ =	shalt  }
0x6c: {  	_ =	shalt  }
0x6d: {  	_ =	shalt  }
0x6e: {  	_ =	shalt  }
0x6f: {  	_ =	shalt  }
0x70: {  	_ =	shalt  }
0x71: {  	_ =	shalt  }
0x72: {  	_ =	shalt  }
0x73: {  	_ =	shalt  }
0x74: {  	_ =	shalt  }
0x75: {  	_ =	shalt  }
0x76: {  	_ =	shalt  }
0x77: {  	_ =	shalt  }
0x78: {  	_ =	shalt  }
0x79: {  	_ =	shalt  }
0x7a: {  	_ =	shalt  }
0x7b: {  	_ =	shalt  }
0x7c: {  	_ =	shalt  }
0x7d: {  	_ =	shalt  }
0x7e: {  	_ =	shalt  }
0x7f: {  	_ =	shalt  }
0x80: {  	_ =	shalt  }
0x81: {  	_ =	shalt  }
0x82: {  	_ =	shalt  }
0x83: {  	_ =	shalt  }
0x84: {  	_ =	shalt  }
0x85: {  	_ =	shalt  }
0x86: {  	_ =	shalt  }
0x87: {  	_ =	shalt  }
.Lfunc_end0:
.L_simem_size_0:
called_computation.1_lowered:
.L_overlay_start_0:
0x88: {  	s2 =	sld [smem:$0x3FD9]  }
0x89: {  	s3 =	sld [smem:$0x3FFE];
	_ =	sdelay $0x1  }
0x8a: {  	s1 =	srdreg.scid  }
0x8b: {  	s0 =	sand.u32 $0x1, s1  }
0x8c: {  	s16 =	sshll.u32 s0, $0xA;
	s2 =	sadd.s32 s3, s2  }
0x8d: {  	s2 =	sadd.s32 s2, s16  }
0x8e: {  	[smem:$0x3FC2] =	sst s2  }
0x8f: {  	_ = 	snop  }
0x90: {  	(tm) =	ssettm $0x1  }
0x91: {  	s17 =	sld [smem:$0x3FFB];
	_ =	sdelay $0x3  }
0x92: {  	_ =	strace s17  }
0x93: {  	s2 =	sld [smem:$0x3FFC];
	_ =	sdelay $0x3  }
0x94: {  	_ =	strace s2  }
0x95: {  	s2 =	sld [smem:$0x3FFD];
	_ =	sdelay $0x3  }
0x96: {  	_ =	strace s2  }
0x97: {  	_ =	strace $0x8FFFFFFF  }
0x98: {  	s18 =	sld [smem:$0x3FDB];
	_ =	sdelay $0x1  }
0x99: {  	s19 =	simm.s32 $_scs_section_size  }
0x9a: {  	s4 =	simm.s32 $_size__tile_overlayer_lowered;
	s5 =	simm.s32 $_tile_overlayer_lowered  }
0x9b: {  	s22 =	simm.s32 $0x1BFF;
	s21 =	sshll.u32 s5, $0x1;
	s2 =	sadd.s32 s19, s18  }
0x9c: {  	s6 =	simm.s32 $0x0;
	s20 =	sshll.u32 s4, $0x1;
	s4 =	sadd.s32 s21, s2  }
0x9d: {  	[timem:s6], [sflag:s22] =	dma.local [hbm:s4], s20  }
0x9e: {  	_ =	swait.ge [sflag:s22], s20  }
0x9f: {  	s3 =	ssub.s32 $0x0, s20;
	[sflag:s22] =	ssyncset.done $0x0  }
0xa0: {  	[sflag:s22] =	ssyncadd.s32 s3;
	_ =	sdelay $0x1  }
0xa1: {  	s23 =	simm.s32 $0x1B8B  }
0xa2: {  	_ =	swait.ge [sflag:s23], $0x1  }
0xa3: {  	[sflag:s23] =	ssyncset.done $0x0  }
0xa4: {  	s25 =	simm.s32 $0x1B8E;
	s24 =	sld [smem:$0x3FFE];
	[sflag:s23] =	ssyncadd.s32 $0xFFFFFFFF  }
0xa5: {  	s26 =	simm.s32 $execute0_lowered;
	[smem:$0x3FD2] =	sst s25  }
0xa6: {  	s4 =	sshll.u32 s26, $0x1;
	_ =	strace $0x80000049;
	[dreg:$0x1] =	wrdreg $0xFFFFFFFF  }
0xa7: {  	s28 =	simm.s32 $_size_execute0_lowered;
	s2 =	sadd.s32 s2, s4;
	[dreg:$0x0] =	wrdreg $0x0  }
0xa8: {  	s4 =	sshll.u32 s28, $0x1;
	[dreg:$0x2] =	wrdreg s2  }
0xa9: {  	[dreg:$0x3] =	wrdreg s4  }
0xaa: {  	[dreg:$0x4] =	wrdreg $0xC0  }
0xab: {  	_ =	task [dreg:s6], $0x5FFFF  }
0xac: {  	[dreg:$0x1] =	wrdreg $0xFFFFFFFF  }
0xad: {  	[dreg:$0x0] =	wrdreg $0x60  }
0xae: {  	[dreg:$0x2] =	wrdreg s24  }
0xaf: {  	[dreg:$0x3] =	wrdreg $0x58000  }
0xb0: {  	[dreg:$0x4] =	wrdreg $0x9  }
0xb1: {  	_ =	task.clear_ibuf [dreg:s6], $0x5FFFF;
	_ =	strace $0x90000049  }
0xb2: {  	s29 =	simm.s32 $0x9;
	_ =	strace $0x8000004B  }
0xb3: {  	_ =	swait.ge [sflag:s29], $0x1  }
0xb4: {  	[sflag:s29] =	ssyncadd.s32 $0xFFFFFFFF  }
0xb5: {  	_ =	strace $0x9000004B  }
0xb6: {  	_ =	sfence  }
0xb7: {  	s30 =	sld [smem:$0x0];
	_ =	sdelay $0x2  }
0xb8: {  	s31 =	sshll.u32 s1, $0xD;
	s1 =	sshrl.u32 s1, $0x2  }
0xb9: {  	s3 =	sand.u32 $0x4000, s31;
	s1 =	sadd.s32 s1, s30  }
0xba: {  	s0 =	sor.u32 s3, s0;
	s1 =	sshll.u32 s1, $0x11  }
0xbb: {  	s0 =	sor.u32 s1, s0  }
0xbc: {  	s0 =	sadd.s32 $0x8F2B, s0  }
0xbd: {  	[sflag:s0] =	ssyncadd.remote.s32 $0x1  }
0xbe: {  	_ =	sfence.sel $0xFFFF  }
0xbf: {  	[dreg:$0x0] =	wrdreg $0xFFFFFFFF;
	(pc) =	sbr.abs _section_cstart, $3  }
0xc0: {  	[dreg:$0x1] =	wrdreg $0xFFFFFFFF  }
0xc1: {  	_ =	task.clear_ibuf [dreg:s6], $0x2FFFF;
	_ =	strace $0x9FFFFFFF  }
0xc2: {  	(tm) =	ssettm $0x7FFFFFFF  }
0xc3: {  	_ =	shalt  }
tec
execute0_lowered:
.L_overlay_start_1:
0x0: {  	(tag) =	ssettag $0x1  }
0x1: {  	s0 =	rddreg [dreg:$0x0]  }
0x2: {  	s2 =	rddreg [dreg:$0x1]  }
0x3: {  	s11 =	stileid.u32;
	s1 =	srdreg.scid  }
0x4: {  	s3 =	simm.s32 $0x0;
	s13 =	simm.s32 $0x9;
	s15 =	simm.s32 $0x80  }
0x5: {  	s16 =	simm.s32 $0x4000;
	s17 =	simm.s32 $0x4800;
	s18 =	simm.s32 $0x1  }
0x6: {  	s19 =	simm.s32 $0x3800;
	s20 =	simm.s32 $0x5000;
	s21 =	simm.s32 $0x2  }
0x7: {  	s22 =	simm.s32 $0x5;
	s23 =	simm.s32 $0x3;
	s24 =	simm.s32 $0x6  }
0x8: {  	s25 =	simm.s32 $0x4;
	s30 =	simm.s32 $0x8;
	s31 =	simm.s32 $0x1B80  }
0x9: {  	s12 =	simm.s32 $0x0;
	s7 =	smul.u32 $0x18700, s11;
	s1 =	sand.u32 $0x1, s1  }
0xa: {  	[smem:$0x7FF] =	sst s3;
	s4 =	sadd.s32 $0x95600, s0;
	s5 =	sadd.s32 $0x2800, s0  }
0xb: {  	s6 =	sadd.s32 $0xF7200, s0;
	s28 =	sshll.u32 s11, $0x6;
	s8 =	smul.u32 $0x187000, s1  }
0xc: {  	_ =	strace $0x8000004A;
	s10 =	ssub.s32 $0x2, s1;
	s1 =	sshll.u32 s1, $0x4  }
0xd: {  	s9 =	sshrl.u32 s7, $0x3;
	s26 =	sshrl.u32 s10, $0x1;
	s1 =	sor.u32 s11, s1  }
0xe: {  	s8 =	sadd.s32 s7, s8;
	s9 =	sadd.s32 s9, s0;
	s7 =	sadd.s32 s7, s2  }
0xf: {  	s8 =	sshrl.u32 s8, $0x3;
	s9 =	sadd.s32 $0x64800, s9;
	s11 =	sshrl.u32 s7, $0x3  }
0x10: {  	s7 =	simm.s32 $0x3780;
	s0 =	sadd.s32 s8, s0;
	[dreg:$0x3] =	wrdreg s9  }
0x11: {  	s8 =	ssub.s32 s10, s26;
	s10 =	sor.u32 $0x1C09, s28;
	[dreg:$0x7] =	wrdreg s11  }
0x12: {  	s9 =	smul.u32 $0x310, s1;
	s0 =	sadd.s32 $0x159200, s0;
	[dreg:$0x4] =	wrdreg s10  }
0x13: {  	s26 =	simm.s32 $0x7;
	s29 =	smax.u32 s8, $0x1;
	[dreg:$0x5] =	wrdreg s0  }
0x14: {  	s1 =	simm.s32 $0x3700;
	[dreg:$0x6] =	wrdreg s29;
	s0 =	simm.s32 $0x3680  }
.LBB2_1:
0x15: {  	[dreg:$0x8] =	wrdreg s12  }
0x16: {  	s8 =	rddreg [dreg:$0x3]  }
0x17: {  	[spmem:s11], [sflag:s10] =	dma.local [hbm:s8], $0x30E0  }
0x18: {  	_ =	swait.ge [sflag:s13], $0x30E0  }
0x19: {  	[sflag:s13] =	ssyncset.done $0x0  }
0x1a: {  	[sflag:s13] =	ssyncadd.s32 $0xFFFFCF20  }
0x1b: {  	s11 =	simm.s32 $0x0;
	[bflag:$0x0] =	sbarrier.arrive $0xFFFF  }
.LBB2_2:
0x1c: {  	s8 =	smul.u32 $0x38, s11;
	_ =	sdelay $0x1  }
0x1d: {  	s8 =	sadd.s32 s9, s8  }
0x1e: {  	s8 =	sshll.u32 s8, $0x4  }
0x1f: {  	s10 =	sadd.s32 s5, s8  }
0x20: {  	[tilespmem:s3], [sflag:$0x9] =	stream.linear.gather [hbm4b:s10+s3], $0x1C00, $0x38;
	[tilespmem:$0x1DF00] =	vst v63  }
0x21: {  	_ =	swait.ge [sflag:s13], $0x1C00  }
0x22: {  	[sflag:s13] =	ssyncset.done $0x0  }
0x23: {  	s12 =	simm.s32 $0x1C00;
	s8 =	sadd.s32 s6, s8;
	[sflag:s13] =	ssyncadd.s32 $0xFFFFE400  }
0x24: {  	[tilespmem:s12], [sflag:$0x9] =	stream.linear.gather [hbm4b:s8+s3], $0x1C00, $0x38;
	[tilespmem:$0x1DF00] =	vst v63  }
0x25: {  	p0 =	seq.s32 s11, $0x0;
	_ =	swait.ge [sflag:s13], $0x1C00  }
0x26: {  	s10 =	simm.s32 @p0 $0x0;
	[sflag:s13] =	ssyncset.done $0x0  }
0x27: {  	s8 =	simm.s32 @p0 $0x80;
	s12 =	simm.s32 @p0 $0x3800;
	[sflag:s13] =	ssyncadd.s32 $0xFFFFE400  }
0x28: {  	[tilespmem:s12], [sflag:$0x1] =	stream.indirect.gather @p0 [hbm4b:s4+s8], $0x10, s10, s8, $0xb8;
	[tilespmem:$0x1DF00] =	vst v63  }
0x29: {  	s8 =	simm.s32 @!p0 $0x5  }
0x2a: {  	_ =	swait.ge @!p0 [sflag:s8], $0x800  }
0x2b: {  	s10 =	simm.s32 @!p0 $0x0;
	[sflag:s8] =	ssyncset.done @!p0 $0x0  }
0x2c: {  	s12 =	simm.s32 @!p0 $0x3800;
	[sflag:s8] =	ssyncadd.s32 @!p0 $0xFFFFF800;
	s8 =	simm.s32 @!p0 $0x80  }
0x2d: {  	[tilespmem:s12], [sflag:$0x1] =	stream.indirect.gather @!p0 [hbm4b:s4+s8], $0x10, s10, s8, $0xb8;
	[tilespmem:$0x1DF00] =	vst v63  }
0x2e: {  	s8 =	simm.s32 @!p0 $0x6  }
0x2f: {  	_ =	swait.ge @!p0 [sflag:s8], $0x800  }
0x30: {  	s14 =	simm.s32 $0x0;
	[sflag:s8] =	ssyncset.done @!p0 $0x0  }
0x31: {  	[sflag:s8] =	ssyncadd.s32 @!p0 $0xFFFFF800;
	s8 =	sor.u32 s11, s14  }
0x32: {  	[tilespmem:s16], [sflag:$0x2] =	stream.indirect.gather [hbm4b:s4+s15], $0x10, s15, s15, $0xb8;
	[tilespmem:$0x1DF00] =	vst v63  }
0x33: {  	p0 =	seq.s32 s8, $0x0  }
0x34: {  	s8 =	simm.s32 @!p0 $0x7  }
0x35: {  	_ =	swait.ge @!p0 [sflag:s8], $0x800  }
0x36: {  	[sflag:s8] =	ssyncset.done @!p0 $0x0  }
0x37: {  	s28 =	simm.s32 $0x100;
	[sflag:s8] =	ssyncadd.s32 @!p0 $0xFFFFF800  }
0x38: {  	[tilespmem:s17], [sflag:$0x3] =	stream.indirect.gather [hbm4b:s4+s15], $0x10, s28, s15, $0xb8;
	[tilespmem:$0x1DF00] =	vst v63  }
0x39: {  	_ =	swait.ge [sflag:s18], $0x800  }
0x3a: {  	[sflag:s18] =	ssyncset.done $0x0  }
0x3b: {  	s29 =	simm.s32 $0x1C00;
	s10 =	simm.s32 @!p0 $0x8;
	[sflag:s18] =	ssyncadd.s32 $0xFFFFF800  }
0x3c: {  	[spmem:s2] =	stream.indirect.scatter.add.f32 [tilespmem:s19], [sflag:$0x5], $0x10, s29, s15, $0xb8;
	[tilespmem:$0x1DF00] =	vst v63  }
0x3d: {  	_ =	swait.ge @!p0 [sflag:s10], $0x800  }
0x3e: {  	[sflag:s10] =	ssyncset.done @!p0 $0x0  }
0x3f: {  	[sflag:s10] =	ssyncadd.s32 @!p0 $0xFFFFF800;
	s10 =	simm.s32 $0x180  }
0x40: {  	[tilespmem:s20], [sflag:$0x4] =	stream.indirect.gather [hbm4b:s4+s15], $0x10, s10, s15, $0xb8;
	[tilespmem:$0x1DF00] =	vst v63  }
0x41: {  	_ =	swait.ge [sflag:s21], $0x800  }
0x42: {  	[sflag:s21] =	ssyncset.done $0x0  }
0x43: {  	s12 =	simm.s32 $0x1C80;
	[sflag:s21] =	ssyncadd.s32 $0xFFFFF800  }
0x44: {  	[spmem:s2] =	stream.indirect.scatter.add.f32 [tilespmem:s16], [sflag:$0x6], $0x10, s12, s15, $0xb8;
	[tilespmem:$0x1DF00] =	vst v63  }
0x45: {  	_ =	swait.ge [sflag:s22], $0x800  }
0x46: {  	[sflag:s22] =	ssyncset.done $0x0  }
0x47: {  	s14 =	simm.s32 $0x200;
	[sflag:s22] =	ssyncadd.s32 $0xFFFFF800  }
0x48: {  	[tilespmem:s19], [sflag:$0x1] =	stream.indirect.gather [hbm4b:s4+s15], $0x10, s14, s15, $0xb8;
	[tilespmem:$0x1DF00] =	vst v63  }
0x49: {  	_ =	swait.ge [sflag:s23], $0x800  }
0x4a: {  	[sflag:s23] =	ssyncset.done $0x0  }
0x4b: {  	s28 =	simm.s32 $0x1D00;
	[sflag:s23] =	ssyncadd.s32 $0xFFFFF800  }
0x4c: {  	[spmem:s2] =	stream.indirect.scatter.add.f32 [tilespmem:s17], [sflag:$0x7], $0x10, s28, s15, $0xb8;
	[tilespmem:$0x1DF00] =	vst v63  }
0x4d: {  	_ =	swait.ge [sflag:s24], $0x800  }
0x4e: {  	s8 =	simm.s32 $0x800;
	[sflag:s24] =	ssyncset.done $0x0  }
0x4f: {  	s29 =	simm.s32 $0x280;
	s12 =	simm.s32 $0x1;
	[sflag:s24] =	ssyncadd.s32 $0xFFFFF800  }
0x50: {  	[tilespmem:s16], [sflag:$0x2] =	stream.indirect.gather [hbm4b:s4+s15], $0x10, s29, s15, $0xb8;
	[tilespmem:$0x1DF00] =	vst v63  }
0x51: {  	s10 =	simm.s32 $0x1000;
	s14 =	sor.u32 s11, s12;
	_ =	swait.ge [sflag:s25], $0x800  }
0x52: {  	p1 =	seq.s32 s14, $0x0;
	s14 =	simm.s32 $0x1D80;
	[sflag:s25] =	ssyncset.done $0x0  }
.LBB2_3:
0x53: {  	s28 =	simm.s32 @!p1 $0x7  }
0x54: {  	[sflag:s25] =	ssyncadd.s32 $0xFFFFF800;
	s29 =	smov.u32 s10;
	s10 =	sadd.s32 $0x800, s10  }
0x55: {  	[spmem:s2] =	stream.indirect.scatter.add.f32 [tilespmem:s20], [sflag:$0x8], $0x10, s14, s15, $0xb8;
	[tilespmem:$0x1DF00] =	vst v63  }
0x56: {  	p0 =	sne.s32 s10, $0x6800;
	_ =	swait.ge @!p1 [sflag:s28], $0x800  }
0x57: {  	s14 =	sshra.s32 s8, $0x2;
	s8 =	smov.u32 s29;
	[sflag:s28] =	ssyncset.done @!p1 $0x0  }
0x58: {  	[sflag:s28] =	ssyncadd.s32 @!p1 $0xFFFFF800;
	s28 =	sadd.s32 $0x100, s14  }
0x59: {  	[tilespmem:s17], [sflag:$0x3] =	stream.indirect.gather [hbm4b:s4+s15], $0x10, s28, s15, $0xb8;
	[tilespmem:$0x1DF00] =	vst v63  }
0x5a: {  	_ =	swait.ge [sflag:s18], $0x800  }
0x5b: {  	[sflag:s18] =	ssyncset.done $0x0  }
0x5c: {  	s29 =	simm.s32 @!p1 $0x8;
	s28 =	sadd.s32 $0x1C00, s14;
	[sflag:s18] =	ssyncadd.s32 $0xFFFFF800  }
0x5d: {  	[spmem:s2] =	stream.indirect.scatter.add.f32 [tilespmem:s19], [sflag:$0x5], $0x10, s28, s15, $0xb8;
	[tilespmem:$0x1DF00] =	vst v63  }
0x5e: {  	_ =	swait.ge @!p1 [sflag:s29], $0x800  }
0x5f: {  	[sflag:s29] =	ssyncset.done @!p1 $0x0  }
0x60: {  	s28 =	sadd.s32 $0x180, s14;
	[sflag:s29] =	ssyncadd.s32 @!p1 $0xFFFFF800  }
0x61: {  	[tilespmem:s20], [sflag:$0x4] =	stream.indirect.gather [hbm4b:s4+s15], $0x10, s28, s15, $0xb8;
	[tilespmem:$0x1DF00] =	vst v63  }
0x62: {  	_ =	swait.ge [sflag:s21], $0x800  }
0x63: {  	[sflag:s21] =	ssyncset.done $0x0  }
0x64: {  	s28 =	sadd.s32 $0x1C80, s14;
	[sflag:s21] =	ssyncadd.s32 $0xFFFFF800  }
0x65: {  	[spmem:s2] =	stream.indirect.scatter.add.f32 [tilespmem:s16], [sflag:$0x6], $0x10, s28, s15, $0xb8;
	[tilespmem:$0x1DF00] =	vst v63  }
0x66: {  	_ =	swait.ge [sflag:s22], $0x800  }
0x67: {  	[sflag:s22] =	ssyncset.done $0x0  }
0x68: {  	s28 =	sadd.s32 $0x200, s14;
	[sflag:s22] =	ssyncadd.s32 $0xFFFFF800  }
0x69: {  	[tilespmem:s19], [sflag:$0x1] =	stream.indirect.gather [hbm4b:s4+s15], $0x10, s28, s15, $0xb8;
	[tilespmem:$0x1DF00] =	vst v63  }
0x6a: {  	_ =	swait.ge [sflag:s23], $0x800  }
0x6b: {  	[sflag:s23] =	ssyncset.done $0x0  }
0x6c: {  	s28 =	sadd.s32 $0x1D00, s14;
	[sflag:s23] =	ssyncadd.s32 $0xFFFFF800  }
0x6d: {  	[spmem:s2] =	stream.indirect.scatter.add.f32 [tilespmem:s17], [sflag:$0x7], $0x10, s28, s15, $0xb8;
	[tilespmem:$0x1DF00] =	vst v63  }
0x6e: {  	_ =	swait.ge [sflag:s24], $0x800  }
.Ltmp0:
0x6f: {  	[sflag:s24] =	ssyncset.done $0x0;
	(pc) =	sbr.rel @p0 .LBB2_3-.Ltmp0, $4  }
0x70: {  	s12 =	sadd.s32 $0x1, s12;
	s28 =	sadd.s32 $0x280, s14;
	[sflag:s24] =	ssyncadd.s32 $0xFFFFF800  }
0x71: {  	[tilespmem:s16], [sflag:$0x2] =	stream.indirect.gather [hbm4b:s4+s15], $0x10, s28, s15, $0xb8;
	[tilespmem:$0x1DF00] =	vst v63  }
0x72: {  	s28 =	sor.u32 s11, s12;
	_ =	swait.ge [sflag:s25], $0x800  }
0x73: {  	s14 =	sadd.s32 $0x1D80, s14;
	p1 =	seq.s32 s28, $0x0;
	[sflag:s25] =	ssyncset.done $0x0  }
0x74: {  	s10 =	simm.s32 @!p1 $0x7;
	[sflag:s25] =	ssyncadd.s32 $0xFFFFF800  }
0x75: {  	[spmem:s2] =	stream.indirect.scatter.add.f32 [tilespmem:s20], [sflag:$0x8], $0x10, s14, s15, $0xb8;
	[tilespmem:$0x1DF00] =	vst v63  }
0x76: {  	_ =	swait.ge @!p1 [sflag:s10], $0x800  }
0x77: {  	s8 =	sshra.s32 s8, $0x2;
	[sflag:s10] =	ssyncset.done @!p1 $0x0  }
0x78: {  	s28 =	sadd.s32 $0x100, s8;
	[sflag:s10] =	ssyncadd.s32 @!p1 $0xFFFFF800  }
0x79: {  	[tilespmem:s17], [sflag:$0x3] =	stream.indirect.gather [hbm4b:s4+s15], $0x10, s28, s15, $0xb8;
	[tilespmem:$0x1DF00] =	vst v63  }
0x7a: {  	_ =	swait.ge [sflag:s18], $0x800  }
0x7b: {  	[sflag:s18] =	ssyncset.done $0x0  }
0x7c: {  	s12 =	simm.s32 @!p1 $0x8;
	s29 =	sadd.s32 $0x1C00, s8;
	[sflag:s18] =	ssyncadd.s32 $0xFFFFF800  }
0x7d: {  	[spmem:s2] =	stream.indirect.scatter.add.f32 [tilespmem:s19], [sflag:$0x5], $0x10, s29, s15, $0xb8;
	[tilespmem:$0x1DF00] =	vst v63  }
0x7e: {  	_ =	swait.ge @!p1 [sflag:s12], $0x800  }
0x7f: {  	[sflag:s12] =	ssyncset.done @!p1 $0x0  }
0x80: {  	s14 =	sadd.s32 $0x180, s8;
	[sflag:s12] =	ssyncadd.s32 @!p1 $0xFFFFF800  }
0x81: {  	[tilespmem:s20], [sflag:$0x4] =	stream.indirect.gather [hbm4b:s4+s15], $0x10, s14, s15, $0xb8;
	[tilespmem:$0x1DF00] =	vst v63  }
0x82: {  	_ =	swait.ge [sflag:s21], $0x800  }
0x83: {  	[sflag:s21] =	ssyncset.done $0x0  }
0x84: {  	s28 =	sadd.s32 $0x1C80, s8;
	[sflag:s21] =	ssyncadd.s32 $0xFFFFF800  }
0x85: {  	[spmem:s2] =	stream.indirect.scatter.add.f32 [tilespmem:s16], [sflag:$0x6], $0x10, s28, s15, $0xb8;
	[tilespmem:$0x1DF00] =	vst v63  }
0x86: {  	_ =	swait.ge [sflag:s22], $0x800  }
0x87: {  	[sflag:s22] =	ssyncset.done $0x0  }
0x88: {  	s29 =	sadd.s32 $0x200, s8;
	[sflag:s22] =	ssyncadd.s32 $0xFFFFF800  }
0x89: {  	[tilespmem:s19], [sflag:$0x1] =	stream.indirect.gather [hbm4b:s4+s15], $0x10, s29, s15, $0xb8;
	[tilespmem:$0x1DF00] =	vst v63  }
0x8a: {  	_ =	swait.ge [sflag:s23], $0x800  }
0x8b: {  	[sflag:s23] =	ssyncset.done $0x0  }
0x8c: {  	s12 =	sadd.s32 $0x1D00, s8;
	[sflag:s23] =	ssyncadd.s32 $0xFFFFF800  }
0x8d: {  	[spmem:s2] =	stream.indirect.scatter.add.f32 [tilespmem:s17], [sflag:$0x7], $0x10, s12, s15, $0xb8;
	[tilespmem:$0x1DF00] =	vst v63  }
0x8e: {  	_ =	swait.ge [sflag:s24], $0x800  }
0x8f: {  	[sflag:s24] =	ssyncset.done $0x0  }
0x90: {  	s14 =	sadd.s32 $0x280, s8;
	[sflag:s24] =	ssyncadd.s32 $0xFFFFF800  }
0x91: {  	[tilespmem:s16], [sflag:$0x2] =	stream.indirect.gather [hbm4b:s4+s15], $0x10, s14, s15, $0xb8;
	[tilespmem:$0x1DF00] =	vst v63  }
0x92: {  	_ =	swait.ge [sflag:s25], $0x800  }
0x93: {  	[sflag:s25] =	ssyncset.done $0x0  }
0x94: {  	s8 =	sadd.s32 $0x1D80, s8;
	[sflag:s25] =	ssyncadd.s32 $0xFFFFF800  }
0x95: {  	[spmem:s2] =	stream.indirect.scatter.add.f32 [tilespmem:s20], [sflag:$0x8], $0x10, s8, s15, $0xb8;
	[tilespmem:$0x1DF00] =	vst v63  }
0x96: {  	_ =	swait.ge [sflag:s26], $0x800  }
0x97: {  	[sflag:s26] =	ssyncset.done $0x0  }
0x98: {  	s28 =	simm.s32 $0x1B00;
	[sflag:s26] =	ssyncadd.s32 $0xFFFFF800  }
0x99: {  	[tilespmem:s17], [sflag:$0x3] =	stream.indirect.gather [hbm4b:s4+s15], $0x10, s28, s15, $0xb8;
	[tilespmem:$0x1DF00] =	vst v63  }
0x9a: {  	_ =	swait.ge [sflag:s18], $0x800  }
0x9b: {  	[sflag:s18] =	ssyncset.done $0x0  }
0x9c: {  	s29 =	simm.s32 $0x3600;
	[sflag:s18] =	ssyncadd.s32 $0xFFFFF800  }
0x9d: {  	[spmem:s2] =	stream.indirect.scatter.add.f32 [tilespmem:s19], [sflag:$0x5], $0x10, s29, s15, $0xb8;
	[tilespmem:$0x1DF00] =	vst v63  }
0x9e: {  	_ =	swait.ge [sflag:s30], $0x800  }
0x9f: {  	[sflag:s30] =	ssyncset.done $0x0  }
0xa0: {  	[sflag:s30] =	ssyncadd.s32 $0xFFFFF800  }
0xa1: {  	[tilespmem:s20], [sflag:$0x4] =	stream.indirect.gather [hbm4b:s4+s15], $0x10, s31, s15, $0xb8;
	[tilespmem:$0x1DF00] =	vst v63  }
0xa2: {  	_ =	swait.ge [sflag:s21], $0x800  }
0xa3: {  	[sflag:s21] =	ssyncset.done $0x0  }
0xa4: {  	[sflag:s21] =	ssyncadd.s32 $0xFFFFF800  }
0xa5: {  	[spmem:s2] =	stream.indirect.scatter.add.f32 [tilespmem:s16], [sflag:$0x6], $0x10, s0, s15, $0xb8;
	[tilespmem:$0x1DF00] =	vst v63  }
0xa6: {  	_ =	swait.ge [sflag:s23], $0x800  }
0xa7: {  	s11 =	sadd.s32 $0x1, s11;
	[sflag:s23] =	ssyncset.done $0x0  }
0xa8: {  	p0 =	sne.s32 s11, $0xE;
	[sflag:s23] =	ssyncadd.s32 $0xFFFFF800  }
0xa9: {  	[spmem:s2] =	stream.indirect.scatter.add.f32 [tilespmem:s17], [sflag:$0x7], $0x10, s1, s15, $0xb8;
	[tilespmem:$0x1DF00] =	vst v63  }
.Ltmp1:
0xaa: {  	_ = 	snop;
	(pc) =	sbr.rel @p0 .LBB2_2-.Ltmp1, $4  }
0xab: {  	_ =	swait.ge [sflag:s25], $0x800  }
0xac: {  	[sflag:s25] =	ssyncset.done $0x0  }
0xad: {  	[sflag:s25] =	ssyncadd.s32 $0xFFFFF800  }
0xae: {  	[spmem:s2] =	stream.indirect.scatter.add.f32 [tilespmem:s20], [sflag:$0x8], $0x10, s7, s15, $0xb8;
	[tilespmem:$0x1DF00] =	vst v63  }
0xaf: {  	_ =	swait.ge [sflag:s22], $0x800  }
0xb0: {  	[sflag:s22] =	ssyncset.done $0x0  }
0xb1: {  	[sflag:s22] =	ssyncadd.s32 $0xFFFFF800  }
0xb2: {  	_ =	swait.ge [sflag:s24], $0x800  }
0xb3: {  	[sflag:s24] =	ssyncset.done $0x0  }
0xb4: {  	[sflag:s24] =	ssyncadd.s32 $0xFFFFF800  }
0xb5: {  	_ =	swait.ge [sflag:s26], $0x800  }
0xb6: {  	[sflag:s26] =	ssyncset.done $0x0  }
0xb7: {  	[sflag:s26] =	ssyncadd.s32 $0xFFFFF800  }
0xb8: {  	_ =	swait.ge [sflag:s30], $0x800  }
0xb9: {  	[sflag:s30] =	ssyncset.done $0x0  }
0xba: {  	[sflag:s30] =	ssyncadd.s32 $0xFFFFF800  }
0xbb: {  	[bflag:$0x0] =	sbarrier.arrive $0xFFFF  }
0xbc: {  	s10 =	rddreg [dreg:$0x4]  }
0xbd: {  	s8 =	rddreg [dreg:$0x5]  }
0xbe: {  	s11 =	rddreg [dreg:$0x7]  }
0xbf: {  	[hbm:s8], [sflag:s10] =	dma.local [spmem:s11], $0x30E0  }
0xc0: {  	_ =	swait.ge [sflag:s13], $0x30E0  }
0xc1: {  	s12 =	rddreg [dreg:$0x8]  }
0xc2: {  	s29 =	rddreg [dreg:$0x6];
	s12 =	sadd.s32 $0x1, s12  }
0xc3: {  	p0 =	sne.s32 s12, s29  }
.Ltmp2:
0xc4: {  	_ = 	snop;
	(pc) =	sbr.rel @p0 .LBB2_1-.Ltmp2, $3  }
0xc5: {  	_ =	sdelay $0x1  }
0xc6: {  	[sflag:s13] =	ssyncset.done $0x0  }
0xc7: {  	[sflag:s13] =	ssyncadd.s32 $0xFFFFCF20  }
0xc8: {  	_ =	sfence.sel $0x180000  }
0xc9: {  	[bflag:$0x0] =	sbarrier.arrive $0xFFFF  }
0xca: {  	_ =	strace $0x9000004A  }
0xcb: {  	s0 =	stileid.u32;
	[bflag:$0x2] =	sbarrier.arrive $0xFFFF  }
0xcc: {  	p0 =	sne.s32 s0, $0x0;
	s0 =	rddreg [dreg:$0x2]  }
0xcd: {  	s0 =	sadd.s32 @!p0 $0x100000, s0  }
0xce: {  	[sflag:s0] =	ssyncadd.tile.s32 @!p0 $0x1;
	_ =	shalt  }
.Lfunc_end2:
_tile_overlayer_lowered:
.L_overlay_start_2:
0xcf: {  	(tag) =	ssettag $0x2  }
0xd0: {  	s0 =	rddreg [dreg:$0x0];
	s2 =	stileid.u32  }
0xd1: {  	s1 =	rddreg [dreg:$0x1];
	p0 =	sne.s32 s2, $0x0  }
0xd2: {  	s3 =	rddreg [dreg:$0x2];
	[bflag:$0x3] =	sbarrier.arrive $0xFFFF;
	s2 =	simm.s32 @!p0 $0x1C09  }
0xd3: {  	[timem:s3], [sflag:s2] =	dma.local @!p0 [hbm:s0], s1  }
0xd4: {  	s0 =	simm.s32 @!p0 $0x9  }
0xd5: {  	_ =	swait.ge @!p0 [sflag:s0], s1  }
0xd6: {  	s1 =	ssub.s32 @!p0 $0x0, s1;
	[sflag:s0] =	ssyncset.done @!p0 $0x0  }
0xd7: {  	[sflag:s0] =	ssyncadd.s32 @!p0 s1  }
0xd8: {  	[bflag:$0x3] =	sbarrier.arrive $0xFFFF  }
0xd9: {  	_ =	shalt  }

// kernel: kernel.14.cloned.1.call-start
scs
__scs_entry_jumppad:
0x0: {  	(pc) =	sbr.rel $0x88, $3  }
0x1: {  	(tag) =	ssettag $0x0;
	lr =	simm.s32 $0x1  }
0x2: {  	[smem:$0x3F9B] =	sst lr;
	_ =	strace $0xD0000000  }
0x3: {  	_ = 	snop  }
0x4: {  	_ = 	snop  }
0x5: {  	_ = 	snop  }
0x6: {  	_ = 	snop  }
0x7: {  	_ = 	snop  }
__scs_overlays_trampoline_lowered:
0x8: {  	[smem:$0x3FAA] =	sst s0  }
0x9: {  	[smem:$0x3FAB] =	sst s1  }
0xa: {  	[smem:$0x3FAC] =	sst s2  }
0xb: {  	[smem:$0x3FAD] =	sst s3  }
0xc: {  	[smem:$0x3FAE] =	sst s4  }
0xd: {  	[smem:$0x3FAF] =	sst s5  }
0xe: {  	[smem:$0x3FB0] =	sst s6  }
0xf: {  	[smem:$0x3FB1] =	sst s7  }
0x10: {  	[smem:$0x3FB2] =	sst s8  }
0x11: {  	[smem:$0x3FB3] =	sst s9;
	s0 =	simm.s32 @!p0 $0x0  }
0x12: {  	s1 =	sld [smem:$0x3F99];
	s0 =	simm.s32 @p0 $0x1  }
0x13: {  	[smem:$0x3FB4] =	sst s0;
	s0 =	simm.s32 @!p1 $0x0  }
0x14: {  	s2 =	sld [smem:$0x3F98];
	s0 =	simm.s32 @p1 $0x1  }
0x15: {  	[smem:$0x3FB5] =	sst s0;
	s0 =	simm.s32 @!p2 $0x0  }
0x16: {  	s3 =	sld [smem:$0x3FDB];
	s0 =	simm.s32 @p2 $0x1  }
0x17: {  	s4 =	simm.s32 $0x1BF5;
	[smem:$0x3FB7] =	sst s0  }
0x18: {  	s0 =	sld [smem:$0x3F9A];
	_ =	swait.ge [sflag:s4], $0x0  }
0x19: {  	s7 =	sld [smem:$0x3F9B]  }
0x1a: {  	s8 =	sadd.s32 $0xFFFFE003, lr  }
0x1b: {  	s9 =	sadd.s32 $0xFFFFFEF7, lr;
	s5 =	simm.s32 $0xFFFFFFFF;
	p2 =	slt.u32 s8, $0xFFFFF086  }
0x1c: {  	p1 =	slt.u32 s9, $0xF7A;
	s5 =	simm.s32 @!p2 $0x0  }
0x1d: {  	s5 =	simm.s32 @p1 $0x1;
	p0 =	seq.s32 s7, s2  }
0x1e: {  	s7 =	smul.u32 @!p0 $0xF7A, s2;
	p2 =	seq.s32 @!p0 s5, $0x0  }
0x1f: {  	s9 =	smul.u32 $0xF7A, s1;
	s8 =	simm.s32 @!p0 $0x1BF5;
	p2 =	por !p2, p0  }
0x20: {  	[sflag:s8] =	ssyncset.s32 @!p0 $0xFFFFF086;
	s6 =	sadd.s32 @!p0 s3, s7;
	s7 =	simm.s32 @!p0 $0x108  }
0x21: {  	s3 =	sadd.s32 s3, s9;
	s6 =	sadd.s32 @!p0 $0x88, s6;
	s7 =	simm.s32 @p2 $0x1082  }
0x22: {  	[simem:s7], [sflag:s8] =	dma.local @!p0 [hbm:s6], $0xF7A  }
0x23: {  	s9 =	sor.u32 $0xD0000000, s2;
	s6 =	simm.s32 $0x108;
	_ =	swait.ge @!p0 [sflag:s8], $0x0  }
0x24: {  	s3 =	sadd.s32 $0x88, s3;
	s6 =	simm.s32 @!p1 $0x1082;
	[sflag:s4] =	ssyncset.s32 $0xFFFFF086  }
0x25: {  	[simem:s6], [sflag:s4] =	dma.local [hbm:s3], $0xF7A  }
0x26: {  	[smem:$0x3F9B] =	sst s1;
	(tag) =	ssettag s2;
	_ =	strace s9  }
0x27: {  	s1 =	sld [smem:$0x3FAB]  }
0x28: {  	s2 =	sld [smem:$0x3FAC]  }
0x29: {  	s4 =	sld [smem:$0x3FAE]  }
0x2a: {  	p0 =	seq.s32 s5, $0x0;
	s5 =	sld [smem:$0x3FAF]  }
0x2b: {  	s6 =	sld [smem:$0x3FB0]  }
0x2c: {  	s7 =	sld [smem:$0x3FB1]  }
0x2d: {  	s3 =	simm.s32 $0x108;
	s8 =	sld [smem:$0x3FB2]  }
0x2e: {  	s3 =	simm.s32 @!p0 $0x1082;
	s9 =	sld [smem:$0x3FB3]  }
0x2f: {  	lr =	sadd.s32 s0, s3;
	s0 =	sld [smem:$0x3FAA]  }
0x30: {  	s3 =	sld [smem:$0x3FAD]  }
0x31: {  	[smem:$0x3FB6] =	sst s10  }
0x32: {  	s10 =	sld [smem:$0x3FB4];
	_ =	sdelay $0x3  }
0x33: {  	p0 =	seq.s32 s10, $0x1;
	s10 =	sld [smem:$0x3FB6];
	_ =	sdelay $0x3  }
0x34: {  	[smem:$0x3FB6] =	sst s10  }
0x35: {  	s10 =	sld [smem:$0x3FB5];
	_ =	sdelay $0x3  }
0x36: {  	p1 =	seq.s32 s10, $0x1;
	s10 =	sld [smem:$0x3FB6];
	_ =	sdelay $0x3  }
0x37: {  	[smem:$0x3FB6] =	sst s10  }
0x38: {  	s10 =	sld [smem:$0x3FB7]  }
0x39: {  	_ = 	snop;
	(pc) =	sbr.ind lr, $3  }
0x3a: {  	_ = 	snop  }
0x3b: {  	_ = 	snop  }
0x3c: {  	p2 =	seq.s32 s10, $0x1;
	s10 =	sld [smem:$0x3FB6]  }
0x3d: {  	_ =	shalt  }
0x3e: {  	_ =	shalt  }
0x3f: {  	_ =	shalt  }
0x40: {  	_ =	shalt  }
0x41: {  	_ =	shalt  }
0x42: {  	_ =	shalt  }
0x43: {  	_ =	shalt  }
0x44: {  	_ =	shalt  }
0x45: {  	_ =	shalt  }
0x46: {  	_ =	shalt  }
0x47: {  	_ =	shalt  }
0x48: {  	_ =	shalt  }
0x49: {  	_ =	shalt  }
0x4a: {  	_ =	shalt  }
0x4b: {  	_ =	shalt  }
0x4c: {  	_ =	shalt  }
0x4d: {  	_ =	shalt  }
0x4e: {  	_ =	shalt  }
0x4f: {  	_ =	shalt  }
0x50: {  	_ =	shalt  }
0x51: {  	_ =	shalt  }
0x52: {  	_ =	shalt  }
0x53: {  	_ =	shalt  }
0x54: {  	_ =	shalt  }
0x55: {  	_ =	shalt  }
0x56: {  	_ =	shalt  }
0x57: {  	_ =	shalt  }
0x58: {  	_ =	shalt  }
0x59: {  	_ =	shalt  }
0x5a: {  	_ =	shalt  }
0x5b: {  	_ =	shalt  }
0x5c: {  	_ =	shalt  }
0x5d: {  	_ =	shalt  }
0x5e: {  	_ =	shalt  }
0x5f: {  	_ =	shalt  }
0x60: {  	_ =	shalt  }
0x61: {  	_ =	shalt  }
0x62: {  	_ =	shalt  }
0x63: {  	_ =	shalt  }
0x64: {  	_ =	shalt  }
0x65: {  	_ =	shalt  }
0x66: {  	_ =	shalt  }
0x67: {  	_ =	shalt  }
0x68: {  	_ =	shalt  }
0x69: {  	_ =	shalt  }
0x6a: {  	_ =	shalt  }
0x6b: {  	_ =	shalt  }
0x6c: {  	_ =	shalt  }
0x6d: {  	_ =	shalt  }
0x6e: {  	_ =	shalt  }
0x6f: {  	_ =	shalt  }
0x70: {  	_ =	shalt  }
0x71: {  	_ =	shalt  }
0x72: {  	_ =	shalt  }
0x73: {  	_ =	shalt  }
0x74: {  	_ =	shalt  }
0x75: {  	_ =	shalt  }
0x76: {  	_ =	shalt  }
0x77: {  	_ =	shalt  }
0x78: {  	_ =	shalt  }
0x79: {  	_ =	shalt  }
0x7a: {  	_ =	shalt  }
0x7b: {  	_ =	shalt  }
0x7c: {  	_ =	shalt  }
0x7d: {  	_ =	shalt  }
0x7e: {  	_ =	shalt  }
0x7f: {  	_ =	shalt  }
0x80: {  	_ =	shalt  }
0x81: {  	_ =	shalt  }
0x82: {  	_ =	shalt  }
0x83: {  	_ =	shalt  }
0x84: {  	_ =	shalt  }
0x85: {  	_ =	shalt  }
0x86: {  	_ =	shalt  }
0x87: {  	_ =	shalt  }
.Lfunc_end0:
.L_simem_size_0:
called_computation.2_lowered:
.L_overlay_start_0:
0x88: {  	s2 =	sld [smem:$0x3FD9]  }
0x89: {  	s3 =	sld [smem:$0x3FFE];
	_ =	sdelay $0x1  }
0x8a: {  	s1 =	srdreg.scid  }
0x8b: {  	s0 =	sand.u32 $0x1, s1  }
0x8c: {  	s16 =	sshll.u32 s0, $0xA;
	s2 =	sadd.s32 s3, s2  }
0x8d: {  	s2 =	sadd.s32 s2, s16  }
0x8e: {  	[smem:$0x3FC2] =	sst s2  }
0x8f: {  	_ = 	snop  }
0x90: {  	(tm) =	ssettm $0x1  }
0x91: {  	s17 =	sld [smem:$0x3FFB];
	_ =	sdelay $0x3  }
0x92: {  	_ =	strace s17  }
0x93: {  	s2 =	sld [smem:$0x3FFC];
	_ =	sdelay $0x3  }
0x94: {  	_ =	strace s2  }
0x95: {  	s2 =	sld [smem:$0x3FFD];
	_ =	sdelay $0x3  }
0x96: {  	_ =	strace s2  }
0x97: {  	_ =	strace $0x8FFFFFFF  }
0x98: {  	s18 =	sld [smem:$0x3FDB];
	_ =	sdelay $0x1  }
0x99: {  	s19 =	simm.s32 $_scs_section_size  }
0x9a: {  	s4 =	simm.s32 $_size__tile_overlayer_lowered;
	s5 =	simm.s32 $_tile_overlayer_lowered  }
0x9b: {  	s22 =	simm.s32 $0x1BFF;
	s21 =	sshll.u32 s5, $0x1;
	s2 =	sadd.s32 s19, s18  }
0x9c: {  	s6 =	simm.s32 $0x0;
	s20 =	sshll.u32 s4, $0x1;
	s4 =	sadd.s32 s21, s2  }
0x9d: {  	[timem:s6], [sflag:s22] =	dma.local [hbm:s4], s20  }
0x9e: {  	_ =	swait.ge [sflag:s22], s20  }
0x9f: {  	s3 =	ssub.s32 $0x0, s20;
	[sflag:s22] =	ssyncset.done $0x0  }
0xa0: {  	[sflag:s22] =	ssyncadd.s32 s3;
	_ =	sdelay $0x1  }
0xa1: {  	s23 =	simm.s32 $0x1B8B  }
0xa2: {  	_ =	swait.ge [sflag:s23], $0x1  }
0xa3: {  	[sflag:s23] =	ssyncset.done $0x0  }
0xa4: {  	s25 =	simm.s32 $0x1B8E;
	s24 =	sld [smem:$0x3FFE];
	[sflag:s23] =	ssyncadd.s32 $0xFFFFFFFF  }
0xa5: {  	s26 =	simm.s32 $execute0_lowered;
	[smem:$0x3FD2] =	sst s25  }
0xa6: {  	s4 =	sshll.u32 s26, $0x1;
	_ =	strace $0x8000004C;
	[dreg:$0x1] =	wrdreg $0xFFFFFFFF  }
0xa7: {  	s28 =	simm.s32 $_size_execute0_lowered;
	s2 =	sadd.s32 s2, s4;
	[dreg:$0x0] =	wrdreg $0x0  }
0xa8: {  	s4 =	sshll.u32 s28, $0x1;
	[dreg:$0x2] =	wrdreg s2  }
0xa9: {  	[dreg:$0x3] =	wrdreg s4  }
0xaa: {  	[dreg:$0x4] =	wrdreg $0xC0  }
0xab: {  	_ =	task [dreg:s6], $0x5FFFF  }
0xac: {  	[dreg:$0x1] =	wrdreg $0xFFFFFFFF  }
0xad: {  	[dreg:$0x0] =	wrdreg $0x60  }
0xae: {  	[dreg:$0x2] =	wrdreg s24  }
0xaf: {  	[dreg:$0x3] =	wrdreg $0x58000  }
0xb0: {  	[dreg:$0x4] =	wrdreg $0x9  }
0xb1: {  	_ =	task.clear_ibuf [dreg:s6], $0x5FFFF;
	_ =	strace $0x9000004C  }
0xb2: {  	s29 =	simm.s32 $0x9;
	_ =	strace $0x8000004E  }
0xb3: {  	_ =	swait.ge [sflag:s29], $0x1  }
0xb4: {  	[sflag:s29] =	ssyncadd.s32 $0xFFFFFFFF  }
0xb5: {  	_ =	strace $0x9000004E  }
0xb6: {  	_ =	sfence  }
0xb7: {  	s30 =	sld [smem:$0x0];
	_ =	sdelay $0x2  }
0xb8: {  	s31 =	sshll.u32 s1, $0xD;
	s1 =	sshrl.u32 s1, $0x2  }
0xb9: {  	s3 =	sand.u32 $0x4000, s31;
	s1 =	sadd.s32 s1, s30  }
0xba: {  	s0 =	sor.u32 s3, s0;
	s1 =	sshll.u32 s1, $0x11  }
0xbb: {  	s0 =	sor.u32 s1, s0  }
0xbc: {  	s0 =	sadd.s32 $0x8F2B, s0  }
0xbd: {  	[sflag:s0] =	ssyncadd.remote.s32 $0x1  }
0xbe: {  	_ =	sfence.sel $0xFFFF  }
0xbf: {  	[dreg:$0x0] =	wrdreg $0xFFFFFFFF;
	(pc) =	sbr.abs _section_cstart, $3  }
0xc0: {  	[dreg:$0x1] =	wrdreg $0xFFFFFFFF  }
0xc1: {  	_ =	task.clear_ibuf [dreg:s6], $0x2FFFF;
	_ =	strace $0x9FFFFFFF  }
0xc2: {  	(tm) =	ssettm $0x7FFFFFFF  }
0xc3: {  	_ =	shalt  }
tec
execute0_lowered:
.L_overlay_start_1:
0x0: {  	(tag) =	ssettag $0x1  }
0x1: {  	s0 =	rddreg [dreg:$0x0]  }
0x2: {  	s2 =	rddreg [dreg:$0x1]  }
0x3: {  	s11 =	stileid.u32;
	s1 =	srdreg.scid  }
0x4: {  	s3 =	simm.s32 $0x0;
	s13 =	simm.s32 $0x9;
	s15 =	simm.s32 $0x80  }
0x5: {  	s16 =	simm.s32 $0x4000;
	s17 =	simm.s32 $0x4800;
	s18 =	simm.s32 $0x1  }
0x6: {  	s19 =	simm.s32 $0x3800;
	s20 =	simm.s32 $0x5000;
	s21 =	simm.s32 $0x2  }
0x7: {  	s22 =	simm.s32 $0x5;
	s23 =	simm.s32 $0x3;
	s24 =	simm.s32 $0x6  }
0x8: {  	s25 =	simm.s32 $0x4;
	s30 =	simm.s32 $0x8;
	s31 =	simm.s32 $0x1B80  }
0x9: {  	s12 =	simm.s32 $0x0;
	s7 =	smul.u32 $0x18700, s11;
	s1 =	sand.u32 $0x1, s1  }
0xa: {  	[smem:$0x7FF] =	sst s3;
	s4 =	sadd.s32 $0x95600, s0;
	s5 =	sadd.s32 $0x2800, s0  }
0xb: {  	s6 =	sadd.s32 $0xF7200, s0;
	s28 =	sshll.u32 s11, $0x6;
	s8 =	smul.u32 $0x187000, s1  }
0xc: {  	_ =	strace $0x8000004D;
	s10 =	ssub.s32 $0x2, s1;
	s1 =	sshll.u32 s1, $0x4  }
0xd: {  	s9 =	sshrl.u32 s7, $0x3;
	s26 =	sshrl.u32 s10, $0x1;
	s1 =	sor.u32 s11, s1  }
0xe: {  	s8 =	sadd.s32 s7, s8;
	s9 =	sadd.s32 s9, s0;
	s7 =	sadd.s32 s7, s2  }
0xf: {  	s8 =	sshrl.u32 s8, $0x3;
	s9 =	sadd.s32 $0x64800, s9;
	s11 =	sshrl.u32 s7, $0x3  }
0x10: {  	s7 =	simm.s32 $0x3780;
	s0 =	sadd.s32 s8, s0;
	[dreg:$0x3] =	wrdreg s9  }
0x11: {  	s8 =	ssub.s32 s10, s26;
	s10 =	sor.u32 $0x1C09, s28;
	[dreg:$0x7] =	wrdreg s11  }
0x12: {  	s9 =	smul.u32 $0x310, s1;
	s0 =	sadd.s32 $0x159200, s0;
	[dreg:$0x4] =	wrdreg s10  }
0x13: {  	s26 =	simm.s32 $0x7;
	s29 =	smax.u32 s8, $0x1;
	[dreg:$0x5] =	wrdreg s0  }
0x14: {  	s1 =	simm.s32 $0x3700;
	[dreg:$0x6] =	wrdreg s29;
	s0 =	simm.s32 $0x3680  }
.LBB2_1:
0x15: {  	[dreg:$0x8] =	wrdreg s12  }
0x16: {  	s8 =	rddreg [dreg:$0x3]  }
0x17: {  	[spmem:s11], [sflag:s10] =	dma.local [hbm:s8], $0x30E0  }
0x18: {  	_ =	swait.ge [sflag:s13], $0x30E0  }
0x19: {  	[sflag:s13] =	ssyncset.done $0x0  }
0x1a: {  	[sflag:s13] =	ssyncadd.s32 $0xFFFFCF20  }
0x1b: {  	s11 =	simm.s32 $0x0;
	[bflag:$0x0] =	sbarrier.arrive $0xFFFF  }
.LBB2_2:
0x1c: {  	s8 =	smul.u32 $0x38, s11;
	_ =	sdelay $0x1  }
0x1d: {  	s8 =	sadd.s32 s9, s8  }
0x1e: {  	s8 =	sshll.u32 s8, $0x4  }
0x1f: {  	s10 =	sadd.s32 s5, s8  }
0x20: {  	[tilespmem:s3], [sflag:$0x9] =	stream.linear.gather [hbm4b:s10+s3], $0x1C00, $0x38;
	[tilespmem:$0x1DF00] =	vst v63  }
0x21: {  	_ =	swait.ge [sflag:s13], $0x1C00  }
0x22: {  	[sflag:s13] =	ssyncset.done $0x0  }
0x23: {  	s12 =	simm.s32 $0x1C00;
	s8 =	sadd.s32 s6, s8;
	[sflag:s13] =	ssyncadd.s32 $0xFFFFE400  }
0x24: {  	[tilespmem:s12], [sflag:$0x9] =	stream.linear.gather [hbm4b:s8+s3], $0x1C00, $0x38;
	[tilespmem:$0x1DF00] =	vst v63  }
0x25: {  	p0 =	seq.s32 s11, $0x0;
	_ =	swait.ge [sflag:s13], $0x1C00  }
0x26: {  	s10 =	simm.s32 @p0 $0x0;
	[sflag:s13] =	ssyncset.done $0x0  }
0x27: {  	s8 =	simm.s32 @p0 $0x80;
	s12 =	simm.s32 @p0 $0x3800;
	[sflag:s13] =	ssyncadd.s32 $0xFFFFE400  }
0x28: {  	[tilespmem:s12], [sflag:$0x1] =	stream.indirect.gather @p0 [hbm4b:s4+s8], $0x10, s10, s8, $0xb8;
	[tilespmem:$0x1DF00] =	vst v63  }
0x29: {  	s8 =	simm.s32 @!p0 $0x5  }
0x2a: {  	_ =	swait.ge @!p0 [sflag:s8], $0x800  }
0x2b: {  	s10 =	simm.s32 @!p0 $0x0;
	[sflag:s8] =	ssyncset.done @!p0 $0x0  }
0x2c: {  	s12 =	simm.s32 @!p0 $0x3800;
	[sflag:s8] =	ssyncadd.s32 @!p0 $0xFFFFF800;
	s8 =	simm.s32 @!p0 $0x80  }
0x2d: {  	[tilespmem:s12], [sflag:$0x1] =	stream.indirect.gather @!p0 [hbm4b:s4+s8], $0x10, s10, s8, $0xb8;
	[tilespmem:$0x1DF00] =	vst v63  }
0x2e: {  	s8 =	simm.s32 @!p0 $0x6  }
0x2f: {  	_ =	swait.ge @!p0 [sflag:s8], $0x800  }
0x30: {  	s14 =	simm.s32 $0x0;
	[sflag:s8] =	ssyncset.done @!p0 $0x0  }
0x31: {  	[sflag:s8] =	ssyncadd.s32 @!p0 $0xFFFFF800;
	s8 =	sor.u32 s11, s14  }
0x32: {  	[tilespmem:s16], [sflag:$0x2] =	stream.indirect.gather [hbm4b:s4+s15], $0x10, s15, s15, $0xb8;
	[tilespmem:$0x1DF00] =	vst v63  }
0x33: {  	p0 =	seq.s32 s8, $0x0  }
0x34: {  	s8 =	simm.s32 @!p0 $0x7  }
0x35: {  	_ =	swait.ge @!p0 [sflag:s8], $0x800  }
0x36: {  	[sflag:s8] =	ssyncset.done @!p0 $0x0  }
0x37: {  	s28 =	simm.s32 $0x100;
	[sflag:s8] =	ssyncadd.s32 @!p0 $0xFFFFF800  }
0x38: {  	[tilespmem:s17], [sflag:$0x3] =	stream.indirect.gather [hbm4b:s4+s15], $0x10, s28, s15, $0xb8;
	[tilespmem:$0x1DF00] =	vst v63  }
0x39: {  	_ =	swait.ge [sflag:s18], $0x800  }
0x3a: {  	[sflag:s18] =	ssyncset.done $0x0  }
0x3b: {  	s29 =	simm.s32 $0x1C00;
	s10 =	simm.s32 @!p0 $0x8;
	[sflag:s18] =	ssyncadd.s32 $0xFFFFF800  }
0x3c: {  	[spmem:s2] =	stream.indirect.scatter.add.f32 [tilespmem:s19], [sflag:$0x5], $0x10, s29, s15, $0xb8;
	[tilespmem:$0x1DF00] =	vst v63  }
0x3d: {  	_ =	swait.ge @!p0 [sflag:s10], $0x800  }
0x3e: {  	[sflag:s10] =	ssyncset.done @!p0 $0x0  }
0x3f: {  	[sflag:s10] =	ssyncadd.s32 @!p0 $0xFFFFF800;
	s10 =	simm.s32 $0x180  }
0x40: {  	[tilespmem:s20], [sflag:$0x4] =	stream.indirect.gather [hbm4b:s4+s15], $0x10, s10, s15, $0xb8;
	[tilespmem:$0x1DF00] =	vst v63  }
0x41: {  	_ =	swait.ge [sflag:s21], $0x800  }
0x42: {  	[sflag:s21] =	ssyncset.done $0x0  }
0x43: {  	s12 =	simm.s32 $0x1C80;
	[sflag:s21] =	ssyncadd.s32 $0xFFFFF800  }
0x44: {  	[spmem:s2] =	stream.indirect.scatter.add.f32 [tilespmem:s16], [sflag:$0x6], $0x10, s12, s15, $0xb8;
	[tilespmem:$0x1DF00] =	vst v63  }
0x45: {  	_ =	swait.ge [sflag:s22], $0x800  }
0x46: {  	[sflag:s22] =	ssyncset.done $0x0  }
0x47: {  	s14 =	simm.s32 $0x200;
	[sflag:s22] =	ssyncadd.s32 $0xFFFFF800  }
0x48: {  	[tilespmem:s19], [sflag:$0x1] =	stream.indirect.gather [hbm4b:s4+s15], $0x10, s14, s15, $0xb8;
	[tilespmem:$0x1DF00] =	vst v63  }
0x49: {  	_ =	swait.ge [sflag:s23], $0x800  }
0x4a: {  	[sflag:s23] =	ssyncset.done $0x0  }
0x4b: {  	s28 =	simm.s32 $0x1D00;
	[sflag:s23] =	ssyncadd.s32 $0xFFFFF800  }
0x4c: {  	[spmem:s2] =	stream.indirect.scatter.add.f32 [tilespmem:s17], [sflag:$0x7], $0x10, s28, s15, $0xb8;
	[tilespmem:$0x1DF00] =	vst v63  }
0x4d: {  	_ =	swait.ge [sflag:s24], $0x800  }
0x4e: {  	s8 =	simm.s32 $0x800;
	[sflag:s24] =	ssyncset.done $0x0  }
0x4f: {  	s29 =	simm.s32 $0x280;
	s12 =	simm.s32 $0x1;
	[sflag:s24] =	ssyncadd.s32 $0xFFFFF800  }
0x50: {  	[tilespmem:s16], [sflag:$0x2] =	stream.indirect.gather [hbm4b:s4+s15], $0x10, s29, s15, $0xb8;
	[tilespmem:$0x1DF00] =	vst v63  }
0x51: {  	s10 =	simm.s32 $0x1000;
	s14 =	sor.u32 s11, s12;
	_ =	swait.ge [sflag:s25], $0x800  }
0x52: {  	p1 =	seq.s32 s14, $0x0;
	s14 =	simm.s32 $0x1D80;
	[sflag:s25] =	ssyncset.done $0x0  }
.LBB2_3:
0x53: {  	s28 =	simm.s32 @!p1 $0x7  }
0x54: {  	[sflag:s25] =	ssyncadd.s32 $0xFFFFF800;
	s29 =	smov.u32 s10;
	s10 =	sadd.s32 $0x800, s10  }
0x55: {  	[spmem:s2] =	stream.indirect.scatter.add.f32 [tilespmem:s20], [sflag:$0x8], $0x10, s14, s15, $0xb8;
	[tilespmem:$0x1DF00] =	vst v63  }
0x56: {  	p0 =	sne.s32 s10, $0x6800;
	_ =	swait.ge @!p1 [sflag:s28], $0x800  }
0x57: {  	s14 =	sshra.s32 s8, $0x2;
	s8 =	smov.u32 s29;
	[sflag:s28] =	ssyncset.done @!p1 $0x0  }
0x58: {  	[sflag:s28] =	ssyncadd.s32 @!p1 $0xFFFFF800;
	s28 =	sadd.s32 $0x100, s14  }
0x59: {  	[tilespmem:s17], [sflag:$0x3] =	stream.indirect.gather [hbm4b:s4+s15], $0x10, s28, s15, $0xb8;
	[tilespmem:$0x1DF00] =	vst v63  }
0x5a: {  	_ =	swait.ge [sflag:s18], $0x800  }
0x5b: {  	[sflag:s18] =	ssyncset.done $0x0  }
0x5c: {  	s29 =	simm.s32 @!p1 $0x8;
	s28 =	sadd.s32 $0x1C00, s14;
	[sflag:s18] =	ssyncadd.s32 $0xFFFFF800  }
0x5d: {  	[spmem:s2] =	stream.indirect.scatter.add.f32 [tilespmem:s19], [sflag:$0x5], $0x10, s28, s15, $0xb8;
	[tilespmem:$0x1DF00] =	vst v63  }
0x5e: {  	_ =	swait.ge @!p1 [sflag:s29], $0x800  }
0x5f: {  	[sflag:s29] =	ssyncset.done @!p1 $0x0  }
0x60: {  	s28 =	sadd.s32 $0x180, s14;
	[sflag:s29] =	ssyncadd.s32 @!p1 $0xFFFFF800  }
0x61: {  	[tilespmem:s20], [sflag:$0x4] =	stream.indirect.gather [hbm4b:s4+s15], $0x10, s28, s15, $0xb8;
	[tilespmem:$0x1DF00] =	vst v63  }
0x62: {  	_ =	swait.ge [sflag:s21], $0x800  }
0x63: {  	[sflag:s21] =	ssyncset.done $0x0  }
0x64: {  	s28 =	sadd.s32 $0x1C80, s14;
	[sflag:s21] =	ssyncadd.s32 $0xFFFFF800  }
0x65: {  	[spmem:s2] =	stream.indirect.scatter.add.f32 [tilespmem:s16], [sflag:$0x6], $0x10, s28, s15, $0xb8;
	[tilespmem:$0x1DF00] =	vst v63  }
0x66: {  	_ =	swait.ge [sflag:s22], $0x800  }
0x67: {  	[sflag:s22] =	ssyncset.done $0x0  }
0x68: {  	s28 =	sadd.s32 $0x200, s14;
	[sflag:s22] =	ssyncadd.s32 $0xFFFFF800  }
0x69: {  	[tilespmem:s19], [sflag:$0x1] =	stream.indirect.gather [hbm4b:s4+s15], $0x10, s28, s15, $0xb8;
	[tilespmem:$0x1DF00] =	vst v63  }
0x6a: {  	_ =	swait.ge [sflag:s23], $0x800  }
0x6b: {  	[sflag:s23] =	ssyncset.done $0x0  }
0x6c: {  	s28 =	sadd.s32 $0x1D00, s14;
	[sflag:s23] =	ssyncadd.s32 $0xFFFFF800  }
0x6d: {  	[spmem:s2] =	stream.indirect.scatter.add.f32 [tilespmem:s17], [sflag:$0x7], $0x10, s28, s15, $0xb8;
	[tilespmem:$0x1DF00] =	vst v63  }
0x6e: {  	_ =	swait.ge [sflag:s24], $0x800  }
.Ltmp0:
0x6f: {  	[sflag:s24] =	ssyncset.done $0x0;
	(pc) =	sbr.rel @p0 .LBB2_3-.Ltmp0, $4  }
0x70: {  	s12 =	sadd.s32 $0x1, s12;
	s28 =	sadd.s32 $0x280, s14;
	[sflag:s24] =	ssyncadd.s32 $0xFFFFF800  }
0x71: {  	[tilespmem:s16], [sflag:$0x2] =	stream.indirect.gather [hbm4b:s4+s15], $0x10, s28, s15, $0xb8;
	[tilespmem:$0x1DF00] =	vst v63  }
0x72: {  	s28 =	sor.u32 s11, s12;
	_ =	swait.ge [sflag:s25], $0x800  }
0x73: {  	s14 =	sadd.s32 $0x1D80, s14;
	p1 =	seq.s32 s28, $0x0;
	[sflag:s25] =	ssyncset.done $0x0  }
0x74: {  	s10 =	simm.s32 @!p1 $0x7;
	[sflag:s25] =	ssyncadd.s32 $0xFFFFF800  }
0x75: {  	[spmem:s2] =	stream.indirect.scatter.add.f32 [tilespmem:s20], [sflag:$0x8], $0x10, s14, s15, $0xb8;
	[tilespmem:$0x1DF00] =	vst v63  }
0x76: {  	_ =	swait.ge @!p1 [sflag:s10], $0x800  }
0x77: {  	s8 =	sshra.s32 s8, $0x2;
	[sflag:s10] =	ssyncset.done @!p1 $0x0  }
0x78: {  	s28 =	sadd.s32 $0x100, s8;
	[sflag:s10] =	ssyncadd.s32 @!p1 $0xFFFFF800  }
0x79: {  	[tilespmem:s17], [sflag:$0x3] =	stream.indirect.gather [hbm4b:s4+s15], $0x10, s28, s15, $0xb8;
	[tilespmem:$0x1DF00] =	vst v63  }
0x7a: {  	_ =	swait.ge [sflag:s18], $0x800  }
0x7b: {  	[sflag:s18] =	ssyncset.done $0x0  }
0x7c: {  	s12 =	simm.s32 @!p1 $0x8;
	s29 =	sadd.s32 $0x1C00, s8;
	[sflag:s18] =	ssyncadd.s32 $0xFFFFF800  }
0x7d: {  	[spmem:s2] =	stream.indirect.scatter.add.f32 [tilespmem:s19], [sflag:$0x5], $0x10, s29, s15, $0xb8;
	[tilespmem:$0x1DF00] =	vst v63  }
0x7e: {  	_ =	swait.ge @!p1 [sflag:s12], $0x800  }
0x7f: {  	[sflag:s12] =	ssyncset.done @!p1 $0x0  }
0x80: {  	s14 =	sadd.s32 $0x180, s8;
	[sflag:s12] =	ssyncadd.s32 @!p1 $0xFFFFF800  }
0x81: {  	[tilespmem:s20], [sflag:$0x4] =	stream.indirect.gather [hbm4b:s4+s15], $0x10, s14, s15, $0xb8;
	[tilespmem:$0x1DF00] =	vst v63  }
0x82: {  	_ =	swait.ge [sflag:s21], $0x800  }
0x83: {  	[sflag:s21] =	ssyncset.done $0x0  }
0x84: {  	s28 =	sadd.s32 $0x1C80, s8;
	[sflag:s21] =	ssyncadd.s32 $0xFFFFF800  }
0x85: {  	[spmem:s2] =	stream.indirect.scatter.add.f32 [tilespmem:s16], [sflag:$0x6], $0x10, s28, s15, $0xb8;
	[tilespmem:$0x1DF00] =	vst v63  }
0x86: {  	_ =	swait.ge [sflag:s22], $0x800  }
0x87: {  	[sflag:s22] =	ssyncset.done $0x0  }
0x88: {  	s29 =	sadd.s32 $0x200, s8;
	[sflag:s22] =	ssyncadd.s32 $0xFFFFF800  }
0x89: {  	[tilespmem:s19], [sflag:$0x1] =	stream.indirect.gather [hbm4b:s4+s15], $0x10, s29, s15, $0xb8;
	[tilespmem:$0x1DF00] =	vst v63  }
0x8a: {  	_ =	swait.ge [sflag:s23], $0x800  }
0x8b: {  	[sflag:s23] =	ssyncset.done $0x0  }
0x8c: {  	s12 =	sadd.s32 $0x1D00, s8;
	[sflag:s23] =	ssyncadd.s32 $0xFFFFF800  }
0x8d: {  	[spmem:s2] =	stream.indirect.scatter.add.f32 [tilespmem:s17], [sflag:$0x7], $0x10, s12, s15, $0xb8;
	[tilespmem:$0x1DF00] =	vst v63  }
0x8e: {  	_ =	swait.ge [sflag:s24], $0x800  }
0x8f: {  	[sflag:s24] =	ssyncset.done $0x0  }
0x90: {  	s14 =	sadd.s32 $0x280, s8;
	[sflag:s24] =	ssyncadd.s32 $0xFFFFF800  }
0x91: {  	[tilespmem:s16], [sflag:$0x2] =	stream.indirect.gather [hbm4b:s4+s15], $0x10, s14, s15, $0xb8;
	[tilespmem:$0x1DF00] =	vst v63  }
0x92: {  	_ =	swait.ge [sflag:s25], $0x800  }
0x93: {  	[sflag:s25] =	ssyncset.done $0x0  }
0x94: {  	s8 =	sadd.s32 $0x1D80, s8;
	[sflag:s25] =	ssyncadd.s32 $0xFFFFF800  }
0x95: {  	[spmem:s2] =	stream.indirect.scatter.add.f32 [tilespmem:s20], [sflag:$0x8], $0x10, s8, s15, $0xb8;
	[tilespmem:$0x1DF00] =	vst v63  }
0x96: {  	_ =	swait.ge [sflag:s26], $0x800  }
0x97: {  	[sflag:s26] =	ssyncset.done $0x0  }
0x98: {  	s28 =	simm.s32 $0x1B00;
	[sflag:s26] =	ssyncadd.s32 $0xFFFFF800  }
0x99: {  	[tilespmem:s17], [sflag:$0x3] =	stream.indirect.gather [hbm4b:s4+s15], $0x10, s28, s15, $0xb8;
	[tilespmem:$0x1DF00] =	vst v63  }
0x9a: {  	_ =	swait.ge [sflag:s18], $0x800  }
0x9b: {  	[sflag:s18] =	ssyncset.done $0x0  }
0x9c: {  	s29 =	simm.s32 $0x3600;
	[sflag:s18] =	ssyncadd.s32 $0xFFFFF800  }
0x9d: {  	[spmem:s2] =	stream.indirect.scatter.add.f32 [tilespmem:s19], [sflag:$0x5], $0x10, s29, s15, $0xb8;
	[tilespmem:$0x1DF00] =	vst v63  }
0x9e: {  	_ =	swait.ge [sflag:s30], $0x800  }
0x9f: {  	[sflag:s30] =	ssyncset.done $0x0  }
0xa0: {  	[sflag:s30] =	ssyncadd.s32 $0xFFFFF800  }
0xa1: {  	[tilespmem:s20], [sflag:$0x4] =	stream.indirect.gather [hbm4b:s4+s15], $0x10, s31, s15, $0xb8;
	[tilespmem:$0x1DF00] =	vst v63  }
0xa2: {  	_ =	swait.ge [sflag:s21], $0x800  }
0xa3: {  	[sflag:s21] =	ssyncset.done $0x0  }
0xa4: {  	[sflag:s21] =	ssyncadd.s32 $0xFFFFF800  }
0xa5: {  	[spmem:s2] =	stream.indirect.scatter.add.f32 [tilespmem:s16], [sflag:$0x6], $0x10, s0, s15, $0xb8;
	[tilespmem:$0x1DF00] =	vst v63  }
0xa6: {  	_ =	swait.ge [sflag:s23], $0x800  }
0xa7: {  	s11 =	sadd.s32 $0x1, s11;
	[sflag:s23] =	ssyncset.done $0x0  }
0xa8: {  	p0 =	sne.s32 s11, $0xE;
	[sflag:s23] =	ssyncadd.s32 $0xFFFFF800  }
0xa9: {  	[spmem:s2] =	stream.indirect.scatter.add.f32 [tilespmem:s17], [sflag:$0x7], $0x10, s1, s15, $0xb8;
	[tilespmem:$0x1DF00] =	vst v63  }
.Ltmp1:
0xaa: {  	_ = 	snop;
	(pc) =	sbr.rel @p0 .LBB2_2-.Ltmp1, $4  }
0xab: {  	_ =	swait.ge [sflag:s25], $0x800  }
0xac: {  	[sflag:s25] =	ssyncset.done $0x0  }
0xad: {  	[sflag:s25] =	ssyncadd.s32 $0xFFFFF800  }
0xae: {  	[spmem:s2] =	stream.indirect.scatter.add.f32 [tilespmem:s20], [sflag:$0x8], $0x10, s7, s15, $0xb8;
	[tilespmem:$0x1DF00] =	vst v63  }
0xaf: {  	_ =	swait.ge [sflag:s22], $0x800  }
0xb0: {  	[sflag:s22] =	ssyncset.done $0x0  }
0xb1: {  	[sflag:s22] =	ssyncadd.s32 $0xFFFFF800  }
0xb2: {  	_ =	swait.ge [sflag:s24], $0x800  }
0xb3: {  	[sflag:s24] =	ssyncset.done $0x0  }
0xb4: {  	[sflag:s24] =	ssyncadd.s32 $0xFFFFF800  }
0xb5: {  	_ =	swait.ge [sflag:s26], $0x800  }
0xb6: {  	[sflag:s26] =	ssyncset.done $0x0  }
0xb7: {  	[sflag:s26] =	ssyncadd.s32 $0xFFFFF800  }
0xb8: {  	_ =	swait.ge [sflag:s30], $0x800  }
0xb9: {  	[sflag:s30] =	ssyncset.done $0x0  }
0xba: {  	[sflag:s30] =	ssyncadd.s32 $0xFFFFF800  }
0xbb: {  	[bflag:$0x0] =	sbarrier.arrive $0xFFFF  }
0xbc: {  	s10 =	rddreg [dreg:$0x4]  }
0xbd: {  	s8 =	rddreg [dreg:$0x5]  }
0xbe: {  	s11 =	rddreg [dreg:$0x7]  }
0xbf: {  	[hbm:s8], [sflag:s10] =	dma.local [spmem:s11], $0x30E0  }
0xc0: {  	_ =	swait.ge [sflag:s13], $0x30E0  }
0xc1: {  	s12 =	rddreg [dreg:$0x8]  }
0xc2: {  	s29 =	rddreg [dreg:$0x6];
	s12 =	sadd.s32 $0x1, s12  }
0xc3: {  	p0 =	sne.s32 s12, s29  }
.Ltmp2:
0xc4: {  	_ = 	snop;
	(pc) =	sbr.rel @p0 .LBB2_1-.Ltmp2, $3  }
0xc5: {  	_ =	sdelay $0x1  }
0xc6: {  	[sflag:s13] =	ssyncset.done $0x0  }
0xc7: {  	[sflag:s13] =	ssyncadd.s32 $0xFFFFCF20  }
0xc8: {  	_ =	sfence.sel $0x180000  }
0xc9: {  	[bflag:$0x0] =	sbarrier.arrive $0xFFFF  }
0xca: {  	_ =	strace $0x9000004D  }
0xcb: {  	s0 =	stileid.u32;
	[bflag:$0x2] =	sbarrier.arrive $0xFFFF  }
0xcc: {  	p0 =	sne.s32 s0, $0x0;
	s0 =	rddreg [dreg:$0x2]  }
0xcd: {  	s0 =	sadd.s32 @!p0 $0x100000, s0  }
0xce: {  	[sflag:s0] =	ssyncadd.tile.s32 @!p0 $0x1;
	_ =	shalt  }
.Lfunc_end2:
_tile_overlayer_lowered:
.L_overlay_start_2:
0xcf: {  	(tag) =	ssettag $0x2  }
0xd0: {  	s0 =	rddreg [dreg:$0x0];
	s2 =	stileid.u32  }
0xd1: {  	s1 =	rddreg [dreg:$0x1];
	p0 =	sne.s32 s2, $0x0  }
0xd2: {  	s3 =	rddreg [dreg:$0x2];
	[bflag:$0x3] =	sbarrier.arrive $0xFFFF;
	s2 =	simm.s32 @!p0 $0x1C09  }
0xd3: {  	[timem:s3], [sflag:s2] =	dma.local @!p0 [hbm:s0], s1  }
0xd4: {  	s0 =	simm.s32 @!p0 $0x9  }
0xd5: {  	_ =	swait.ge @!p0 [sflag:s0], s1  }
0xd6: {  	s1 =	ssub.s32 @!p0 $0x0, s1;
	[sflag:s0] =	ssyncset.done @!p0 $0x0  }
0xd7: {  	[sflag:s0] =	ssyncadd.s32 @!p0 s1  }
0xd8: {  	[bflag:$0x3] =	sbarrier.arrive $0xFFFF  }
0xd9: {  	_ =	shalt  }

// kernel: kernel.8.cloned.1.call-start
scs
__scs_entry_jumppad:
0x0: {  	(pc) =	sbr.rel $0x88, $3  }
0x1: {  	(tag) =	ssettag $0x0;
	lr =	simm.s32 $0x1  }
0x2: {  	[smem:$0x3F9B] =	sst lr;
	_ =	strace $0xD0000000  }
0x3: {  	_ = 	snop  }
0x4: {  	_ = 	snop  }
0x5: {  	_ = 	snop  }
0x6: {  	_ = 	snop  }
0x7: {  	_ = 	snop  }
__scs_overlays_trampoline_lowered:
0x8: {  	[smem:$0x3FAA] =	sst s0  }
0x9: {  	[smem:$0x3FAB] =	sst s1  }
0xa: {  	[smem:$0x3FAC] =	sst s2  }
0xb: {  	[smem:$0x3FAD] =	sst s3  }
0xc: {  	[smem:$0x3FAE] =	sst s4  }
0xd: {  	[smem:$0x3FAF] =	sst s5  }
0xe: {  	[smem:$0x3FB0] =	sst s6  }
0xf: {  	[smem:$0x3FB1] =	sst s7  }
0x10: {  	[smem:$0x3FB2] =	sst s8  }
0x11: {  	[smem:$0x3FB3] =	sst s9;
	s0 =	simm.s32 @!p0 $0x0  }
0x12: {  	s1 =	sld [smem:$0x3F99];
	s0 =	simm.s32 @p0 $0x1  }
0x13: {  	[smem:$0x3FB4] =	sst s0;
	s0 =	simm.s32 @!p1 $0x0  }
0x14: {  	s2 =	sld [smem:$0x3F98];
	s0 =	simm.s32 @p1 $0x1  }
0x15: {  	[smem:$0x3FB5] =	sst s0;
	s0 =	simm.s32 @!p2 $0x0  }
0x16: {  	s3 =	sld [smem:$0x3FDB];
	s0 =	simm.s32 @p2 $0x1  }
0x17: {  	s4 =	simm.s32 $0x1BF5;
	[smem:$0x3FB7] =	sst s0  }
0x18: {  	s0 =	sld [smem:$0x3F9A];
	_ =	swait.ge [sflag:s4], $0x0  }
0x19: {  	s7 =	sld [smem:$0x3F9B]  }
0x1a: {  	s8 =	sadd.s32 $0xFFFFE003, lr  }
0x1b: {  	s9 =	sadd.s32 $0xFFFFFEF7, lr;
	s5 =	simm.s32 $0xFFFFFFFF;
	p2 =	slt.u32 s8, $0xFFFFF086  }
0x1c: {  	p1 =	slt.u32 s9, $0xF7A;
	s5 =	simm.s32 @!p2 $0x0  }
0x1d: {  	s5 =	simm.s32 @p1 $0x1;
	p0 =	seq.s32 s7, s2  }
0x1e: {  	s7 =	smul.u32 @!p0 $0xF7A, s2;
	p2 =	seq.s32 @!p0 s5, $0x0  }
0x1f: {  	s9 =	smul.u32 $0xF7A, s1;
	s8 =	simm.s32 @!p0 $0x1BF5;
	p2 =	por !p2, p0  }
0x20: {  	[sflag:s8] =	ssyncset.s32 @!p0 $0xFFFFF086;
	s6 =	sadd.s32 @!p0 s3, s7;
	s7 =	simm.s32 @!p0 $0x108  }
0x21: {  	s3 =	sadd.s32 s3, s9;
	s6 =	sadd.s32 @!p0 $0x88, s6;
	s7 =	simm.s32 @p2 $0x1082  }
0x22: {  	[simem:s7], [sflag:s8] =	dma.local @!p0 [hbm:s6], $0xF7A  }
0x23: {  	s9 =	sor.u32 $0xD0000000, s2;
	s6 =	simm.s32 $0x108;
	_ =	swait.ge @!p0 [sflag:s8], $0x0  }
0x24: {  	s3 =	sadd.s32 $0x88, s3;
	s6 =	simm.s32 @!p1 $0x1082;
	[sflag:s4] =	ssyncset.s32 $0xFFFFF086  }
0x25: {  	[simem:s6], [sflag:s4] =	dma.local [hbm:s3], $0xF7A  }
0x26: {  	[smem:$0x3F9B] =	sst s1;
	(tag) =	ssettag s2;
	_ =	strace s9  }
0x27: {  	s1 =	sld [smem:$0x3FAB]  }
0x28: {  	s2 =	sld [smem:$0x3FAC]  }
0x29: {  	s4 =	sld [smem:$0x3FAE]  }
0x2a: {  	p0 =	seq.s32 s5, $0x0;
	s5 =	sld [smem:$0x3FAF]  }
0x2b: {  	s6 =	sld [smem:$0x3FB0]  }
0x2c: {  	s7 =	sld [smem:$0x3FB1]  }
0x2d: {  	s3 =	simm.s32 $0x108;
	s8 =	sld [smem:$0x3FB2]  }
0x2e: {  	s3 =	simm.s32 @!p0 $0x1082;
	s9 =	sld [smem:$0x3FB3]  }
0x2f: {  	lr =	sadd.s32 s0, s3;
	s0 =	sld [smem:$0x3FAA]  }
0x30: {  	s3 =	sld [smem:$0x3FAD]  }
0x31: {  	[smem:$0x3FB6] =	sst s10  }
0x32: {  	s10 =	sld [smem:$0x3FB4];
	_ =	sdelay $0x3  }
0x33: {  	p0 =	seq.s32 s10, $0x1;
	s10 =	sld [smem:$0x3FB6];
	_ =	sdelay $0x3  }
0x34: {  	[smem:$0x3FB6] =	sst s10  }
0x35: {  	s10 =	sld [smem:$0x3FB5];
	_ =	sdelay $0x3  }
0x36: {  	p1 =	seq.s32 s10, $0x1;
	s10 =	sld [smem:$0x3FB6];
	_ =	sdelay $0x3  }
0x37: {  	[smem:$0x3FB6] =	sst s10  }
0x38: {  	s10 =	sld [smem:$0x3FB7]  }
0x39: {  	_ = 	snop;
	(pc) =	sbr.ind lr, $3  }
0x3a: {  	_ = 	snop  }
0x3b: {  	_ = 	snop  }
0x3c: {  	p2 =	seq.s32 s10, $0x1;
	s10 =	sld [smem:$0x3FB6]  }
0x3d: {  	_ =	shalt  }
0x3e: {  	_ =	shalt  }
0x3f: {  	_ =	shalt  }
0x40: {  	_ =	shalt  }
0x41: {  	_ =	shalt  }
0x42: {  	_ =	shalt  }
0x43: {  	_ =	shalt  }
0x44: {  	_ =	shalt  }
0x45: {  	_ =	shalt  }
0x46: {  	_ =	shalt  }
0x47: {  	_ =	shalt  }
0x48: {  	_ =	shalt  }
0x49: {  	_ =	shalt  }
0x4a: {  	_ =	shalt  }
0x4b: {  	_ =	shalt  }
0x4c: {  	_ =	shalt  }
0x4d: {  	_ =	shalt  }
0x4e: {  	_ =	shalt  }
0x4f: {  	_ =	shalt  }
0x50: {  	_ =	shalt  }
0x51: {  	_ =	shalt  }
0x52: {  	_ =	shalt  }
0x53: {  	_ =	shalt  }
0x54: {  	_ =	shalt  }
0x55: {  	_ =	shalt  }
0x56: {  	_ =	shalt  }
0x57: {  	_ =	shalt  }
0x58: {  	_ =	shalt  }
0x59: {  	_ =	shalt  }
0x5a: {  	_ =	shalt  }
0x5b: {  	_ =	shalt  }
0x5c: {  	_ =	shalt  }
0x5d: {  	_ =	shalt  }
0x5e: {  	_ =	shalt  }
0x5f: {  	_ =	shalt  }
0x60: {  	_ =	shalt  }
0x61: {  	_ =	shalt  }
0x62: {  	_ =	shalt  }
0x63: {  	_ =	shalt  }
0x64: {  	_ =	shalt  }
0x65: {  	_ =	shalt  }
0x66: {  	_ =	shalt  }
0x67: {  	_ =	shalt  }
0x68: {  	_ =	shalt  }
0x69: {  	_ =	shalt  }
0x6a: {  	_ =	shalt  }
0x6b: {  	_ =	shalt  }
0x6c: {  	_ =	shalt  }
0x6d: {  	_ =	shalt  }
0x6e: {  	_ =	shalt  }
0x6f: {  	_ =	shalt  }
0x70: {  	_ =	shalt  }
0x71: {  	_ =	shalt  }
0x72: {  	_ =	shalt  }
0x73: {  	_ =	shalt  }
0x74: {  	_ =	shalt  }
0x75: {  	_ =	shalt  }
0x76: {  	_ =	shalt  }
0x77: {  	_ =	shalt  }
0x78: {  	_ =	shalt  }
0x79: {  	_ =	shalt  }
0x7a: {  	_ =	shalt  }
0x7b: {  	_ =	shalt  }
0x7c: {  	_ =	shalt  }
0x7d: {  	_ =	shalt  }
0x7e: {  	_ =	shalt  }
0x7f: {  	_ =	shalt  }
0x80: {  	_ =	shalt  }
0x81: {  	_ =	shalt  }
0x82: {  	_ =	shalt  }
0x83: {  	_ =	shalt  }
0x84: {  	_ =	shalt  }
0x85: {  	_ =	shalt  }
0x86: {  	_ =	shalt  }
0x87: {  	_ =	shalt  }
.Lfunc_end0:
.L_simem_size_0:
called_computation_lowered:
.L_overlay_start_0:
0x88: {  	s2 =	sld [smem:$0x3FD9]  }
0x89: {  	s3 =	sld [smem:$0x3FFE];
	_ =	sdelay $0x1  }
0x8a: {  	s1 =	srdreg.scid  }
0x8b: {  	s0 =	sand.u32 $0x1, s1  }
0x8c: {  	s17 =	sshll.u32 s0, $0xA;
	s2 =	sadd.s32 s3, s2  }
0x8d: {  	s2 =	sadd.s32 s2, s17  }
0x8e: {  	[smem:$0x3FC2] =	sst s2  }
0x8f: {  	_ = 	snop  }
0x90: {  	s2 =	sld [smem:$0x3FD0];
	(tm) =	ssettm $0x1  }
0x91: {  	s18 =	sld [smem:$0x3FFB];
	_ =	sdelay $0x3  }
0x92: {  	_ =	strace s18  }
0x93: {  	s3 =	sld [smem:$0x3FFC];
	_ =	sdelay $0x3  }
0x94: {  	_ =	strace s3  }
0x95: {  	s3 =	sld [smem:$0x3FFD];
	_ =	sdelay $0x3  }
0x96: {  	_ =	strace s3  }
0x97: {  	_ =	strace $0x8FFFFFFF  }
0x98: {  	s19 =	sld [smem:$0x3FDB];
	_ =	sdelay $0x1  }
0x99: {  	s4 =	simm.s32 $_scs_section_size  }
0x9a: {  	s5 =	simm.s32 $_size__tile_overlayer_lowered;
	s6 =	simm.s32 $_tile_overlayer_lowered  }
0x9b: {  	s22 =	simm.s32 $0x1BFF;
	s21 =	sshll.u32 s6, $0x1;
	s3 =	sadd.s32 s4, s19  }
0x9c: {  	s7 =	simm.s32 $0x0;
	s20 =	sshll.u32 s5, $0x1;
	s5 =	sadd.s32 s21, s3  }
0x9d: {  	[timem:s7], [sflag:s22] =	dma.local [hbm:s5], s20  }
0x9e: {  	_ =	swait.ge [sflag:s22], s20  }
0x9f: {  	s4 =	ssub.s32 $0x0, s20;
	[sflag:s22] =	ssyncset.done $0x0  }
0xa0: {  	[sflag:s22] =	ssyncadd.s32 s4;
	_ =	sdelay $0x1  }
0xa1: {  	s23 =	simm.s32 $0x1B8B  }
0xa2: {  	_ =	swait.ge [sflag:s23], $0x1  }
0xa3: {  	[sflag:s23] =	ssyncset.done $0x0  }
0xa4: {  	s25 =	simm.s32 $0x1B8E;
	s24 =	sld [smem:$0x3FFE];
	[sflag:s23] =	ssyncadd.s32 $0xFFFFFFFF  }
0xa5: {  	s26 =	simm.s32 $execute0_lowered;
	[smem:$0x3FD2] =	sst s25  }
0xa6: {  	s5 =	sshll.u32 s26, $0x1;
	_ =	strace $0x80000046;
	[dreg:$0x1] =	wrdreg $0xFFFFFFFF  }
0xa7: {  	s28 =	simm.s32 $_size_execute0_lowered;
	s3 =	sadd.s32 s3, s5;
	[dreg:$0x0] =	wrdreg $0x0  }
0xa8: {  	s5 =	sshll.u32 s28, $0x1;
	[dreg:$0x2] =	wrdreg s3  }
0xa9: {  	[dreg:$0x3] =	wrdreg s5  }
0xaa: {  	[dreg:$0x4] =	wrdreg $0xC0  }
0xab: {  	_ =	task [dreg:s7], $0x5FFFF  }
0xac: {  	[dreg:$0x1] =	wrdreg $0xFFFFFFFF  }
0xad: {  	[dreg:$0x0] =	wrdreg $0x60  }
0xae: {  	[dreg:$0x2] =	wrdreg s24  }
0xaf: {  	[dreg:$0x3] =	wrdreg s2  }
0xb0: {  	[dreg:$0x4] =	wrdreg $0x40000  }
0xb1: {  	[dreg:$0x5] =	wrdreg $0x9  }
0xb2: {  	_ =	task.clear_ibuf [dreg:s7], $0x6FFFF;
	_ =	strace $0x90000046  }
0xb3: {  	s29 =	simm.s32 $0x9;
	_ =	strace $0x80000048  }
0xb4: {  	_ =	swait.ge [sflag:s29], $0x1  }
0xb5: {  	[sflag:s29] =	ssyncadd.s32 $0xFFFFFFFF  }
0xb6: {  	_ =	strace $0x90000048  }
0xb7: {  	_ =	sfence  }
0xb8: {  	s30 =	sld [smem:$0x0];
	_ =	sdelay $0x2  }
0xb9: {  	s31 =	sshll.u32 s1, $0xD;
	s1 =	sshrl.u32 s1, $0x2  }
0xba: {  	s3 =	sand.u32 $0x4000, s31;
	s1 =	sadd.s32 s1, s30  }
0xbb: {  	s0 =	sor.u32 s3, s0;
	s1 =	sshll.u32 s1, $0x11  }
0xbc: {  	s0 =	sor.u32 s1, s0  }
0xbd: {  	s0 =	sadd.s32 $0x8F2B, s0  }
0xbe: {  	[sflag:s0] =	ssyncadd.remote.s32 $0x1  }
0xbf: {  	_ =	sfence.sel $0xFFFF  }
0xc0: {  	[dreg:$0x0] =	wrdreg $0xFFFFFFFF;
	(pc) =	sbr.abs _section_cstart, $3  }
0xc1: {  	[dreg:$0x1] =	wrdreg $0xFFFFFFFF  }
0xc2: {  	_ =	task.clear_ibuf [dreg:s7], $0x2FFFF;
	_ =	strace $0x9FFFFFFF  }
0xc3: {  	(tm) =	ssettm $0x7FFFFFFF  }
tec
execute0_lowered:
.L_overlay_start_1:
0x0: {  	(tag) =	ssettag $0x1  }
0x1: {  	s6 =	rddreg [dreg:$0x0]  }
0x2: {  	s2 =	rddreg [dreg:$0x1]  }
0x3: {  	s3 =	rddreg [dreg:$0x2]  }
0x4: {  	s0 =	rddreg [dreg:$0x3]  }
0x5: {  	s1 =	stileid.u32;
	s5 =	srdreg.scid  }
0x6: {  	s4 =	simm.s32 $0x0;
	s13 =	simm.s32 $0x3800;
	s14 =	simm.s32 $0x80  }
0x7: {  	s15 =	simm.s32 $0x1;
	s16 =	simm.s32 $0x0;
	s7 =	smul.u32 $0x18700, s1  }
0x8: {  	s8 =	sand.u32 $0x1, s5;
	[smem:$0x7FF] =	sst s4;
	s5 =	sadd.s32 $0x2800, s6  }
0x9: {  	s31 =	sshll.u32 s1, $0x6;
	s9 =	smul.u32 $0x187000, s8;
	_ =	strace $0x80000047  }
0xa: {  	s10 =	ssub.s32 $0x2, s8;
	s30 =	sshll.u32 s8, $0x4;
	s11 =	sshrl.u32 s7, $0x3  }
0xb: {  	s12 =	sshrl.u32 s10, $0x1;
	s29 =	sadd.s32 s7, s3;
	s8 =	sor.u32 s1, s30  }
0xc: {  	s9 =	sadd.s32 s7, s9;
	s11 =	sadd.s32 s11, s6;
	s10 =	ssub.s32 s10, s12  }
0xd: {  	s7 =	sor.u32 $0x1C02, s31;
	s8 =	smul.u32 $0x310, s8;
	s9 =	sshrl.u32 s9, $0x3  }
0xe: {  	s12 =	simm.s32 $0x2;
	s10 =	smax.u32 s10, $0x1;
	s9 =	sadd.s32 s9, s6  }
0xf: {  	s6 =	sadd.s32 $0x64800, s11;
	s11 =	sshrl.u32 s29, $0x3;
	s9 =	sadd.s32 $0x95600, s9  }
.LBB2_1:
0x10: {  	[spmem:s11], [sflag:s7] =	dma.local [hbm:s6], $0x30E0  }
0x11: {  	_ =	swait.ge [sflag:s12], $0x30E0  }
0x12: {  	[sflag:s12] =	ssyncset.done $0x0  }
0x13: {  	[sflag:s12] =	ssyncadd.s32 $0xFFFFCF20  }
0x14: {  	[tilespmem:s13], [sflag:$0x2] =	stream.linear.gather [hbm4b:s2+s4], $0x800, $0x38;
	[tilespmem:$0x1C700] =	vst v63  }
0x15: {  	_ =	swait.ge [sflag:s12], $0x800  }
0x16: {  	[sflag:s12] =	ssyncset.done $0x0  }
0x17: {  	[sflag:s12] =	ssyncadd.s32 $0xFFFFF800  }
0x18: {  	s17 =	simm.s32 $0x0;
	[bflag:$0x0] =	sbarrier.arrive $0xFFFF  }
.LBB2_2:
0x19: {  	s18 =	smul.u32 $0x70, s17;
	_ =	sdelay $0x1  }
0x1a: {  	s18 =	sadd.s32 s8, s18  }
0x1b: {  	s18 =	sshll.u32 s18, $0x4  }
0x1c: {  	s19 =	sadd.s32 s5, s18;
	s18 =	simm.s32 $0x0  }
0x1d: {  	[tilespmem:s18], [sflag:$0x2] =	stream.linear.gather [hbm4b:s19+s18], $0x3800, $0x38;
	[tilespmem:$0x1C700] =	vst v63  }
0x1e: {  	_ =	swait.ge [sflag:s12], $0x3800  }
0x1f: {  	[sflag:s12] =	ssyncset.done $0x0  }
0x20: {  	[sflag:s12] =	ssyncadd.s32 $0xFFFFC800  }
.LBB2_3:
0x21: {  	p0 =	sne.s32 s18, $0xDE00  }
.Ltmp0:
0x22: {  	_ = 	snop;
	(pc) =	sbr.rel @p0 .LBB2_3-.Ltmp0, $3  }
0x23: {  	_ =	sdelay $0x1  }
0x24: {  	s19 =	sshra.s32 s18, $0x2;
	s18 =	sadd.s32 $0x200, s18  }
0x25: {  	[spmem:s3] =	stream.indirect.scatter.add.f32 [tilespmem:s13], [sflag:$0x1], $0x10, s19, s14, $0xb8;
	[tilespmem:$0x1C700] =	vst v63  }
0x26: {  	_ =	swait.ge [sflag:s15], $0x800  }
0x27: {  	s18 =	simm.s32 $0x6F;
	[sflag:s15] =	ssyncset.done $0x0  }
.LBB2_5:
0x28: {  	p0 =	sne.s32 s18, $0x1;
	s18 =	sadd.s32 $0xFFFFFFFF, s18;
	[sflag:s15] =	ssyncadd.s32 $0xFFFFF800  }
.Ltmp1:
0x29: {  	(pc) =	sbr.rel @p0 .LBB2_5-.Ltmp1, $3  }
0x2a: {  	_ =	sdelay $0x1  }
0x2b: {  	_ =	swait.ge [sflag:s15], $0x800  }
0x2c: {  	[sflag:s15] =	ssyncset.done $0x0  }
0x2d: {  	s17 =	sadd.s32 $0x1, s17  }
0x2e: {  	p0 =	sne.s32 s17, $0x7  }
.Ltmp2:
0x2f: {  	_ = 	snop;
	(pc) =	sbr.rel @p0 .LBB2_2-.Ltmp2, $2  }
0x30: {  	_ =	sdelay $0x2  }
0x31: {  	[sflag:s15] =	ssyncadd.s32 $0xFFFFF800  }
0x32: {  	s16 =	sadd.s32 $0x1, s16  }
0x33: {  	p0 =	sne.s32 s16, s10  }
.Ltmp3:
0x34: {  	[bflag:$0x0] =	sbarrier.arrive $0xFFFF;
	(pc) =	sbr.rel @p0 .LBB2_1-.Ltmp3, $4  }
0x35: {  	[hbm:s9], [sflag:s7] =	dma.local [spmem:s11], $0x30E0  }
0x36: {  	_ =	swait.ge [sflag:s12], $0x30E0  }
0x37: {  	[sflag:s12] =	ssyncset.done $0x0  }
0x38: {  	[sflag:s12] =	ssyncadd.s32 $0xFFFFCF20  }
0x39: {  	_ =	sfence.sel $0x180000  }
0x3a: {  	[bflag:$0x0] =	sbarrier.arrive $0xFFFF  }
0x3b: {  	p0 =	sne.s32 s1, $0x0;
	_ =	strace $0x90000047  }
0x3c: {  	s0 =	sadd.s32 @!p0 $0x100000, s0;
	[bflag:$0x2] =	sbarrier.arrive $0xFFFF  }
0x3d: {  	[sflag:s0] =	ssyncadd.tile.s32 @!p0 $0x1;
	_ =	shalt  }
.Lfunc_end2:
_tile_overlayer_lowered:
.L_overlay_start_2:
0x3e: {  	(tag) =	ssettag $0x2  }
0x3f: {  	s0 =	rddreg [dreg:$0x0];
	s2 =	stileid.u32  }
0x40: {  	s1 =	rddreg [dreg:$0x1];
	p0 =	sne.s32 s2, $0x0  }
0x41: {  	s3 =	rddreg [dreg:$0x2];
	[bflag:$0x3] =	sbarrier.arrive $0xFFFF;
	s2 =	simm.s32 @!p0 $0x1C02  }
0x42: {  	[timem:s3], [sflag:s2] =	dma.local @!p0 [hbm:s0], s1  }
0x43: {  	s0 =	simm.s32 @!p0 $0x2  }
0x44: {  	_ =	swait.ge @!p0 [sflag:s0], s1  }
0x45: {  	s1 =	ssub.s32 @!p0 $0x0, s1;
	[sflag:s0] =	ssyncset.done @!p0 $0x0  }
0x46: {  	[sflag:s0] =	ssyncadd.s32 @!p0 s1  }
0x47: {  	[bflag:$0x3] =	sbarrier.arrive $0xFFFF  }
0x48: {  	_ =	shalt  }

</sc_bundles>
